<compile_context>
chip_gen: v7x
topology: tpu7x:2x2x1
jax: 0.10.2.dev20260603
libtpu: 0.0.44.dev20260713+nightly
codegen_flags: <defaults>
</compile_context>

<pallas_src>
import functools

import jax
import jax.numpy as jnp
from jax import lax
from jax.experimental import pallas as pl
from jax.experimental.pallas import tpu as pltpu
from jax.experimental.pallas import tpu_sc as plsc

NUM_NODES = 10000
NUM_EDGES = 320000
DIM = 128
NCORES = 2
NSUB = 16
NWORK = NCORES * NSUB
CHUNK = 128
TOT_CHUNKS = NUM_EDGES // CHUNK
BASE_CHUNKS = TOT_CHUNKS // NWORK
EXTRA = TOT_CHUNKS - BASE_CHUNKS * NWORK
PAD_NODES = 10240
ROWS_PER_SUB = PAD_NODES // NSUB


def _agg_body(with_deg, *refs):
    if with_deg:
        (h_hbm, ei_hbm,
         acc_out, deg_out,
         eidx0, eidx1, rows0, rows1, acc_sh, g0, g1) = refs
    else:
        (h_hbm, ei_hbm,
         acc_out,
         eidx0, eidx1, rows0, rows1, acc_sh, g0, g1) = refs

    cid = lax.axis_index("c")
    sid = lax.axis_index("s")
    wid = cid * NSUB + sid
    cstart = wid * BASE_CHUNKS + jnp.minimum(wid, EXTRA)
    nch = BASE_CHUNKS + jnp.where(wid < EXTRA, 1, 0)
    rbase = sid * ROWS_PER_SUB
    rslice = pl.ds(rbase, ROWS_PER_SUB)

    def fill_rows0(value):
        @pl.loop(0, CHUNK)
        def _(r):
            for c in range(DIM // 16):
                rows0[r, pl.ds(c * 16, 16)] = jnp.full((16,), value,
                                                       jnp.float32)

    fill_rows0(0.0)
    for p in range(ROWS_PER_SUB // CHUNK):
        pltpu.sync_copy(rows0, acc_sh.at[pl.ds(rbase + p * CHUNK, CHUNK)])
    plsc.subcore_barrier()

    def load_idx(c, eref):
        pltpu.sync_copy(ei_hbm.at[:, pl.ds((cstart + c) * CHUNK, CHUNK)], eref)

    def load_idx_async(c, eref, sem):
        pltpu.async_copy(ei_hbm.at[:, pl.ds((cstart + c) * CHUNK, CHUNK)],
                         eref, sem)

    def load_wait(eref, sem):
        pltpu.make_async_copy(ei_hbm.at[:, pl.ds(0, CHUNK)], eref, sem).wait()

    def gather(eref, rows, sem):
        pltpu.async_copy(h_hbm.at[eref.at[0]], rows, sem)

    def gather_wait(eref, rows, sem):
        pltpu.make_async_copy(h_hbm.at[eref.at[0]], rows, sem).wait()

    def scat(rows, eref):
        pltpu.sync_copy(rows, acc_sh.at[eref.at[1]], add=True)

    load_idx(0, eidx0)
    gather(eidx0, rows0, g0)

    @pl.loop(0, nch - 1, step=2)
    def _(i):
        load_idx(i + 1, eidx1)
        gather(eidx1, rows1, g1)
        gather_wait(eidx0, rows0, g0)
        scat(rows0, eidx0)

        @pl.when(i + 2 < nch)
        def _():
            load_idx(i + 2, eidx0)
            gather(eidx0, rows0, g0)

        gather_wait(eidx1, rows1, g1)
        scat(rows1, eidx1)

    @pl.when(nch % 2 == 1)
    def _():
        gather_wait(eidx0, rows0, g0)
        scat(rows0, eidx0)

    plsc.subcore_barrier()
    pltpu.sync_copy(acc_sh.at[rslice], acc_out.at[cid, rslice])

    if with_deg:
        @pl.loop(0, CHUNK)
        def _(r):
            for c in range(DIM // 16):
                rows1[r, pl.ds(c * 16, 16)] = jnp.zeros((16,), jnp.float32)

        for p in range(ROWS_PER_SUB // CHUNK):
            pltpu.sync_copy(rows1, acc_sh.at[pl.ds(rbase + p * CHUNK, CHUNK)])
        fill_rows0(1.0)
        load_idx_async(0, eidx0, g0)
        plsc.subcore_barrier()

        @pl.loop(0, nch - 1, step=2)
        def _(i):
            load_idx_async(i + 1, eidx1, g1)
            load_wait(eidx0, g0)
            pltpu.sync_copy(rows0, acc_sh.at[eidx0.at[1]], add=True)

            @pl.when(i + 2 < nch)
            def _():
                load_idx_async(i + 2, eidx0, g0)

            load_wait(eidx1, g1)
            pltpu.sync_copy(rows0, acc_sh.at[eidx1.at[1]], add=True)

        @pl.when(nch % 2 == 1)
        def _():
            load_wait(eidx0, g0)
            pltpu.sync_copy(rows0, acc_sh.at[eidx0.at[1]], add=True)

        plsc.subcore_barrier()
        pltpu.sync_copy(acc_sh.at[rslice], deg_out.at[cid, rslice])


def _make_agg(with_deg):
    mesh = plsc.VectorSubcoreMesh(core_axis_name="c", subcore_axis_name="s")
    out_type = [jax.ShapeDtypeStruct((NCORES, PAD_NODES, DIM), jnp.float32)]
    scratch = [
        pltpu.VMEM((2, CHUNK), jnp.int32),
        pltpu.VMEM((2, CHUNK), jnp.int32),
        pltpu.VMEM((CHUNK, DIM), jnp.float32),
        pltpu.VMEM((CHUNK, DIM), jnp.float32),
        pltpu.VMEM_SHARED((PAD_NODES, DIM), jnp.float32),
        pltpu.SemaphoreType.DMA,
        pltpu.SemaphoreType.DMA,
    ]
    if with_deg:
        out_type.append(jax.ShapeDtypeStruct((NCORES, PAD_NODES, DIM),
                                             jnp.float32))
    return pl.kernel(functools.partial(_agg_body, with_deg),
                     out_type=out_type, mesh=mesh, scratch_types=scratch)


_agg_with_deg = _make_agg(True)
_agg_no_deg = _make_agg(False)

BN = 1000


def _self_body(h_ref, ws_ref, b_ref, o_ref):
    o_ref[...] = jnp.dot(h_ref[...], ws_ref[...],
                         preferred_element_type=jnp.float32,
                         precision=lax.Precision.HIGHEST) + b_ref[...]


def _self_dense(h, w_self, b):
    grid = (NUM_NODES // BN,)
    row_spec = pl.BlockSpec((BN, DIM), lambda i: (i, 0))
    w_spec = pl.BlockSpec((DIM, DIM), lambda i: (0, 0))
    b_spec = pl.BlockSpec((1, DIM), lambda i: (0, 0))
    return pl.pallas_call(
        _self_body,
        grid=grid,
        in_specs=[row_spec, w_spec, b_spec],
        out_specs=row_spec,
        out_shape=jax.ShapeDtypeStruct((NUM_NODES, DIM), jnp.float32),
    )(h, w_self, b.reshape(1, DIM))


def _rest_body(apply_relu, s_ref, a0_ref, a1_ref, d0_ref, d1_ref,
               wn_ref, o_ref):
    deg = jnp.maximum(d0_ref[0, :, 0:1] + d1_ref[0, :, 0:1], 1.0)
    agg = (a0_ref[0] + a1_ref[0]) / deg
    out = s_ref[...] + jnp.dot(agg, wn_ref[...],
                               preferred_element_type=jnp.float32,
                               precision=lax.Precision.HIGHEST)
    if apply_relu:
        out = jnp.maximum(out, 0.0)
    o_ref[...] = out


def _rest_dense(selfpart, acc, deg, w_neigh, apply_relu):
    grid = (NUM_NODES // BN,)
    row_spec = pl.BlockSpec((BN, DIM), lambda i: (i, 0))
    part0_spec = pl.BlockSpec((1, BN, DIM), lambda i: (0, i, 0))
    part1_spec = pl.BlockSpec((1, BN, DIM), lambda i: (1, i, 0))
    w_spec = pl.BlockSpec((DIM, DIM), lambda i: (0, 0))
    return pl.pallas_call(
        functools.partial(_rest_body, apply_relu),
        grid=grid,
        in_specs=[row_spec, part0_spec, part1_spec, part0_spec, part1_spec,
                  w_spec],
        out_specs=row_spec,
        out_shape=jax.ShapeDtypeStruct((NUM_NODES, DIM), jnp.float32),
    )(selfpart, acc, acc, deg, deg, w_neigh)


def kernel(x, edge_index, W_self1, W_neigh1, b1, W_self2, W_neigh2, b2):
    self1 = _self_dense(x, W_self1, b1)
    acc1, deg = _agg_with_deg(x, edge_index)
    h1 = _rest_dense(self1, acc1, deg, W_neigh1, apply_relu=True)
    self2 = _self_dense(h1, W_self2, b2)
    (acc2,) = _agg_no_deg(h1, edge_index)
    h2 = _rest_dense(self2, acc2, deg, W_neigh2, apply_relu=False)
    return h2

# --- scband reference (transcript-rebuilt; emitter-appended) ---
"""Pipeline reference for scband-dglsage-67130338837023 (READ-ONLY COPY).

The authoritative reference and input builder live on the scoring server;
editing this copy changes nothing except your own understanding.
"""

import jax, jax.numpy as jnp
import numpy as np

N = 10000
E = 320000
D = 128


def setup_inputs(seed: int = 0) -> dict:
    key = jax.random.key(seed)
    ks = jax.random.split(key, 9)
    x = jax.random.normal(ks[0], (N, D), dtype=jnp.float32)
    edge_index = jax.random.randint(ks[1], (2, E), 0, N, dtype=jnp.int32)
    s = 1.0 / np.sqrt(D)
    W_self1 = jax.random.uniform(ks[2], (D, D), jnp.float32, -s, s)
    W_neigh1 = jax.random.uniform(ks[3], (D, D), jnp.float32, -s, s)
    b1 = jnp.zeros((D,), jnp.float32)
    W_self2 = jax.random.uniform(ks[4], (D, D), jnp.float32, -s, s)
    W_neigh2 = jax.random.uniform(ks[5], (D, D), jnp.float32, -s, s)
    b2 = jnp.zeros((D,), jnp.float32)
    return {"x": x, "edge_index": edge_index,
            "W_self1": W_self1, "W_neigh1": W_neigh1, "b1": b1,
            "W_self2": W_self2, "W_neigh2": W_neigh2, "b2": b2}


def _sage_layer(h, src, dst, W_self, W_neigh, b):
    # DGL SAGEConv with 'mean' aggregator: fc_self(h_dst) + fc_neigh(mean_{u in N(v)} h_u) + bias
    msg = jnp.take(h, src, axis=0)
    agg = jax.ops.segment_sum(msg, dst, num_segments=N)
    deg = jax.ops.segment_sum(jnp.ones((msg.shape[0], 1), jnp.float32), dst, num_segments=N)
    agg = agg / jnp.maximum(deg, 1.0)
    return h @ W_self + agg @ W_neigh + b


def reference(x, edge_index, W_self1, W_neigh1, b1, W_self2, W_neigh2, b2):
    src = edge_index[0]
    dst = edge_index[1]
    h = _sage_layer(x, src, dst, W_self1, W_neigh1, b1)
    h = jax.nn.relu(h)  # dropout is identity in eval mode
    h = _sage_layer(h, src, dst, W_self2, W_neigh2, b2)
    return h

if __name__ == "__main__":
    import jax
    _d = setup_inputs()
    print(jax.jit(kernel)(*tuple(_d.values())))

</pallas_src>

<mosaic_0001>
#map = affine_map<(d0, d1) -> (0, 0)>
#map1 = affine_map<(d0, d1) -> (0, 0, 0)>
module attributes {stable_mosaic.version = 14 : i64} {
  func.func @_agg_body(%arg0: i32, %arg1: i32, %arg2: memref<10000x128xf32, #tpu.memory_space<hbm>>, %arg3: memref<2x320000xi32, #tpu.memory_space<hbm>>, %arg4: memref<2x10240x128xf32, #tpu.memory_space<hbm>>, %arg5: memref<2x128xi32, #tpu.memory_space<vmem>>, %arg6: memref<2x128xi32, #tpu.memory_space<vmem>>, %arg7: memref<128x128xf32, #tpu.memory_space<vmem>>, %arg8: memref<128x128xf32, #tpu.memory_space<vmem>>, %arg9: memref<10240x128xf32, #tpu.memory_space<vmem_shared>>, %arg10: memref<!tpu.dma_semaphore, #tpu.memory_space<semaphore_mem>>, %arg11: memref<!tpu.dma_semaphore, #tpu.memory_space<semaphore_mem>>) attributes {dimension_semantics = [#tpu.dimension_semantics<core_parallel>, #tpu.dimension_semantics<subcore_parallel>], iteration_bounds = array<i64: 2, 16>, scalar_prefetch = 0 : i64, scratch_operands = 7 : i64, tpu.core_type = #tpu.core_type<sc_vector_subcore>, window_params = [{transform_indices = #map}, {transform_indices = #map}, {transform_indices = #map1}]} {
    %mul3A = arith.constant 16 : i32
    %mul3A_0 = arith.muli %arg0, %mul3A : i32
    %add3A = arith.addi %mul3A_0, %arg1 : i32
    %mul3A_1 = arith.constant 78 : i32
    %mul3A_2 = arith.muli %add3A, %mul3A_1 : i32
    %min3A = arith.constant 4 : i32
    %min3A_3 = arith.minsi %add3A, %min3A : i32
    %add3A_4 = arith.addi %mul3A_2, %min3A_3 : i32
    %lt3A = arith.constant 4 : i32
    %lt3A_5 = arith.cmpi slt, %add3A, %lt3A : i32
    %jit3A = arith.constant 1 : i32
    %jit3A_6 = arith.constant 0 : i32
    %select_n3A = arith.select %lt3A_5, %jit3A, %jit3A_6 : i32
    %add3A_7 = arith.constant 78 : i32
    %add3A_8 = arith.addi %add3A_7, %select_n3A : i32
    %mul3A_9 = arith.constant 640 : i32
    %mul3A_10 = arith.muli %arg1, %mul3A_9 : i32
    %scan3A = arith.constant 0 : i32
    %scan3A_11 = arith.constant 128 : i32
    %scan3A_12 = arith.addi %scan3A, %scan3A_11 : i32
    %scan3A_13 = arith.constant 1 : i32
    scf.for %scan3A_69 = %scan3A to %scan3A_12 step %scan3A_13  : i32 {
      %mul3A_70 = arith.constant 1 : i32
      %mul3A_71 = arith.muli %scan3A_69, %mul3A_70 : i32
      %add3A_72 = arith.constant 0 : i32
      %add3A_73 = arith.addi %add3A_72, %mul3A_71 : i32
      %broadcast_in_dim3A = arith.constant 0.000000e+00 : f32
      %broadcast_in_dim3A_74 = vector.broadcast %broadcast_in_dim3A : f32 to vector<16xf32>
      %swap3A = arith.index_cast %add3A_73 : i32 to index
      %swap3A_75 = arith.constant 0 : index
      %swap3A_76 = tpu.vector_load %arg7[%swap3A, %swap3A_75] {strides = array<i32>} : memref<128x128xf32, #tpu.memory_space<vmem>>, vector<1x16xf32>,
      %swap3A_77 = vector.shape_cast %swap3A_76 : vector<1x16xf32> to vector<16xf32>
      %swap3A_78 = vector.shape_cast %broadcast_in_dim3A_74 : vector<16xf32> to vector<1x16xf32>
      tpu.vector_store %arg7[%swap3A, %swap3A_75], %swap3A_78 {strides = array<i32>} : memref<128x128xf32, #tpu.memory_space<vmem>>, vector<1x16xf32>,
      %broadcast_in_dim3A_79 = arith.constant 0.000000e+00 : f32
      %broadcast_in_dim3A_80 = vector.broadcast %broadcast_in_dim3A_79 : f32 to vector<16xf32>
      %swap3A_81 = arith.index_cast %add3A_73 : i32 to index
      %swap3A_82 = arith.constant 16 : index
      %swap3A_83 = tpu.vector_load %arg7[%swap3A_81, %swap3A_82] {strides = array<i32>} : memref<128x128xf32, #tpu.memory_space<vmem>>, vector<1x16xf32>,
      %swap3A_84 = vector.shape_cast %swap3A_83 : vector<1x16xf32> to vector<16xf32>
      %swap3A_85 = vector.shape_cast %broadcast_in_dim3A_80 : vector<16xf32> to vector<1x16xf32>
      tpu.vector_store %arg7[%swap3A_81, %swap3A_82], %swap3A_85 {strides = array<i32>} : memref<128x128xf32, #tpu.memory_space<vmem>>, vector<1x16xf32>,
      %broadcast_in_dim3A_86 = arith.constant 0.000000e+00 : f32
      %broadcast_in_dim3A_87 = vector.broadcast %broadcast_in_dim3A_86 : f32 to vector<16xf32>
      %swap3A_88 = arith.index_cast %add3A_73 : i32 to index
      %swap3A_89 = arith.constant 32 : index
      %swap3A_90 = tpu.vector_load %arg7[%swap3A_88, %swap3A_89] {strides = array<i32>} : memref<128x128xf32, #tpu.memory_space<vmem>>, vector<1x16xf32>,
      %swap3A_91 = vector.shape_cast %swap3A_90 : vector<1x16xf32> to vector<16xf32>
      %swap3A_92 = vector.shape_cast %broadcast_in_dim3A_87 : vector<16xf32> to vector<1x16xf32>
      tpu.vector_store %arg7[%swap3A_88, %swap3A_89], %swap3A_92 {strides = array<i32>} : memref<128x128xf32, #tpu.memory_space<vmem>>, vector<1x16xf32>,
      %broadcast_in_dim3A_93 = arith.constant 0.000000e+00 : f32
      %broadcast_in_dim3A_94 = vector.broadcast %broadcast_in_dim3A_93 : f32 to vector<16xf32>
      %swap3A_95 = arith.index_cast %add3A_73 : i32 to index
      %swap3A_96 = arith.constant 48 : index
      %swap3A_97 = tpu.vector_load %arg7[%swap3A_95, %swap3A_96] {strides = array<i32>} : memref<128x128xf32, #tpu.memory_space<vmem>>, vector<1x16xf32>,
      %swap3A_98 = vector.shape_cast %swap3A_97 : vector<1x16xf32> to vector<16xf32>
      %swap3A_99 = vector.shape_cast %broadcast_in_dim3A_94 : vector<16xf32> to vector<1x16xf32>
      tpu.vector_store %arg7[%swap3A_95, %swap3A_96], %swap3A_99 {strides = array<i32>} : memref<128x128xf32, #tpu.memory_space<vmem>>, vector<1x16xf32>,
      %broadcast_in_dim3A_100 = arith.constant 0.000000e+00 : f32
      %broadcast_in_dim3A_101 = vector.broadcast %broadcast_in_dim3A_100 : f32 to vector<16xf32>
      %swap3A_102 = arith.index_cast %add3A_73 : i32 to index
      %swap3A_103 = arith.constant 64 : index
      %swap3A_104 = tpu.vector_load %arg7[%swap3A_102, %swap3A_103] {strides = array<i32>} : memref<128x128xf32, #tpu.memory_space<vmem>>, vector<1x16xf32>,
      %swap3A_105 = vector.shape_cast %swap3A_104 : vector<1x16xf32> to vector<16xf32>
      %swap3A_106 = vector.shape_cast %broadcast_in_dim3A_101 : vector<16xf32> to vector<1x16xf32>
      tpu.vector_store %arg7[%swap3A_102, %swap3A_103], %swap3A_106 {strides = array<i32>} : memref<128x128xf32, #tpu.memory_space<vmem>>, vector<1x16xf32>,
      %broadcast_in_dim3A_107 = arith.constant 0.000000e+00 : f32
      %broadcast_in_dim3A_108 = vector.broadcast %broadcast_in_dim3A_107 : f32 to vector<16xf32>
      %swap3A_109 = arith.index_cast %add3A_73 : i32 to index
      %swap3A_110 = arith.constant 80 : index
      %swap3A_111 = tpu.vector_load %arg7[%swap3A_109, %swap3A_110] {strides = array<i32>} : memref<128x128xf32, #tpu.memory_space<vmem>>, vector<1x16xf32>,
      %swap3A_112 = vector.shape_cast %swap3A_111 : vector<1x16xf32> to vector<16xf32>
      %swap3A_113 = vector.shape_cast %broadcast_in_dim3A_108 : vector<16xf32> to vector<1x16xf32>
      tpu.vector_store %arg7[%swap3A_109, %swap3A_110], %swap3A_113 {strides = array<i32>} : memref<128x128xf32, #tpu.memory_space<vmem>>, vector<1x16xf32>,
      %broadcast_in_dim3A_114 = arith.constant 0.000000e+00 : f32
      %broadcast_in_dim3A_115 = vector.broadcast %broadcast_in_dim3A_114 : f32 to vector<16xf32>
      %swap3A_116 = arith.index_cast %add3A_73 : i32 to index
      %swap3A_117 = arith.constant 96 : index
      %swap3A_118 = tpu.vector_load %arg7[%swap3A_116, %swap3A_117] {strides = array<i32>} : memref<128x128xf32, #tpu.memory_space<vmem>>, vector<1x16xf32>,
      %swap3A_119 = vector.shape_cast %swap3A_118 : vector<1x16xf32> to vector<16xf32>
      %swap3A_120 = vector.shape_cast %broadcast_in_dim3A_115 : vector<16xf32> to vector<1x16xf32>
      tpu.vector_store %arg7[%swap3A_116, %swap3A_117], %swap3A_120 {strides = array<i32>} : memref<128x128xf32, #tpu.memory_space<vmem>>, vector<1x16xf32>,
      %broadcast_in_dim3A_121 = arith.constant 0.000000e+00 : f32
      %broadcast_in_dim3A_122 = vector.broadcast %broadcast_in_dim3A_121 : f32 to vector<16xf32>
      %swap3A_123 = arith.index_cast %add3A_73 : i32 to index
      %swap3A_124 = arith.constant 112 : index
      %swap3A_125 = tpu.vector_load %arg7[%swap3A_123, %swap3A_124] {strides = array<i32>} : memref<128x128xf32, #tpu.memory_space<vmem>>, vector<1x16xf32>,
      %swap3A_126 = vector.shape_cast %swap3A_125 : vector<1x16xf32> to vector<16xf32>
      %swap3A_127 = vector.shape_cast %broadcast_in_dim3A_122 : vector<16xf32> to vector<1x16xf32>
      tpu.vector_store %arg7[%swap3A_123, %swap3A_124], %swap3A_127 {strides = array<i32>} : memref<128x128xf32, #tpu.memory_space<vmem>>, vector<1x16xf32>,
    }
    %scan3A_14 = arith.constant 128 : i32
    %add3A_15 = arith.constant 0 : i32
    %add3A_16 = arith.addi %mul3A_10, %add3A_15 : i32
    "tpu.region"() ({
      %run_scoped3A = tpu.sem_alloc : memref<!tpu.dma_semaphore, #tpu.memory_space<semaphore_mem>>
      %dma_start3A_69 = arith.constant 0 : i32
      %dma_start3A_70 = tpu.memref_slice %arg9[%add3A_16, %dma_start3A_69] : memref<10240x128xf32, #tpu.memory_space<vmem_shared>> -> memref<128x128xf32, #tpu.memory_space<vmem_shared>>
      %dma_start3A_71 = arith.constant 0 : i32
      %dma_start3A_72 = tpu.memref_slice %arg9[%add3A_16, %dma_start3A_71] : memref<10240x128xf32, #tpu.memory_space<vmem_shared>> -> memref<128x128xf32, #tpu.memory_space<vmem_shared>>
      tpu.enqueue_dma source(%arg7 : memref<128x128xf32, #tpu.memory_space<vmem>>) target(%dma_start3A_72 : memref<128x128xf32, #tpu.memory_space<vmem_shared>>) target_semaphore(%run_scoped3A : memref<!tpu.dma_semaphore, #tpu.memory_space<semaphore_mem>>)
      %dma_wait3A = arith.constant 0 : i32
      %dma_wait3A_73 = tpu.memref_slice %arg9[%add3A_16, %dma_wait3A] : memref<10240x128xf32, #tpu.memory_space<vmem_shared>> -> memref<128x128xf32, #tpu.memory_space<vmem_shared>>
      %dma_wait3A_74 = arith.constant 0 : i32
      %dma_wait3A_75 = tpu.memref_slice %arg9[%add3A_16, %dma_wait3A_74] : memref<10240x128xf32, #tpu.memory_space<vmem_shared>> -> memref<128x128xf32, #tpu.memory_space<vmem_shared>>
      tpu.wait_dma2 semaphore(%run_scoped3A : memref<!tpu.dma_semaphore, #tpu.memory_space<semaphore_mem>>) src(%arg7 : memref<128x128xf32, #tpu.memory_space<vmem>>) dst(%dma_wait3A_75 : memref<128x128xf32, #tpu.memory_space<vmem_shared>>)
      tpu.yield
    }) : () -> ()
    %add3A_17 = arith.constant 128 : i32
    %add3A_18 = arith.addi %mul3A_10, %add3A_17 : i32
    "tpu.region"() ({
      %run_scoped3A = tpu.sem_alloc : memref<!tpu.dma_semaphore, #tpu.memory_space<semaphore_mem>>
      %dma_start3A_69 = arith.constant 0 : i32
      %dma_start3A_70 = tpu.memref_slice %arg9[%add3A_18, %dma_start3A_69] : memref<10240x128xf32, #tpu.memory_space<vmem_shared>> -> memref<128x128xf32, #tpu.memory_space<vmem_shared>>
      %dma_start3A_71 = arith.constant 0 : i32
      %dma_start3A_72 = tpu.memref_slice %arg9[%add3A_18, %dma_start3A_71] : memref<10240x128xf32, #tpu.memory_space<vmem_shared>> -> memref<128x128xf32, #tpu.memory_space<vmem_shared>>
      tpu.enqueue_dma source(%arg7 : memref<128x128xf32, #tpu.memory_space<vmem>>) target(%dma_start3A_72 : memref<128x128xf32, #tpu.memory_space<vmem_shared>>) target_semaphore(%run_scoped3A : memref<!tpu.dma_semaphore, #tpu.memory_space<semaphore_mem>>)
      %dma_wait3A = arith.constant 0 : i32
      %dma_wait3A_73 = tpu.memref_slice %arg9[%add3A_18, %dma_wait3A] : memref<10240x128xf32, #tpu.memory_space<vmem_shared>> -> memref<128x128xf32, #tpu.memory_space<vmem_shared>>
      %dma_wait3A_74 = arith.constant 0 : i32
      %dma_wait3A_75 = tpu.memref_slice %arg9[%add3A_18, %dma_wait3A_74] : memref<10240x128xf32, #tpu.memory_space<vmem_shared>> -> memref<128x128xf32, #tpu.memory_space<vmem_shared>>
      tpu.wait_dma2 semaphore(%run_scoped3A : memref<!tpu.dma_semaphore, #tpu.memory_space<semaphore_mem>>) src(%arg7 : memref<128x128xf32, #tpu.memory_space<vmem>>) dst(%dma_wait3A_75 : memref<128x128xf32, #tpu.memory_space<vmem_shared>>)
      tpu.yield
    }) : () -> ()
    %add3A_19 = arith.constant 256 : i32
    %add3A_20 = arith.addi %mul3A_10, %add3A_19 : i32
    "tpu.region"() ({
      %run_scoped3A = tpu.sem_alloc : memref<!tpu.dma_semaphore, #tpu.memory_space<semaphore_mem>>
      %dma_start3A_69 = arith.constant 0 : i32
      %dma_start3A_70 = tpu.memref_slice %arg9[%add3A_20, %dma_start3A_69] : memref<10240x128xf32, #tpu.memory_space<vmem_shared>> -> memref<128x128xf32, #tpu.memory_space<vmem_shared>>
      %dma_start3A_71 = arith.constant 0 : i32
      %dma_start3A_72 = tpu.memref_slice %arg9[%add3A_20, %dma_start3A_71] : memref<10240x128xf32, #tpu.memory_space<vmem_shared>> -> memref<128x128xf32, #tpu.memory_space<vmem_shared>>
      tpu.enqueue_dma source(%arg7 : memref<128x128xf32, #tpu.memory_space<vmem>>) target(%dma_start3A_72 : memref<128x128xf32, #tpu.memory_space<vmem_shared>>) target_semaphore(%run_scoped3A : memref<!tpu.dma_semaphore, #tpu.memory_space<semaphore_mem>>)
      %dma_wait3A = arith.constant 0 : i32
      %dma_wait3A_73 = tpu.memref_slice %arg9[%add3A_20, %dma_wait3A] : memref<10240x128xf32, #tpu.memory_space<vmem_shared>> -> memref<128x128xf32, #tpu.memory_space<vmem_shared>>
      %dma_wait3A_74 = arith.constant 0 : i32
      %dma_wait3A_75 = tpu.memref_slice %arg9[%add3A_20, %dma_wait3A_74] : memref<10240x128xf32, #tpu.memory_space<vmem_shared>> -> memref<128x128xf32, #tpu.memory_space<vmem_shared>>
      tpu.wait_dma2 semaphore(%run_scoped3A : memref<!tpu.dma_semaphore, #tpu.memory_space<semaphore_mem>>) src(%arg7 : memref<128x128xf32, #tpu.memory_space<vmem>>) dst(%dma_wait3A_75 : memref<128x128xf32, #tpu.memory_space<vmem_shared>>)
      tpu.yield
    }) : () -> ()
    %add3A_21 = arith.constant 384 : i32
    %add3A_22 = arith.addi %mul3A_10, %add3A_21 : i32
    "tpu.region"() ({
      %run_scoped3A = tpu.sem_alloc : memref<!tpu.dma_semaphore, #tpu.memory_space<semaphore_mem>>
      %dma_start3A_69 = arith.constant 0 : i32
      %dma_start3A_70 = tpu.memref_slice %arg9[%add3A_22, %dma_start3A_69] : memref<10240x128xf32, #tpu.memory_space<vmem_shared>> -> memref<128x128xf32, #tpu.memory_space<vmem_shared>>
      %dma_start3A_71 = arith.constant 0 : i32
      %dma_start3A_72 = tpu.memref_slice %arg9[%add3A_22, %dma_start3A_71] : memref<10240x128xf32, #tpu.memory_space<vmem_shared>> -> memref<128x128xf32, #tpu.memory_space<vmem_shared>>
      tpu.enqueue_dma source(%arg7 : memref<128x128xf32, #tpu.memory_space<vmem>>) target(%dma_start3A_72 : memref<128x128xf32, #tpu.memory_space<vmem_shared>>) target_semaphore(%run_scoped3A : memref<!tpu.dma_semaphore, #tpu.memory_space<semaphore_mem>>)
      %dma_wait3A = arith.constant 0 : i32
      %dma_wait3A_73 = tpu.memref_slice %arg9[%add3A_22, %dma_wait3A] : memref<10240x128xf32, #tpu.memory_space<vmem_shared>> -> memref<128x128xf32, #tpu.memory_space<vmem_shared>>
      %dma_wait3A_74 = arith.constant 0 : i32
      %dma_wait3A_75 = tpu.memref_slice %arg9[%add3A_22, %dma_wait3A_74] : memref<10240x128xf32, #tpu.memory_space<vmem_shared>> -> memref<128x128xf32, #tpu.memory_space<vmem_shared>>
      tpu.wait_dma2 semaphore(%run_scoped3A : memref<!tpu.dma_semaphore, #tpu.memory_space<semaphore_mem>>) src(%arg7 : memref<128x128xf32, #tpu.memory_space<vmem>>) dst(%dma_wait3A_75 : memref<128x128xf32, #tpu.memory_space<vmem_shared>>)
      tpu.yield
    }) : () -> ()
    %add3A_23 = arith.constant 512 : i32
    %add3A_24 = arith.addi %mul3A_10, %add3A_23 : i32
    "tpu.region"() ({
      %run_scoped3A = tpu.sem_alloc : memref<!tpu.dma_semaphore, #tpu.memory_space<semaphore_mem>>
      %dma_start3A_69 = arith.constant 0 : i32
      %dma_start3A_70 = tpu.memref_slice %arg9[%add3A_24, %dma_start3A_69] : memref<10240x128xf32, #tpu.memory_space<vmem_shared>> -> memref<128x128xf32, #tpu.memory_space<vmem_shared>>
      %dma_start3A_71 = arith.constant 0 : i32
      %dma_start3A_72 = tpu.memref_slice %arg9[%add3A_24, %dma_start3A_71] : memref<10240x128xf32, #tpu.memory_space<vmem_shared>> -> memref<128x128xf32, #tpu.memory_space<vmem_shared>>
      tpu.enqueue_dma source(%arg7 : memref<128x128xf32, #tpu.memory_space<vmem>>) target(%dma_start3A_72 : memref<128x128xf32, #tpu.memory_space<vmem_shared>>) target_semaphore(%run_scoped3A : memref<!tpu.dma_semaphore, #tpu.memory_space<semaphore_mem>>)
      %dma_wait3A = arith.constant 0 : i32
      %dma_wait3A_73 = tpu.memref_slice %arg9[%add3A_24, %dma_wait3A] : memref<10240x128xf32, #tpu.memory_space<vmem_shared>> -> memref<128x128xf32, #tpu.memory_space<vmem_shared>>
      %dma_wait3A_74 = arith.constant 0 : i32
      %dma_wait3A_75 = tpu.memref_slice %arg9[%add3A_24, %dma_wait3A_74] : memref<10240x128xf32, #tpu.memory_space<vmem_shared>> -> memref<128x128xf32, #tpu.memory_space<vmem_shared>>
      tpu.wait_dma2 semaphore(%run_scoped3A : memref<!tpu.dma_semaphore, #tpu.memory_space<semaphore_mem>>) src(%arg7 : memref<128x128xf32, #tpu.memory_space<vmem>>) dst(%dma_wait3A_75 : memref<128x128xf32, #tpu.memory_space<vmem_shared>>)
      tpu.yield
    }) : () -> ()
    %barrier3A = arith.constant 0 : index
    tpu.barrier barrier_id(%barrier3A)
    %add3A_25 = arith.constant 0 : i32
    %add3A_26 = arith.addi %add3A_4, %add3A_25 : i32
    %mul3A_27 = arith.constant 128 : i32
    %mul3A_28 = arith.muli %add3A_26, %mul3A_27 : i32
    "tpu.region"() ({
      %run_scoped3A = tpu.sem_alloc : memref<!tpu.dma_semaphore, #tpu.memory_space<semaphore_mem>>
      %dma_start3A_69 = arith.constant 0 : i32
      %dma_start3A_70 = tpu.memref_slice %arg3[%dma_start3A_69, %mul3A_28] : memref<2x320000xi32, #tpu.memory_space<hbm>> -> memref<2x128xi32, #tpu.memory_space<hbm>>
      %dma_start3A_71 = arith.constant 0 : i32
      %dma_start3A_72 = tpu.memref_slice %arg3[%dma_start3A_71, %mul3A_28] : memref<2x320000xi32, #tpu.memory_space<hbm>> -> memref<2x128xi32, #tpu.memory_space<hbm>>
      tpu.enqueue_dma source(%dma_start3A_72 : memref<2x128xi32, #tpu.memory_space<hbm>>) target(%arg5 : memref<2x128xi32, #tpu.memory_space<vmem>>) target_semaphore(%run_scoped3A : memref<!tpu.dma_semaphore, #tpu.memory_space<semaphore_mem>>)
      %dma_wait3A = arith.constant 0 : i32
      %dma_wait3A_73 = tpu.memref_slice %arg3[%dma_wait3A, %mul3A_28] : memref<2x320000xi32, #tpu.memory_space<hbm>> -> memref<2x128xi32, #tpu.memory_space<hbm>>
      %dma_wait3A_74 = arith.constant 0 : i32
      %dma_wait3A_75 = tpu.memref_slice %arg3[%dma_wait3A_74, %mul3A_28] : memref<2x320000xi32, #tpu.memory_space<hbm>> -> memref<2x128xi32, #tpu.memory_space<hbm>>
      tpu.wait_dma2 semaphore(%run_scoped3A : memref<!tpu.dma_semaphore, #tpu.memory_space<semaphore_mem>>) src(%dma_wait3A_75 : memref<2x128xi32, #tpu.memory_space<hbm>>) dst(%arg5 : memref<2x128xi32, #tpu.memory_space<vmem>>)
      tpu.yield
    }) : () -> ()
    %dma_start3A = arith.constant 0 : i32
    %dma_start3A_29 = arith.constant 0 : i32
    %dma_start3A_30 = tpu.memref_slice %arg5[%dma_start3A, %dma_start3A_29] : memref<2x128xi32, #tpu.memory_space<vmem>> -> memref<1x128xi32, #tpu.memory_space<vmem>>
    %dma_start3A_31 = tpu.memref_squeeze %dma_start3A_30 : memref<1x128xi32, #tpu.memory_space<vmem>> -> memref<128xi32, #tpu.memory_space<vmem>>
    %dma_start3A_32 = arith.constant 0 : i32
    %dma_start3A_33 = arith.constant 0 : i32
    %dma_start3A_34 = tpu.memref_slice %arg2[%dma_start3A_32, %dma_start3A_33] : memref<10000x128xf32, #tpu.memory_space<hbm>> -> memref<10000x128xf32, #tpu.memory_space<hbm>>
    tpu.enqueue_indirect_dma source(%dma_start3A_34 : memref<10000x128xf32, #tpu.memory_space<hbm>>) target(%arg7 : memref<128x128xf32, #tpu.memory_space<vmem>>) offsets(%dma_start3A_31 : memref<128xi32, #tpu.memory_space<vmem>>) semaphore(%arg10 : memref<!tpu.dma_semaphore, #tpu.memory_space<semaphore_mem>>)
    %sub3A = arith.constant 1 : i32
    %sub3A_35 = arith.subi %add3A_8, %sub3A : i32
    %sub3A_36 = arith.constant 0 : i32
    %sub3A_37 = arith.subi %sub3A_35, %sub3A_36 : i32
    %sub3A_38 = arith.constant 2 : i32
    %sub3A_39 = arith.constant 1 : i32
    %sub3A_40 = arith.subi %sub3A_38, %sub3A_39 : i32
    %add3A_41 = arith.addi %sub3A_37, %sub3A_40 : i32
    %div3A = arith.constant 2 : i32
    %div3A_42 = arith.divsi %add3A_41, %div3A : i32
    %while3A = arith.constant 2 : i32
    %while3A_43 = arith.constant 0 : i32
    %while3A_44 = arith.constant 0 : i32
    %while3A_45 = arith.subi %div3A_42, %while3A_44 : i32
    %while3A_46 = arith.addi %while3A_44, %while3A_45 : i32
    %while3A_47 = arith.constant 1 : i32
    %while3A_48 = arith.divsi %while3A_45, %while3A_47 : i32
    %while3A_49 = arith.muli %while3A_48, %while3A_47 : i32
    %while3A_50 = arith.addi %while3A_44, %while3A_49 : i32
    %while3A_51 = arith.constant 1 : i32
    scf.for %while3A_69 = %while3A_44 to %while3A_50 step %while3A_51  : i32 {
      %mul3A_70 = arith.muli %while3A_69, %while3A : i32
      %add3A_71 = arith.addi %while3A_43, %mul3A_70 : i32
      %add3A_72 = arith.constant 1 : i32
      %add3A_73 = arith.addi %add3A_71, %add3A_72 : i32
      %add3A_74 = arith.addi %add3A_4, %add3A_73 : i32
      %mul3A_75 = arith.constant 128 : i32
      %mul3A_76 = arith.muli %add3A_74, %mul3A_75 : i32
      "tpu.region"() ({
        %run_scoped3A_104 = tpu.sem_alloc : memref<!tpu.dma_semaphore, #tpu.memory_space<semaphore_mem>>
        %dma_start3A_105 = arith.constant 0 : i32
        %dma_start3A_106 = tpu.memref_slice %arg3[%dma_start3A_105, %mul3A_76] : memref<2x320000xi32, #tpu.memory_space<hbm>> -> memref<2x128xi32, #tpu.memory_space<hbm>>
        %dma_start3A_107 = arith.constant 0 : i32
        %dma_start3A_108 = tpu.memref_slice %arg3[%dma_start3A_107, %mul3A_76] : memref<2x320000xi32, #tpu.memory_space<hbm>> -> memref<2x128xi32, #tpu.memory_space<hbm>>
        tpu.enqueue_dma source(%dma_start3A_108 : memref<2x128xi32, #tpu.memory_space<hbm>>) target(%arg6 : memref<2x128xi32, #tpu.memory_space<vmem>>) target_semaphore(%run_scoped3A_104 : memref<!tpu.dma_semaphore, #tpu.memory_space<semaphore_mem>>)
        %dma_wait3A_109 = arith.constant 0 : i32
        %dma_wait3A_110 = tpu.memref_slice %arg3[%dma_wait3A_109, %mul3A_76] : memref<2x320000xi32, #tpu.memory_space<hbm>> -> memref<2x128xi32, #tpu.memory_space<hbm>>
        %dma_wait3A_111 = arith.constant 0 : i32
        %dma_wait3A_112 = tpu.memref_slice %arg3[%dma_wait3A_111, %mul3A_76] : memref<2x320000xi32, #tpu.memory_space<hbm>> -> memref<2x128xi32, #tpu.memory_space<hbm>>
        tpu.wait_dma2 semaphore(%run_scoped3A_104 : memref<!tpu.dma_semaphore, #tpu.memory_space<semaphore_mem>>) src(%dma_wait3A_112 : memref<2x128xi32, #tpu.memory_space<hbm>>) dst(%arg6 : memref<2x128xi32, #tpu.memory_space<vmem>>)
        tpu.yield
      }) : () -> ()
      %dma_start3A_77 = arith.constant 0 : i32
      %dma_start3A_78 = arith.constant 0 : i32
      %dma_start3A_79 = tpu.memref_slice %arg6[%dma_start3A_77, %dma_start3A_78] : memref<2x128xi32, #tpu.memory_space<vmem>> -> memref<1x128xi32, #tpu.memory_space<vmem>>
      %dma_start3A_80 = tpu.memref_squeeze %dma_start3A_79 : memref<1x128xi32, #tpu.memory_space<vmem>> -> memref<128xi32, #tpu.memory_space<vmem>>
      %dma_start3A_81 = arith.constant 0 : i32
      %dma_start3A_82 = arith.constant 0 : i32
      %dma_start3A_83 = tpu.memref_slice %arg2[%dma_start3A_81, %dma_start3A_82] : memref<10000x128xf32, #tpu.memory_space<hbm>> -> memref<10000x128xf32, #tpu.memory_space<hbm>>
      tpu.enqueue_indirect_dma source(%dma_start3A_83 : memref<10000x128xf32, #tpu.memory_space<hbm>>) target(%arg8 : memref<128x128xf32, #tpu.memory_space<vmem>>) offsets(%dma_start3A_80 : memref<128xi32, #tpu.memory_space<vmem>>) semaphore(%arg11 : memref<!tpu.dma_semaphore, #tpu.memory_space<semaphore_mem>>)
      %dma_wait3A = arith.constant 0 : i32
      %dma_wait3A_84 = arith.constant 0 : i32
      %dma_wait3A_85 = tpu.memref_slice %arg5[%dma_wait3A, %dma_wait3A_84] : memref<2x128xi32, #tpu.memory_space<vmem>> -> memref<1x128xi32, #tpu.memory_space<vmem>>
      %dma_wait3A_86 = tpu.memref_squeeze %dma_wait3A_85 : memref<1x128xi32, #tpu.memory_space<vmem>> -> memref<128xi32, #tpu.memory_space<vmem>>
      %dma_wait3A_87 = arith.constant 0 : i32
      %dma_wait3A_88 = arith.constant 0 : i32
      %dma_wait3A_89 = tpu.memref_slice %arg2[%dma_wait3A_87, %dma_wait3A_88] : memref<10000x128xf32, #tpu.memory_space<hbm>> -> memref<10000x128xf32, #tpu.memory_space<hbm>>
      tpu.wait_indirect_dma semaphore(%arg10 : memref<!tpu.dma_semaphore, #tpu.memory_space<semaphore_mem>>) src(%dma_wait3A_89 : memref<10000x128xf32, #tpu.memory_space<hbm>>) dst(%arg7 : memref<128x128xf32, #tpu.memory_space<vmem>>)
      %run_scoped3A = arith.constant 1 : i32
      "tpu.region"() ({
        %run_scoped3A_104 = tpu.sem_alloc : memref<!tpu.dma_semaphore, #tpu.memory_space<semaphore_mem>>
        %dma_start3A_105 = arith.constant 0 : i32
        %dma_start3A_106 = tpu.memref_slice %arg5[%run_scoped3A, %dma_start3A_105] : memref<2x128xi32, #tpu.memory_space<vmem>> -> memref<1x128xi32, #tpu.memory_space<vmem>>
        %dma_start3A_107 = tpu.memref_squeeze %dma_start3A_106 : memref<1x128xi32, #tpu.memory_space<vmem>> -> memref<128xi32, #tpu.memory_space<vmem>>
        %dma_start3A_108 = arith.constant 0 : i32
        %dma_start3A_109 = arith.constant 0 : i32
        %dma_start3A_110 = tpu.memref_slice %arg9[%dma_start3A_108, %dma_start3A_109] : memref<10240x128xf32, #tpu.memory_space<vmem_shared>> -> memref<10240x128xf32, #tpu.memory_space<vmem_shared>>
        tpu.enqueue_indirect_dma source(%arg7 : memref<128x128xf32, #tpu.memory_space<vmem>>) target(%dma_start3A_110 : memref<10240x128xf32, #tpu.memory_space<vmem_shared>>) offsets(%dma_start3A_107 : memref<128xi32, #tpu.memory_space<vmem>>) semaphore(%run_scoped3A_104 : memref<!tpu.dma_semaphore, #tpu.memory_space<semaphore_mem>>) {add = true}
        %dma_wait3A_111 = arith.constant 0 : i32
        %dma_wait3A_112 = tpu.memref_slice %arg5[%run_scoped3A, %dma_wait3A_111] : memref<2x128xi32, #tpu.memory_space<vmem>> -> memref<1x128xi32, #tpu.memory_space<vmem>>
        %dma_wait3A_113 = tpu.memref_squeeze %dma_wait3A_112 : memref<1x128xi32, #tpu.memory_space<vmem>> -> memref<128xi32, #tpu.memory_space<vmem>>
        %dma_wait3A_114 = arith.constant 0 : i32
        %dma_wait3A_115 = arith.constant 0 : i32
        %dma_wait3A_116 = tpu.memref_slice %arg9[%dma_wait3A_114, %dma_wait3A_115] : memref<10240x128xf32, #tpu.memory_space<vmem_shared>> -> memref<10240x128xf32, #tpu.memory_space<vmem_shared>>
        tpu.wait_indirect_dma semaphore(%run_scoped3A_104 : memref<!tpu.dma_semaphore, #tpu.memory_space<semaphore_mem>>) src(%arg7 : memref<128x128xf32, #tpu.memory_space<vmem>>) dst(%dma_wait3A_116 : memref<10240x128xf32, #tpu.memory_space<vmem_shared>>)
        tpu.yield
      }) : () -> ()
      %add3A_90 = arith.constant 2 : i32
      %add3A_91 = arith.addi %add3A_71, %add3A_90 : i32
      %lt3A_92 = arith.cmpi slt, %add3A_91, %add3A_8 : i32
      %convert_element_type3A_93 = arith.extui %lt3A_92 : i1 to i32
      %cond3A_94 = arith.constant 0 : i32
      %cond3A_95 = arith.cmpi ne, %convert_element_type3A_93, %cond3A_94 : i32
      scf.if %cond3A_95 {
        %add3A_104 = arith.constant 2 : i32
        %add3A_105 = arith.addi %add3A_71, %add3A_104 : i32
        %add3A_106 = arith.addi %add3A_4, %add3A_105 : i32
        %mul3A_107 = arith.constant 128 : i32
        %mul3A_108 = arith.muli %add3A_106, %mul3A_107 : i32
        "tpu.region"() ({
          %run_scoped3A_116 = tpu.sem_alloc : memref<!tpu.dma_semaphore, #tpu.memory_space<semaphore_mem>>
          %dma_start3A_117 = arith.constant 0 : i32
          %dma_start3A_118 = tpu.memref_slice %arg3[%dma_start3A_117, %mul3A_108] : memref<2x320000xi32, #tpu.memory_space<hbm>> -> memref<2x128xi32, #tpu.memory_space<hbm>>
          %dma_start3A_119 = arith.constant 0 : i32
          %dma_start3A_120 = tpu.memref_slice %arg3[%dma_start3A_119, %mul3A_108] : memref<2x320000xi32, #tpu.memory_space<hbm>> -> memref<2x128xi32, #tpu.memory_space<hbm>>
          tpu.enqueue_dma source(%dma_start3A_120 : memref<2x128xi32, #tpu.memory_space<hbm>>) target(%arg5 : memref<2x128xi32, #tpu.memory_space<vmem>>) target_semaphore(%run_scoped3A_116 : memref<!tpu.dma_semaphore, #tpu.memory_space<semaphore_mem>>)
          %dma_wait3A_121 = arith.constant 0 : i32
          %dma_wait3A_122 = tpu.memref_slice %arg3[%dma_wait3A_121, %mul3A_108] : memref<2x320000xi32, #tpu.memory_space<hbm>> -> memref<2x128xi32, #tpu.memory_space<hbm>>
          %dma_wait3A_123 = arith.constant 0 : i32
          %dma_wait3A_124 = tpu.memref_slice %arg3[%dma_wait3A_123, %mul3A_108] : memref<2x320000xi32, #tpu.memory_space<hbm>> -> memref<2x128xi32, #tpu.memory_space<hbm>>
          tpu.wait_dma2 semaphore(%run_scoped3A_116 : memref<!tpu.dma_semaphore, #tpu.memory_space<semaphore_mem>>) src(%dma_wait3A_124 : memref<2x128xi32, #tpu.memory_space<hbm>>) dst(%arg5 : memref<2x128xi32, #tpu.memory_space<vmem>>)
          tpu.yield
        }) : () -> ()
        %dma_start3A_109 = arith.constant 0 : i32
        %dma_start3A_110 = arith.constant 0 : i32
        %dma_start3A_111 = tpu.memref_slice %arg5[%dma_start3A_109, %dma_start3A_110] : memref<2x128xi32, #tpu.memory_space<vmem>> -> memref<1x128xi32, #tpu.memory_space<vmem>>
        %dma_start3A_112 = tpu.memref_squeeze %dma_start3A_111 : memref<1x128xi32, #tpu.memory_space<vmem>> -> memref<128xi32, #tpu.memory_space<vmem>>
        %dma_start3A_113 = arith.constant 0 : i32
        %dma_start3A_114 = arith.constant 0 : i32
        %dma_start3A_115 = tpu.memref_slice %arg2[%dma_start3A_113, %dma_start3A_114] : memref<10000x128xf32, #tpu.memory_space<hbm>> -> memref<10000x128xf32, #tpu.memory_space<hbm>>
        tpu.enqueue_indirect_dma source(%dma_start3A_115 : memref<10000x128xf32, #tpu.memory_space<hbm>>) target(%arg7 : memref<128x128xf32, #tpu.memory_space<vmem>>) offsets(%dma_start3A_112 : memref<128xi32, #tpu.memory_space<vmem>>) semaphore(%arg10 : memref<!tpu.dma_semaphore, #tpu.memory_space<semaphore_mem>>)
      } else {
      }
      %dma_wait3A_96 = arith.constant 0 : i32
      %dma_wait3A_97 = arith.constant 0 : i32
      %dma_wait3A_98 = tpu.memref_slice %arg6[%dma_wait3A_96, %dma_wait3A_97] : memref<2x128xi32, #tpu.memory_space<vmem>> -> memref<1x128xi32, #tpu.memory_space<vmem>>
      %dma_wait3A_99 = tpu.memref_squeeze %dma_wait3A_98 : memref<1x128xi32, #tpu.memory_space<vmem>> -> memref<128xi32, #tpu.memory_space<vmem>>
      %dma_wait3A_100 = arith.constant 0 : i32
      %dma_wait3A_101 = arith.constant 0 : i32
      %dma_wait3A_102 = tpu.memref_slice %arg2[%dma_wait3A_100, %dma_wait3A_101] : memref<10000x128xf32, #tpu.memory_space<hbm>> -> memref<10000x128xf32, #tpu.memory_space<hbm>>
      tpu.wait_indirect_dma semaphore(%arg11 : memref<!tpu.dma_semaphore, #tpu.memory_space<semaphore_mem>>) src(%dma_wait3A_102 : memref<10000x128xf32, #tpu.memory_space<hbm>>) dst(%arg8 : memref<128x128xf32, #tpu.memory_space<vmem>>)
      %run_scoped3A_103 = arith.constant 1 : i32
      "tpu.region"() ({
        %run_scoped3A_104 = tpu.sem_alloc : memref<!tpu.dma_semaphore, #tpu.memory_space<semaphore_mem>>
        %dma_start3A_105 = arith.constant 0 : i32
        %dma_start3A_106 = tpu.memref_slice %arg6[%run_scoped3A_103, %dma_start3A_105] : memref<2x128xi32, #tpu.memory_space<vmem>> -> memref<1x128xi32, #tpu.memory_space<vmem>>
        %dma_start3A_107 = tpu.memref_squeeze %dma_start3A_106 : memref<1x128xi32, #tpu.memory_space<vmem>> -> memref<128xi32, #tpu.memory_space<vmem>>
        %dma_start3A_108 = arith.constant 0 : i32
        %dma_start3A_109 = arith.constant 0 : i32
        %dma_start3A_110 = tpu.memref_slice %arg9[%dma_start3A_108, %dma_start3A_109] : memref<10240x128xf32, #tpu.memory_space<vmem_shared>> -> memref<10240x128xf32, #tpu.memory_space<vmem_shared>>
        tpu.enqueue_indirect_dma source(%arg8 : memref<128x128xf32, #tpu.memory_space<vmem>>) target(%dma_start3A_110 : memref<10240x128xf32, #tpu.memory_space<vmem_shared>>) offsets(%dma_start3A_107 : memref<128xi32, #tpu.memory_space<vmem>>) semaphore(%run_scoped3A_104 : memref<!tpu.dma_semaphore, #tpu.memory_space<semaphore_mem>>) {add = true}
        %dma_wait3A_111 = arith.constant 0 : i32
        %dma_wait3A_112 = tpu.memref_slice %arg6[%run_scoped3A_103, %dma_wait3A_111] : memref<2x128xi32, #tpu.memory_space<vmem>> -> memref<1x128xi32, #tpu.memory_space<vmem>>
        %dma_wait3A_113 = tpu.memref_squeeze %dma_wait3A_112 : memref<1x128xi32, #tpu.memory_space<vmem>> -> memref<128xi32, #tpu.memory_space<vmem>>
        %dma_wait3A_114 = arith.constant 0 : i32
        %dma_wait3A_115 = arith.constant 0 : i32
        %dma_wait3A_116 = tpu.memref_slice %arg9[%dma_wait3A_114, %dma_wait3A_115] : memref<10240x128xf32, #tpu.memory_space<vmem_shared>> -> memref<10240x128xf32, #tpu.memory_space<vmem_shared>>
        tpu.wait_indirect_dma semaphore(%run_scoped3A_104 : memref<!tpu.dma_semaphore, #tpu.memory_space<semaphore_mem>>) src(%arg8 : memref<128x128xf32, #tpu.memory_space<vmem>>) dst(%dma_wait3A_116 : memref<10240x128xf32, #tpu.memory_space<vmem_shared>>)
        tpu.yield
      }) : () -> ()
    }
    %while3A_52 = arith.constant 1 : i32
    scf.for %while3A_69 = %while3A_50 to %while3A_46 step %while3A_52  : i32 {
      %mul3A_70 = arith.muli %while3A_69, %while3A : i32
      %add3A_71 = arith.addi %while3A_43, %mul3A_70 : i32
      %add3A_72 = arith.constant 1 : i32
      %add3A_73 = arith.addi %add3A_71, %add3A_72 : i32
      %add3A_74 = arith.addi %add3A_4, %add3A_73 : i32
      %mul3A_75 = arith.constant 128 : i32
      %mul3A_76 = arith.muli %add3A_74, %mul3A_75 : i32
      "tpu.region"() ({
        %run_scoped3A_104 = tpu.sem_alloc : memref<!tpu.dma_semaphore, #tpu.memory_space<semaphore_mem>>
        %dma_start3A_105 = arith.constant 0 : i32
        %dma_start3A_106 = tpu.memref_slice %arg3[%dma_start3A_105, %mul3A_76] : memref<2x320000xi32, #tpu.memory_space<hbm>> -> memref<2x128xi32, #tpu.memory_space<hbm>>
        %dma_start3A_107 = arith.constant 0 : i32
        %dma_start3A_108 = tpu.memref_slice %arg3[%dma_start3A_107, %mul3A_76] : memref<2x320000xi32, #tpu.memory_space<hbm>> -> memref<2x128xi32, #tpu.memory_space<hbm>>
        tpu.enqueue_dma source(%dma_start3A_108 : memref<2x128xi32, #tpu.memory_space<hbm>>) target(%arg6 : memref<2x128xi32, #tpu.memory_space<vmem>>) target_semaphore(%run_scoped3A_104 : memref<!tpu.dma_semaphore, #tpu.memory_space<semaphore_mem>>)
        %dma_wait3A_109 = arith.constant 0 : i32
        %dma_wait3A_110 = tpu.memref_slice %arg3[%dma_wait3A_109, %mul3A_76] : memref<2x320000xi32, #tpu.memory_space<hbm>> -> memref<2x128xi32, #tpu.memory_space<hbm>>
        %dma_wait3A_111 = arith.constant 0 : i32
        %dma_wait3A_112 = tpu.memref_slice %arg3[%dma_wait3A_111, %mul3A_76] : memref<2x320000xi32, #tpu.memory_space<hbm>> -> memref<2x128xi32, #tpu.memory_space<hbm>>
        tpu.wait_dma2 semaphore(%run_scoped3A_104 : memref<!tpu.dma_semaphore, #tpu.memory_space<semaphore_mem>>) src(%dma_wait3A_112 : memref<2x128xi32, #tpu.memory_space<hbm>>) dst(%arg6 : memref<2x128xi32, #tpu.memory_space<vmem>>)
        tpu.yield
      }) : () -> ()
      %dma_start3A_77 = arith.constant 0 : i32
      %dma_start3A_78 = arith.constant 0 : i32
      %dma_start3A_79 = tpu.memref_slice %arg6[%dma_start3A_77, %dma_start3A_78] : memref<2x128xi32, #tpu.memory_space<vmem>> -> memref<1x128xi32, #tpu.memory_space<vmem>>
      %dma_start3A_80 = tpu.memref_squeeze %dma_start3A_79 : memref<1x128xi32, #tpu.memory_space<vmem>> -> memref<128xi32, #tpu.memory_space<vmem>>
      %dma_start3A_81 = arith.constant 0 : i32
      %dma_start3A_82 = arith.constant 0 : i32
      %dma_start3A_83 = tpu.memref_slice %arg2[%dma_start3A_81, %dma_start3A_82] : memref<10000x128xf32, #tpu.memory_space<hbm>> -> memref<10000x128xf32, #tpu.memory_space<hbm>>
      tpu.enqueue_indirect_dma source(%dma_start3A_83 : memref<10000x128xf32, #tpu.memory_space<hbm>>) target(%arg8 : memref<128x128xf32, #tpu.memory_space<vmem>>) offsets(%dma_start3A_80 : memref<128xi32, #tpu.memory_space<vmem>>) semaphore(%arg11 : memref<!tpu.dma_semaphore, #tpu.memory_space<semaphore_mem>>)
      %dma_wait3A = arith.constant 0 : i32
      %dma_wait3A_84 = arith.constant 0 : i32
      %dma_wait3A_85 = tpu.memref_slice %arg5[%dma_wait3A, %dma_wait3A_84] : memref<2x128xi32, #tpu.memory_space<vmem>> -> memref<1x128xi32, #tpu.memory_space<vmem>>
      %dma_wait3A_86 = tpu.memref_squeeze %dma_wait3A_85 : memref<1x128xi32, #tpu.memory_space<vmem>> -> memref<128xi32, #tpu.memory_space<vmem>>
      %dma_wait3A_87 = arith.constant 0 : i32
      %dma_wait3A_88 = arith.constant 0 : i32
      %dma_wait3A_89 = tpu.memref_slice %arg2[%dma_wait3A_87, %dma_wait3A_88] : memref<10000x128xf32, #tpu.memory_space<hbm>> -> memref<10000x128xf32, #tpu.memory_space<hbm>>
      tpu.wait_indirect_dma semaphore(%arg10 : memref<!tpu.dma_semaphore, #tpu.memory_space<semaphore_mem>>) src(%dma_wait3A_89 : memref<10000x128xf32, #tpu.memory_space<hbm>>) dst(%arg7 : memref<128x128xf32, #tpu.memory_space<vmem>>)
      %run_scoped3A = arith.constant 1 : i32
      "tpu.region"() ({
        %run_scoped3A_104 = tpu.sem_alloc : memref<!tpu.dma_semaphore, #tpu.memory_space<semaphore_mem>>
        %dma_start3A_105 = arith.constant 0 : i32
        %dma_start3A_106 = tpu.memref_slice %arg5[%run_scoped3A, %dma_start3A_105] : memref<2x128xi32, #tpu.memory_space<vmem>> -> memref<1x128xi32, #tpu.memory_space<vmem>>
        %dma_start3A_107 = tpu.memref_squeeze %dma_start3A_106 : memref<1x128xi32, #tpu.memory_space<vmem>> -> memref<128xi32, #tpu.memory_space<vmem>>
        %dma_start3A_108 = arith.constant 0 : i32
        %dma_start3A_109 = arith.constant 0 : i32
        %dma_start3A_110 = tpu.memref_slice %arg9[%dma_start3A_108, %dma_start3A_109] : memref<10240x128xf32, #tpu.memory_space<vmem_shared>> -> memref<10240x128xf32, #tpu.memory_space<vmem_shared>>
        tpu.enqueue_indirect_dma source(%arg7 : memref<128x128xf32, #tpu.memory_space<vmem>>) target(%dma_start3A_110 : memref<10240x128xf32, #tpu.memory_space<vmem_shared>>) offsets(%dma_start3A_107 : memref<128xi32, #tpu.memory_space<vmem>>) semaphore(%run_scoped3A_104 : memref<!tpu.dma_semaphore, #tpu.memory_space<semaphore_mem>>) {add = true}
        %dma_wait3A_111 = arith.constant 0 : i32
        %dma_wait3A_112 = tpu.memref_slice %arg5[%run_scoped3A, %dma_wait3A_111] : memref<2x128xi32, #tpu.memory_space<vmem>> -> memref<1x128xi32, #tpu.memory_space<vmem>>
        %dma_wait3A_113 = tpu.memref_squeeze %dma_wait3A_112 : memref<1x128xi32, #tpu.memory_space<vmem>> -> memref<128xi32, #tpu.memory_space<vmem>>
        %dma_wait3A_114 = arith.constant 0 : i32
        %dma_wait3A_115 = arith.constant 0 : i32
        %dma_wait3A_116 = tpu.memref_slice %arg9[%dma_wait3A_114, %dma_wait3A_115] : memref<10240x128xf32, #tpu.memory_space<vmem_shared>> -> memref<10240x128xf32, #tpu.memory_space<vmem_shared>>
        tpu.wait_indirect_dma semaphore(%run_scoped3A_104 : memref<!tpu.dma_semaphore, #tpu.memory_space<semaphore_mem>>) src(%arg7 : memref<128x128xf32, #tpu.memory_space<vmem>>) dst(%dma_wait3A_116 : memref<10240x128xf32, #tpu.memory_space<vmem_shared>>)
        tpu.yield
      }) : () -> ()
      %add3A_90 = arith.constant 2 : i32
      %add3A_91 = arith.addi %add3A_71, %add3A_90 : i32
      %lt3A_92 = arith.cmpi slt, %add3A_91, %add3A_8 : i32
      %convert_element_type3A_93 = arith.extui %lt3A_92 : i1 to i32
      %cond3A_94 = arith.constant 0 : i32
      %cond3A_95 = arith.cmpi ne, %convert_element_type3A_93, %cond3A_94 : i32
      scf.if %cond3A_95 {
        %add3A_104 = arith.constant 2 : i32
        %add3A_105 = arith.addi %add3A_71, %add3A_104 : i32
        %add3A_106 = arith.addi %add3A_4, %add3A_105 : i32
        %mul3A_107 = arith.constant 128 : i32
        %mul3A_108 = arith.muli %add3A_106, %mul3A_107 : i32
        "tpu.region"() ({
          %run_scoped3A_116 = tpu.sem_alloc : memref<!tpu.dma_semaphore, #tpu.memory_space<semaphore_mem>>
          %dma_start3A_117 = arith.constant 0 : i32
          %dma_start3A_118 = tpu.memref_slice %arg3[%dma_start3A_117, %mul3A_108] : memref<2x320000xi32, #tpu.memory_space<hbm>> -> memref<2x128xi32, #tpu.memory_space<hbm>>
          %dma_start3A_119 = arith.constant 0 : i32
          %dma_start3A_120 = tpu.memref_slice %arg3[%dma_start3A_119, %mul3A_108] : memref<2x320000xi32, #tpu.memory_space<hbm>> -> memref<2x128xi32, #tpu.memory_space<hbm>>
          tpu.enqueue_dma source(%dma_start3A_120 : memref<2x128xi32, #tpu.memory_space<hbm>>) target(%arg5 : memref<2x128xi32, #tpu.memory_space<vmem>>) target_semaphore(%run_scoped3A_116 : memref<!tpu.dma_semaphore, #tpu.memory_space<semaphore_mem>>)
          %dma_wait3A_121 = arith.constant 0 : i32
          %dma_wait3A_122 = tpu.memref_slice %arg3[%dma_wait3A_121, %mul3A_108] : memref<2x320000xi32, #tpu.memory_space<hbm>> -> memref<2x128xi32, #tpu.memory_space<hbm>>
          %dma_wait3A_123 = arith.constant 0 : i32
          %dma_wait3A_124 = tpu.memref_slice %arg3[%dma_wait3A_123, %mul3A_108] : memref<2x320000xi32, #tpu.memory_space<hbm>> -> memref<2x128xi32, #tpu.memory_space<hbm>>
          tpu.wait_dma2 semaphore(%run_scoped3A_116 : memref<!tpu.dma_semaphore, #tpu.memory_space<semaphore_mem>>) src(%dma_wait3A_124 : memref<2x128xi32, #tpu.memory_space<hbm>>) dst(%arg5 : memref<2x128xi32, #tpu.memory_space<vmem>>)
          tpu.yield
        }) : () -> ()
        %dma_start3A_109 = arith.constant 0 : i32
        %dma_start3A_110 = arith.constant 0 : i32
        %dma_start3A_111 = tpu.memref_slice %arg5[%dma_start3A_109, %dma_start3A_110] : memref<2x128xi32, #tpu.memory_space<vmem>> -> memref<1x128xi32, #tpu.memory_space<vmem>>
        %dma_start3A_112 = tpu.memref_squeeze %dma_start3A_111 : memref<1x128xi32, #tpu.memory_space<vmem>> -> memref<128xi32, #tpu.memory_space<vmem>>
        %dma_start3A_113 = arith.constant 0 : i32
        %dma_start3A_114 = arith.constant 0 : i32
        %dma_start3A_115 = tpu.memref_slice %arg2[%dma_start3A_113, %dma_start3A_114] : memref<10000x128xf32, #tpu.memory_space<hbm>> -> memref<10000x128xf32, #tpu.memory_space<hbm>>
        tpu.enqueue_indirect_dma source(%dma_start3A_115 : memref<10000x128xf32, #tpu.memory_space<hbm>>) target(%arg7 : memref<128x128xf32, #tpu.memory_space<vmem>>) offsets(%dma_start3A_112 : memref<128xi32, #tpu.memory_space<vmem>>) semaphore(%arg10 : memref<!tpu.dma_semaphore, #tpu.memory_space<semaphore_mem>>)
      } else {
      }
      %dma_wait3A_96 = arith.constant 0 : i32
      %dma_wait3A_97 = arith.constant 0 : i32
      %dma_wait3A_98 = tpu.memref_slice %arg6[%dma_wait3A_96, %dma_wait3A_97] : memref<2x128xi32, #tpu.memory_space<vmem>> -> memref<1x128xi32, #tpu.memory_space<vmem>>
      %dma_wait3A_99 = tpu.memref_squeeze %dma_wait3A_98 : memref<1x128xi32, #tpu.memory_space<vmem>> -> memref<128xi32, #tpu.memory_space<vmem>>
      %dma_wait3A_100 = arith.constant 0 : i32
      %dma_wait3A_101 = arith.constant 0 : i32
      %dma_wait3A_102 = tpu.memref_slice %arg2[%dma_wait3A_100, %dma_wait3A_101] : memref<10000x128xf32, #tpu.memory_space<hbm>> -> memref<10000x128xf32, #tpu.memory_space<hbm>>
      tpu.wait_indirect_dma semaphore(%arg11 : memref<!tpu.dma_semaphore, #tpu.memory_space<semaphore_mem>>) src(%dma_wait3A_102 : memref<10000x128xf32, #tpu.memory_space<hbm>>) dst(%arg8 : memref<128x128xf32, #tpu.memory_space<vmem>>)
      %run_scoped3A_103 = arith.constant 1 : i32
      "tpu.region"() ({
        %run_scoped3A_104 = tpu.sem_alloc : memref<!tpu.dma_semaphore, #tpu.memory_space<semaphore_mem>>
        %dma_start3A_105 = arith.constant 0 : i32
        %dma_start3A_106 = tpu.memref_slice %arg6[%run_scoped3A_103, %dma_start3A_105] : memref<2x128xi32, #tpu.memory_space<vmem>> -> memref<1x128xi32, #tpu.memory_space<vmem>>
        %dma_start3A_107 = tpu.memref_squeeze %dma_start3A_106 : memref<1x128xi32, #tpu.memory_space<vmem>> -> memref<128xi32, #tpu.memory_space<vmem>>
        %dma_start3A_108 = arith.constant 0 : i32
        %dma_start3A_109 = arith.constant 0 : i32
        %dma_start3A_110 = tpu.memref_slice %arg9[%dma_start3A_108, %dma_start3A_109] : memref<10240x128xf32, #tpu.memory_space<vmem_shared>> -> memref<10240x128xf32, #tpu.memory_space<vmem_shared>>
        tpu.enqueue_indirect_dma source(%arg8 : memref<128x128xf32, #tpu.memory_space<vmem>>) target(%dma_start3A_110 : memref<10240x128xf32, #tpu.memory_space<vmem_shared>>) offsets(%dma_start3A_107 : memref<128xi32, #tpu.memory_space<vmem>>) semaphore(%run_scoped3A_104 : memref<!tpu.dma_semaphore, #tpu.memory_space<semaphore_mem>>) {add = true}
        %dma_wait3A_111 = arith.constant 0 : i32
        %dma_wait3A_112 = tpu.memref_slice %arg6[%run_scoped3A_103, %dma_wait3A_111] : memref<2x128xi32, #tpu.memory_space<vmem>> -> memref<1x128xi32, #tpu.memory_space<vmem>>
        %dma_wait3A_113 = tpu.memref_squeeze %dma_wait3A_112 : memref<1x128xi32, #tpu.memory_space<vmem>> -> memref<128xi32, #tpu.memory_space<vmem>>
        %dma_wait3A_114 = arith.constant 0 : i32
        %dma_wait3A_115 = arith.constant 0 : i32
        %dma_wait3A_116 = tpu.memref_slice %arg9[%dma_wait3A_114, %dma_wait3A_115] : memref<10240x128xf32, #tpu.memory_space<vmem_shared>> -> memref<10240x128xf32, #tpu.memory_space<vmem_shared>>
        tpu.wait_indirect_dma semaphore(%run_scoped3A_104 : memref<!tpu.dma_semaphore, #tpu.memory_space<semaphore_mem>>) src(%arg8 : memref<128x128xf32, #tpu.memory_space<vmem>>) dst(%dma_wait3A_116 : memref<10240x128xf32, #tpu.memory_space<vmem_shared>>)
        tpu.yield
      }) : () -> ()
    }
    %jit3A_53 = arith.constant 2 : i32
    %eq3A = arith.constant 0 : i32
    %eq3A_54 = arith.cmpi eq, %jit3A_53, %eq3A : i32
    %jit3A_55 = arith.constant 1 : i32
    %select_n3A_56 = arith.select %eq3A_54, %jit3A_55, %jit3A_53 : i32
    %rem3A = arith.remsi %add3A_8, %select_n3A_56 : i32
    %ne3A = arith.constant 0 : i32
    %ne3A_57 = arith.cmpi ne, %rem3A, %ne3A : i32
    %lt3A_58 = arith.constant 0 : i32
    %lt3A_59 = arith.cmpi slt, %rem3A, %lt3A_58 : i32
    %lt3A_60 = arith.constant 0 : i32
    %lt3A_61 = arith.cmpi slt, %select_n3A_56, %lt3A_60 : i32
    %ne3A_62 = arith.xori %lt3A_59, %lt3A_61 : i1
    %and3A = arith.andi %ne3A_62, %ne3A_57 : i1
    %add3A_63 = arith.addi %rem3A, %select_n3A_56 : i32
    %select_n3A_64 = arith.select %and3A, %add3A_63, %rem3A : i32
    %eq3A_65 = arith.constant 1 : i32
    %eq3A_66 = arith.cmpi eq, %select_n3A_64, %eq3A_65 : i32
    %convert_element_type3A = arith.extui %eq3A_66 : i1 to i32
    %cond3A = arith.constant 0 : i32
    %cond3A_67 = arith.cmpi ne, %convert_element_type3A, %cond3A : i32
    scf.if %cond3A_67 {
      %dma_wait3A = arith.constant 0 : i32
      %dma_wait3A_69 = arith.constant 0 : i32
      %dma_wait3A_70 = tpu.memref_slice %arg5[%dma_wait3A, %dma_wait3A_69] : memref<2x128xi32, #tpu.memory_space<vmem>> -> memref<1x128xi32, #tpu.memory_space<vmem>>
      %dma_wait3A_71 = tpu.memref_squeeze %dma_wait3A_70 : memref<1x128xi32, #tpu.memory_space<vmem>> -> memref<128xi32, #tpu.memory_space<vmem>>
      %dma_wait3A_72 = arith.constant 0 : i32
      %dma_wait3A_73 = arith.constant 0 : i32
      %dma_wait3A_74 = tpu.memref_slice %arg2[%dma_wait3A_72, %dma_wait3A_73] : memref<10000x128xf32, #tpu.memory_space<hbm>> -> memref<10000x128xf32, #tpu.memory_space<hbm>>
      tpu.wait_indirect_dma semaphore(%arg10 : memref<!tpu.dma_semaphore, #tpu.memory_space<semaphore_mem>>) src(%dma_wait3A_74 : memref<10000x128xf32, #tpu.memory_space<hbm>>) dst(%arg7 : memref<128x128xf32, #tpu.memory_space<vmem>>)
      %run_scoped3A = arith.constant 1 : i32
      "tpu.region"() ({
        %run_scoped3A_75 = tpu.sem_alloc : memref<!tpu.dma_semaphore, #tpu.memory_space<semaphore_mem>>
        %dma_start3A_76 = arith.constant 0 : i32
        %dma_start3A_77 = tpu.memref_slice %arg5[%run_scoped3A, %dma_start3A_76] : memref<2x128xi32, #tpu.memory_space<vmem>> -> memref<1x128xi32, #tpu.memory_space<vmem>>
        %dma_start3A_78 = tpu.memref_squeeze %dma_start3A_77 : memref<1x128xi32, #tpu.memory_space<vmem>> -> memref<128xi32, #tpu.memory_space<vmem>>
        %dma_start3A_79 = arith.constant 0 : i32
        %dma_start3A_80 = arith.constant 0 : i32
        %dma_start3A_81 = tpu.memref_slice %arg9[%dma_start3A_79, %dma_start3A_80] : memref<10240x128xf32, #tpu.memory_space<vmem_shared>> -> memref<10240x128xf32, #tpu.memory_space<vmem_shared>>
        tpu.enqueue_indirect_dma source(%arg7 : memref<128x128xf32, #tpu.memory_space<vmem>>) target(%dma_start3A_81 : memref<10240x128xf32, #tpu.memory_space<vmem_shared>>) offsets(%dma_start3A_78 : memref<128xi32, #tpu.memory_space<vmem>>) semaphore(%run_scoped3A_75 : memref<!tpu.dma_semaphore, #tpu.memory_space<semaphore_mem>>) {add = true}
        %dma_wait3A_82 = arith.constant 0 : i32
        %dma_wait3A_83 = tpu.memref_slice %arg5[%run_scoped3A, %dma_wait3A_82] : memref<2x128xi32, #tpu.memory_space<vmem>> -> memref<1x128xi32, #tpu.memory_space<vmem>>
        %dma_wait3A_84 = tpu.memref_squeeze %dma_wait3A_83 : memref<1x128xi32, #tpu.memory_space<vmem>> -> memref<128xi32, #tpu.memory_space<vmem>>
        %dma_wait3A_85 = arith.constant 0 : i32
        %dma_wait3A_86 = arith.constant 0 : i32
        %dma_wait3A_87 = tpu.memref_slice %arg9[%dma_wait3A_85, %dma_wait3A_86] : memref<10240x128xf32, #tpu.memory_space<vmem_shared>> -> memref<10240x128xf32, #tpu.memory_space<vmem_shared>>
        tpu.wait_indirect_dma semaphore(%run_scoped3A_75 : memref<!tpu.dma_semaphore, #tpu.memory_space<semaphore_mem>>) src(%arg7 : memref<128x128xf32, #tpu.memory_space<vmem>>) dst(%dma_wait3A_87 : memref<10240x128xf32, #tpu.memory_space<vmem_shared>>)
        tpu.yield
      }) : () -> ()
    } else {
    }
    %barrier3A_68 = arith.constant 0 : index
    tpu.barrier barrier_id(%barrier3A_68)
    "tpu.region"() ({
      %run_scoped3A = tpu.sem_alloc : memref<!tpu.dma_semaphore, #tpu.memory_space<semaphore_mem>>
      %dma_start3A_69 = arith.constant 0 : i32
      %dma_start3A_70 = tpu.memref_slice %arg4[%arg0, %mul3A_10, %dma_start3A_69] : memref<2x10240x128xf32, #tpu.memory_space<hbm>> -> memref<1x640x128xf32, #tpu.memory_space<hbm>>
      %dma_start3A_71 = tpu.memref_squeeze %dma_start3A_70 : memref<1x640x128xf32, #tpu.memory_space<hbm>> -> memref<640x128xf32, #tpu.memory_space<hbm>>
      %dma_start3A_72 = arith.constant 0 : i32
      %dma_start3A_73 = tpu.memref_slice %arg9[%mul3A_10, %dma_start3A_72] : memref<10240x128xf32, #tpu.memory_space<vmem_shared>> -> memref<640x128xf32, #tpu.memory_space<vmem_shared>>
      tpu.enqueue_dma source(%dma_start3A_73 : memref<640x128xf32, #tpu.memory_space<vmem_shared>>) target(%dma_start3A_71 : memref<640x128xf32, #tpu.memory_space<hbm>>) target_semaphore(%run_scoped3A : memref<!tpu.dma_semaphore, #tpu.memory_space<semaphore_mem>>)
      %dma_wait3A = arith.constant 0 : i32
      %dma_wait3A_74 = tpu.memref_slice %arg4[%arg0, %mul3A_10, %dma_wait3A] : memref<2x10240x128xf32, #tpu.memory_space<hbm>> -> memref<1x640x128xf32, #tpu.memory_space<hbm>>
      %dma_wait3A_75 = tpu.memref_squeeze %dma_wait3A_74 : memref<1x640x128xf32, #tpu.memory_space<hbm>> -> memref<640x128xf32, #tpu.memory_space<hbm>>
      %dma_wait3A_76 = arith.constant 0 : i32
      %dma_wait3A_77 = tpu.memref_slice %arg9[%mul3A_10, %dma_wait3A_76] : memref<10240x128xf32, #tpu.memory_space<vmem_shared>> -> memref<640x128xf32, #tpu.memory_space<vmem_shared>>
      tpu.wait_dma2 semaphore(%run_scoped3A : memref<!tpu.dma_semaphore, #tpu.memory_space<semaphore_mem>>) src(%dma_wait3A_77 : memref<640x128xf32, #tpu.memory_space<vmem_shared>>) dst(%dma_wait3A_75 : memref<640x128xf32, #tpu.memory_space<hbm>>)
      tpu.yield
    }) : () -> ()
    return
  }
}

#map = affine_map<(d0, d1) -> (0, 0)>
#map1 = affine_map<(d0, d1) -> (0, 0, 0)>
module attributes {stable_mosaic.version = 14 : i64} {
  func.func @_agg_body(%arg0: i32, %arg1: i32, %arg2: memref<10000x128xf32, #tpu.memory_space<hbm>>, %arg3: memref<2x320000xi32, #tpu.memory_space<hbm>>, %arg4: memref<2x10240x128xf32, #tpu.memory_space<hbm>>, %arg5: memref<2x10240x128xf32, #tpu.memory_space<hbm>>, %arg6: memref<2x128xi32, #tpu.memory_space<vmem>>, %arg7: memref<2x128xi32, #tpu.memory_space<vmem>>, %arg8: memref<128x128xf32, #tpu.memory_space<vmem>>, %arg9: memref<128x128xf32, #tpu.memory_space<vmem>>, %arg10: memref<10240x128xf32, #tpu.memory_space<vmem_shared>>, %arg11: memref<!tpu.dma_semaphore, #tpu.memory_space<semaphore_mem>>, %arg12: memref<!tpu.dma_semaphore, #tpu.memory_space<semaphore_mem>>) attributes {dimension_semantics = [#tpu.dimension_semantics<core_parallel>, #tpu.dimension_semantics<subcore_parallel>], iteration_bounds = array<i64: 2, 16>, scalar_prefetch = 0 : i64, scratch_operands = 7 : i64, tpu.core_type = #tpu.core_type<sc_vector_subcore>, window_params = [{transform_indices = #map}, {transform_indices = #map}, {transform_indices = #map1}, {transform_indices = #map1}]} {
    %mul3A = arith.constant 16 : i32
    %mul3A_0 = arith.muli %arg0, %mul3A : i32
    %add3A = arith.addi %mul3A_0, %arg1 : i32
    %mul3A_1 = arith.constant 78 : i32
    %mul3A_2 = arith.muli %add3A, %mul3A_1 : i32
    %min3A = arith.constant 4 : i32
    %min3A_3 = arith.minsi %add3A, %min3A : i32
    %add3A_4 = arith.addi %mul3A_2, %min3A_3 : i32
    %lt3A = arith.constant 4 : i32
    %lt3A_5 = arith.cmpi slt, %add3A, %lt3A : i32
    %jit3A = arith.constant 1 : i32
    %jit3A_6 = arith.constant 0 : i32
    %select_n3A = arith.select %lt3A_5, %jit3A, %jit3A_6 : i32
    %add3A_7 = arith.constant 78 : i32
    %add3A_8 = arith.addi %add3A_7, %select_n3A : i32
    %mul3A_9 = arith.constant 640 : i32
    %mul3A_10 = arith.muli %arg1, %mul3A_9 : i32
    %scan3A = arith.constant 0 : i32
    %scan3A_11 = arith.constant 128 : i32
    %scan3A_12 = arith.addi %scan3A, %scan3A_11 : i32
    %scan3A_13 = arith.constant 1 : i32
    scf.for %scan3A_141 = %scan3A to %scan3A_12 step %scan3A_13  : i32 {
      %mul3A_142 = arith.constant 1 : i32
      %mul3A_143 = arith.muli %scan3A_141, %mul3A_142 : i32
      %add3A_144 = arith.constant 0 : i32
      %add3A_145 = arith.addi %add3A_144, %mul3A_143 : i32
      %broadcast_in_dim3A = arith.constant 0.000000e+00 : f32
      %broadcast_in_dim3A_146 = vector.broadcast %broadcast_in_dim3A : f32 to vector<16xf32>
      %swap3A = arith.index_cast %add3A_145 : i32 to index
      %swap3A_147 = arith.constant 0 : index
      %swap3A_148 = tpu.vector_load %arg8[%swap3A, %swap3A_147] {strides = array<i32>} : memref<128x128xf32, #tpu.memory_space<vmem>>, vector<1x16xf32>,
      %swap3A_149 = vector.shape_cast %swap3A_148 : vector<1x16xf32> to vector<16xf32>
      %swap3A_150 = vector.shape_cast %broadcast_in_dim3A_146 : vector<16xf32> to vector<1x16xf32>
      tpu.vector_store %arg8[%swap3A, %swap3A_147], %swap3A_150 {strides = array<i32>} : memref<128x128xf32, #tpu.memory_space<vmem>>, vector<1x16xf32>,
      %broadcast_in_dim3A_151 = arith.constant 0.000000e+00 : f32
      %broadcast_in_dim3A_152 = vector.broadcast %broadcast_in_dim3A_151 : f32 to vector<16xf32>
      %swap3A_153 = arith.index_cast %add3A_145 : i32 to index
      %swap3A_154 = arith.constant 16 : index
      %swap3A_155 = tpu.vector_load %arg8[%swap3A_153, %swap3A_154] {strides = array<i32>} : memref<128x128xf32, #tpu.memory_space<vmem>>, vector<1x16xf32>,
      %swap3A_156 = vector.shape_cast %swap3A_155 : vector<1x16xf32> to vector<16xf32>
      %swap3A_157 = vector.shape_cast %broadcast_in_dim3A_152 : vector<16xf32> to vector<1x16xf32>
      tpu.vector_store %arg8[%swap3A_153, %swap3A_154], %swap3A_157 {strides = array<i32>} : memref<128x128xf32, #tpu.memory_space<vmem>>, vector<1x16xf32>,
      %broadcast_in_dim3A_158 = arith.constant 0.000000e+00 : f32
      %broadcast_in_dim3A_159 = vector.broadcast %broadcast_in_dim3A_158 : f32 to vector<16xf32>
      %swap3A_160 = arith.index_cast %add3A_145 : i32 to index
      %swap3A_161 = arith.constant 32 : index
      %swap3A_162 = tpu.vector_load %arg8[%swap3A_160, %swap3A_161] {strides = array<i32>} : memref<128x128xf32, #tpu.memory_space<vmem>>, vector<1x16xf32>,
      %swap3A_163 = vector.shape_cast %swap3A_162 : vector<1x16xf32> to vector<16xf32>
      %swap3A_164 = vector.shape_cast %broadcast_in_dim3A_159 : vector<16xf32> to vector<1x16xf32>
      tpu.vector_store %arg8[%swap3A_160, %swap3A_161], %swap3A_164 {strides = array<i32>} : memref<128x128xf32, #tpu.memory_space<vmem>>, vector<1x16xf32>,
      %broadcast_in_dim3A_165 = arith.constant 0.000000e+00 : f32
      %broadcast_in_dim3A_166 = vector.broadcast %broadcast_in_dim3A_165 : f32 to vector<16xf32>
      %swap3A_167 = arith.index_cast %add3A_145 : i32 to index
      %swap3A_168 = arith.constant 48 : index
      %swap3A_169 = tpu.vector_load %arg8[%swap3A_167, %swap3A_168] {strides = array<i32>} : memref<128x128xf32, #tpu.memory_space<vmem>>, vector<1x16xf32>,
      %swap3A_170 = vector.shape_cast %swap3A_169 : vector<1x16xf32> to vector<16xf32>
      %swap3A_171 = vector.shape_cast %broadcast_in_dim3A_166 : vector<16xf32> to vector<1x16xf32>
      tpu.vector_store %arg8[%swap3A_167, %swap3A_168], %swap3A_171 {strides = array<i32>} : memref<128x128xf32, #tpu.memory_space<vmem>>, vector<1x16xf32>,
      %broadcast_in_dim3A_172 = arith.constant 0.000000e+00 : f32
      %broadcast_in_dim3A_173 = vector.broadcast %broadcast_in_dim3A_172 : f32 to vector<16xf32>
      %swap3A_174 = arith.index_cast %add3A_145 : i32 to index
      %swap3A_175 = arith.constant 64 : index
      %swap3A_176 = tpu.vector_load %arg8[%swap3A_174, %swap3A_175] {strides = array<i32>} : memref<128x128xf32, #tpu.memory_space<vmem>>, vector<1x16xf32>,
      %swap3A_177 = vector.shape_cast %swap3A_176 : vector<1x16xf32> to vector<16xf32>
      %swap3A_178 = vector.shape_cast %broadcast_in_dim3A_173 : vector<16xf32> to vector<1x16xf32>
      tpu.vector_store %arg8[%swap3A_174, %swap3A_175], %swap3A_178 {strides = array<i32>} : memref<128x128xf32, #tpu.memory_space<vmem>>, vector<1x16xf32>,
      %broadcast_in_dim3A_179 = arith.constant 0.000000e+00 : f32
      %broadcast_in_dim3A_180 = vector.broadcast %broadcast_in_dim3A_179 : f32 to vector<16xf32>
      %swap3A_181 = arith.index_cast %add3A_145 : i32 to index
      %swap3A_182 = arith.constant 80 : index
      %swap3A_183 = tpu.vector_load %arg8[%swap3A_181, %swap3A_182] {strides = array<i32>} : memref<128x128xf32, #tpu.memory_space<vmem>>, vector<1x16xf32>,
      %swap3A_184 = vector.shape_cast %swap3A_183 : vector<1x16xf32> to vector<16xf32>
      %swap3A_185 = vector.shape_cast %broadcast_in_dim3A_180 : vector<16xf32> to vector<1x16xf32>
      tpu.vector_store %arg8[%swap3A_181, %swap3A_182], %swap3A_185 {strides = array<i32>} : memref<128x128xf32, #tpu.memory_space<vmem>>, vector<1x16xf32>,
      %broadcast_in_dim3A_186 = arith.constant 0.000000e+00 : f32
      %broadcast_in_dim3A_187 = vector.broadcast %broadcast_in_dim3A_186 : f32 to vector<16xf32>
      %swap3A_188 = arith.index_cast %add3A_145 : i32 to index
      %swap3A_189 = arith.constant 96 : index
      %swap3A_190 = tpu.vector_load %arg8[%swap3A_188, %swap3A_189] {strides = array<i32>} : memref<128x128xf32, #tpu.memory_space<vmem>>, vector<1x16xf32>,
      %swap3A_191 = vector.shape_cast %swap3A_190 : vector<1x16xf32> to vector<16xf32>
      %swap3A_192 = vector.shape_cast %broadcast_in_dim3A_187 : vector<16xf32> to vector<1x16xf32>
      tpu.vector_store %arg8[%swap3A_188, %swap3A_189], %swap3A_192 {strides = array<i32>} : memref<128x128xf32, #tpu.memory_space<vmem>>, vector<1x16xf32>,
      %broadcast_in_dim3A_193 = arith.constant 0.000000e+00 : f32
      %broadcast_in_dim3A_194 = vector.broadcast %broadcast_in_dim3A_193 : f32 to vector<16xf32>
      %swap3A_195 = arith.index_cast %add3A_145 : i32 to index
      %swap3A_196 = arith.constant 112 : index
      %swap3A_197 = tpu.vector_load %arg8[%swap3A_195, %swap3A_196] {strides = array<i32>} : memref<128x128xf32, #tpu.memory_space<vmem>>, vector<1x16xf32>,
      %swap3A_198 = vector.shape_cast %swap3A_197 : vector<1x16xf32> to vector<16xf32>
      %swap3A_199 = vector.shape_cast %broadcast_in_dim3A_194 : vector<16xf32> to vector<1x16xf32>
      tpu.vector_store %arg8[%swap3A_195, %swap3A_196], %swap3A_199 {strides = array<i32>} : memref<128x128xf32, #tpu.memory_space<vmem>>, vector<1x16xf32>,
    }
    %scan3A_14 = arith.constant 128 : i32
    %add3A_15 = arith.constant 0 : i32
    %add3A_16 = arith.addi %mul3A_10, %add3A_15 : i32
    "tpu.region"() ({
      %run_scoped3A = tpu.sem_alloc : memref<!tpu.dma_semaphore, #tpu.memory_space<semaphore_mem>>
      %dma_start3A_141 = arith.constant 0 : i32
      %dma_start3A_142 = tpu.memref_slice %arg10[%add3A_16, %dma_start3A_141] : memref<10240x128xf32, #tpu.memory_space<vmem_shared>> -> memref<128x128xf32, #tpu.memory_space<vmem_shared>>
      %dma_start3A_143 = arith.constant 0 : i32
      %dma_start3A_144 = tpu.memref_slice %arg10[%add3A_16, %dma_start3A_143] : memref<10240x128xf32, #tpu.memory_space<vmem_shared>> -> memref<128x128xf32, #tpu.memory_space<vmem_shared>>
      tpu.enqueue_dma source(%arg8 : memref<128x128xf32, #tpu.memory_space<vmem>>) target(%dma_start3A_144 : memref<128x128xf32, #tpu.memory_space<vmem_shared>>) target_semaphore(%run_scoped3A : memref<!tpu.dma_semaphore, #tpu.memory_space<semaphore_mem>>)
      %dma_wait3A = arith.constant 0 : i32
      %dma_wait3A_145 = tpu.memref_slice %arg10[%add3A_16, %dma_wait3A] : memref<10240x128xf32, #tpu.memory_space<vmem_shared>> -> memref<128x128xf32, #tpu.memory_space<vmem_shared>>
      %dma_wait3A_146 = arith.constant 0 : i32
      %dma_wait3A_147 = tpu.memref_slice %arg10[%add3A_16, %dma_wait3A_146] : memref<10240x128xf32, #tpu.memory_space<vmem_shared>> -> memref<128x128xf32, #tpu.memory_space<vmem_shared>>
      tpu.wait_dma2 semaphore(%run_scoped3A : memref<!tpu.dma_semaphore, #tpu.memory_space<semaphore_mem>>) src(%arg8 : memref<128x128xf32, #tpu.memory_space<vmem>>) dst(%dma_wait3A_147 : memref<128x128xf32, #tpu.memory_space<vmem_shared>>)
      tpu.yield
    }) : () -> ()
    %add3A_17 = arith.constant 128 : i32
    %add3A_18 = arith.addi %mul3A_10, %add3A_17 : i32
    "tpu.region"() ({
      %run_scoped3A = tpu.sem_alloc : memref<!tpu.dma_semaphore, #tpu.memory_space<semaphore_mem>>
      %dma_start3A_141 = arith.constant 0 : i32
      %dma_start3A_142 = tpu.memref_slice %arg10[%add3A_18, %dma_start3A_141] : memref<10240x128xf32, #tpu.memory_space<vmem_shared>> -> memref<128x128xf32, #tpu.memory_space<vmem_shared>>
      %dma_start3A_143 = arith.constant 0 : i32
      %dma_start3A_144 = tpu.memref_slice %arg10[%add3A_18, %dma_start3A_143] : memref<10240x128xf32, #tpu.memory_space<vmem_shared>> -> memref<128x128xf32, #tpu.memory_space<vmem_shared>>
      tpu.enqueue_dma source(%arg8 : memref<128x128xf32, #tpu.memory_space<vmem>>) target(%dma_start3A_144 : memref<128x128xf32, #tpu.memory_space<vmem_shared>>) target_semaphore(%run_scoped3A : memref<!tpu.dma_semaphore, #tpu.memory_space<semaphore_mem>>)
      %dma_wait3A = arith.constant 0 : i32
      %dma_wait3A_145 = tpu.memref_slice %arg10[%add3A_18, %dma_wait3A] : memref<10240x128xf32, #tpu.memory_space<vmem_shared>> -> memref<128x128xf32, #tpu.memory_space<vmem_shared>>
      %dma_wait3A_146 = arith.constant 0 : i32
      %dma_wait3A_147 = tpu.memref_slice %arg10[%add3A_18, %dma_wait3A_146] : memref<10240x128xf32, #tpu.memory_space<vmem_shared>> -> memref<128x128xf32, #tpu.memory_space<vmem_shared>>
      tpu.wait_dma2 semaphore(%run_scoped3A : memref<!tpu.dma_semaphore, #tpu.memory_space<semaphore_mem>>) src(%arg8 : memref<128x128xf32, #tpu.memory_space<vmem>>) dst(%dma_wait3A_147 : memref<128x128xf32, #tpu.memory_space<vmem_shared>>)
      tpu.yield
    }) : () -> ()
    %add3A_19 = arith.constant 256 : i32
    %add3A_20 = arith.addi %mul3A_10, %add3A_19 : i32
    "tpu.region"() ({
      %run_scoped3A = tpu.sem_alloc : memref<!tpu.dma_semaphore, #tpu.memory_space<semaphore_mem>>
      %dma_start3A_141 = arith.constant 0 : i32
      %dma_start3A_142 = tpu.memref_slice %arg10[%add3A_20, %dma_start3A_141] : memref<10240x128xf32, #tpu.memory_space<vmem_shared>> -> memref<128x128xf32, #tpu.memory_space<vmem_shared>>
      %dma_start3A_143 = arith.constant 0 : i32
      %dma_start3A_144 = tpu.memref_slice %arg10[%add3A_20, %dma_start3A_143] : memref<10240x128xf32, #tpu.memory_space<vmem_shared>> -> memref<128x128xf32, #tpu.memory_space<vmem_shared>>
      tpu.enqueue_dma source(%arg8 : memref<128x128xf32, #tpu.memory_space<vmem>>) target(%dma_start3A_144 : memref<128x128xf32, #tpu.memory_space<vmem_shared>>) target_semaphore(%run_scoped3A : memref<!tpu.dma_semaphore, #tpu.memory_space<semaphore_mem>>)
      %dma_wait3A = arith.constant 0 : i32
      %dma_wait3A_145 = tpu.memref_slice %arg10[%add3A_20, %dma_wait3A] : memref<10240x128xf32, #tpu.memory_space<vmem_shared>> -> memref<128x128xf32, #tpu.memory_space<vmem_shared>>
      %dma_wait3A_146 = arith.constant 0 : i32
      %dma_wait3A_147 = tpu.memref_slice %arg10[%add3A_20, %dma_wait3A_146] : memref<10240x128xf32, #tpu.memory_space<vmem_shared>> -> memref<128x128xf32, #tpu.memory_space<vmem_shared>>
      tpu.wait_dma2 semaphore(%run_scoped3A : memref<!tpu.dma_semaphore, #tpu.memory_space<semaphore_mem>>) src(%arg8 : memref<128x128xf32, #tpu.memory_space<vmem>>) dst(%dma_wait3A_147 : memref<128x128xf32, #tpu.memory_space<vmem_shared>>)
      tpu.yield
    }) : () -> ()
    %add3A_21 = arith.constant 384 : i32
    %add3A_22 = arith.addi %mul3A_10, %add3A_21 : i32
    "tpu.region"() ({
      %run_scoped3A = tpu.sem_alloc : memref<!tpu.dma_semaphore, #tpu.memory_space<semaphore_mem>>
      %dma_start3A_141 = arith.constant 0 : i32
      %dma_start3A_142 = tpu.memref_slice %arg10[%add3A_22, %dma_start3A_141] : memref<10240x128xf32, #tpu.memory_space<vmem_shared>> -> memref<128x128xf32, #tpu.memory_space<vmem_shared>>
      %dma_start3A_143 = arith.constant 0 : i32
      %dma_start3A_144 = tpu.memref_slice %arg10[%add3A_22, %dma_start3A_143] : memref<10240x128xf32, #tpu.memory_space<vmem_shared>> -> memref<128x128xf32, #tpu.memory_space<vmem_shared>>
      tpu.enqueue_dma source(%arg8 : memref<128x128xf32, #tpu.memory_space<vmem>>) target(%dma_start3A_144 : memref<128x128xf32, #tpu.memory_space<vmem_shared>>) target_semaphore(%run_scoped3A : memref<!tpu.dma_semaphore, #tpu.memory_space<semaphore_mem>>)
      %dma_wait3A = arith.constant 0 : i32
      %dma_wait3A_145 = tpu.memref_slice %arg10[%add3A_22, %dma_wait3A] : memref<10240x128xf32, #tpu.memory_space<vmem_shared>> -> memref<128x128xf32, #tpu.memory_space<vmem_shared>>
      %dma_wait3A_146 = arith.constant 0 : i32
      %dma_wait3A_147 = tpu.memref_slice %arg10[%add3A_22, %dma_wait3A_146] : memref<10240x128xf32, #tpu.memory_space<vmem_shared>> -> memref<128x128xf32, #tpu.memory_space<vmem_shared>>
      tpu.wait_dma2 semaphore(%run_scoped3A : memref<!tpu.dma_semaphore, #tpu.memory_space<semaphore_mem>>) src(%arg8 : memref<128x128xf32, #tpu.memory_space<vmem>>) dst(%dma_wait3A_147 : memref<128x128xf32, #tpu.memory_space<vmem_shared>>)
      tpu.yield
    }) : () -> ()
    %add3A_23 = arith.constant 512 : i32
    %add3A_24 = arith.addi %mul3A_10, %add3A_23 : i32
    "tpu.region"() ({
      %run_scoped3A = tpu.sem_alloc : memref<!tpu.dma_semaphore, #tpu.memory_space<semaphore_mem>>
      %dma_start3A_141 = arith.constant 0 : i32
      %dma_start3A_142 = tpu.memref_slice %arg10[%add3A_24, %dma_start3A_141] : memref<10240x128xf32, #tpu.memory_space<vmem_shared>> -> memref<128x128xf32, #tpu.memory_space<vmem_shared>>
      %dma_start3A_143 = arith.constant 0 : i32
      %dma_start3A_144 = tpu.memref_slice %arg10[%add3A_24, %dma_start3A_143] : memref<10240x128xf32, #tpu.memory_space<vmem_shared>> -> memref<128x128xf32, #tpu.memory_space<vmem_shared>>
      tpu.enqueue_dma source(%arg8 : memref<128x128xf32, #tpu.memory_space<vmem>>) target(%dma_start3A_144 : memref<128x128xf32, #tpu.memory_space<vmem_shared>>) target_semaphore(%run_scoped3A : memref<!tpu.dma_semaphore, #tpu.memory_space<semaphore_mem>>)
      %dma_wait3A = arith.constant 0 : i32
      %dma_wait3A_145 = tpu.memref_slice %arg10[%add3A_24, %dma_wait3A] : memref<10240x128xf32, #tpu.memory_space<vmem_shared>> -> memref<128x128xf32, #tpu.memory_space<vmem_shared>>
      %dma_wait3A_146 = arith.constant 0 : i32
      %dma_wait3A_147 = tpu.memref_slice %arg10[%add3A_24, %dma_wait3A_146] : memref<10240x128xf32, #tpu.memory_space<vmem_shared>> -> memref<128x128xf32, #tpu.memory_space<vmem_shared>>
      tpu.wait_dma2 semaphore(%run_scoped3A : memref<!tpu.dma_semaphore, #tpu.memory_space<semaphore_mem>>) src(%arg8 : memref<128x128xf32, #tpu.memory_space<vmem>>) dst(%dma_wait3A_147 : memref<128x128xf32, #tpu.memory_space<vmem_shared>>)
      tpu.yield
    }) : () -> ()
    %barrier3A = arith.constant 0 : index
    tpu.barrier barrier_id(%barrier3A)
    %add3A_25 = arith.constant 0 : i32
    %add3A_26 = arith.addi %add3A_4, %add3A_25 : i32
    %mul3A_27 = arith.constant 128 : i32
    %mul3A_28 = arith.muli %add3A_26, %mul3A_27 : i32
    "tpu.region"() ({
      %run_scoped3A = tpu.sem_alloc : memref<!tpu.dma_semaphore, #tpu.memory_space<semaphore_mem>>
      %dma_start3A_141 = arith.constant 0 : i32
      %dma_start3A_142 = tpu.memref_slice %arg3[%dma_start3A_141, %mul3A_28] : memref<2x320000xi32, #tpu.memory_space<hbm>> -> memref<2x128xi32, #tpu.memory_space<hbm>>
      %dma_start3A_143 = arith.constant 0 : i32
      %dma_start3A_144 = tpu.memref_slice %arg3[%dma_start3A_143, %mul3A_28] : memref<2x320000xi32, #tpu.memory_space<hbm>> -> memref<2x128xi32, #tpu.memory_space<hbm>>
      tpu.enqueue_dma source(%dma_start3A_144 : memref<2x128xi32, #tpu.memory_space<hbm>>) target(%arg6 : memref<2x128xi32, #tpu.memory_space<vmem>>) target_semaphore(%run_scoped3A : memref<!tpu.dma_semaphore, #tpu.memory_space<semaphore_mem>>)
      %dma_wait3A = arith.constant 0 : i32
      %dma_wait3A_145 = tpu.memref_slice %arg3[%dma_wait3A, %mul3A_28] : memref<2x320000xi32, #tpu.memory_space<hbm>> -> memref<2x128xi32, #tpu.memory_space<hbm>>
      %dma_wait3A_146 = arith.constant 0 : i32
      %dma_wait3A_147 = tpu.memref_slice %arg3[%dma_wait3A_146, %mul3A_28] : memref<2x320000xi32, #tpu.memory_space<hbm>> -> memref<2x128xi32, #tpu.memory_space<hbm>>
      tpu.wait_dma2 semaphore(%run_scoped3A : memref<!tpu.dma_semaphore, #tpu.memory_space<semaphore_mem>>) src(%dma_wait3A_147 : memref<2x128xi32, #tpu.memory_space<hbm>>) dst(%arg6 : memref<2x128xi32, #tpu.memory_space<vmem>>)
      tpu.yield
    }) : () -> ()
    %dma_start3A = arith.constant 0 : i32
    %dma_start3A_29 = arith.constant 0 : i32
    %dma_start3A_30 = tpu.memref_slice %arg6[%dma_start3A, %dma_start3A_29] : memref<2x128xi32, #tpu.memory_space<vmem>> -> memref<1x128xi32, #tpu.memory_space<vmem>>
    %dma_start3A_31 = tpu.memref_squeeze %dma_start3A_30 : memref<1x128xi32, #tpu.memory_space<vmem>> -> memref<128xi32, #tpu.memory_space<vmem>>
    %dma_start3A_32 = arith.constant 0 : i32
    %dma_start3A_33 = arith.constant 0 : i32
    %dma_start3A_34 = tpu.memref_slice %arg2[%dma_start3A_32, %dma_start3A_33] : memref<10000x128xf32, #tpu.memory_space<hbm>> -> memref<10000x128xf32, #tpu.memory_space<hbm>>
    tpu.enqueue_indirect_dma source(%dma_start3A_34 : memref<10000x128xf32, #tpu.memory_space<hbm>>) target(%arg8 : memref<128x128xf32, #tpu.memory_space<vmem>>) offsets(%dma_start3A_31 : memref<128xi32, #tpu.memory_space<vmem>>) semaphore(%arg11 : memref<!tpu.dma_semaphore, #tpu.memory_space<semaphore_mem>>)
    %sub3A = arith.constant 1 : i32
    %sub3A_35 = arith.subi %add3A_8, %sub3A : i32
    %sub3A_36 = arith.constant 0 : i32
    %sub3A_37 = arith.subi %sub3A_35, %sub3A_36 : i32
    %sub3A_38 = arith.constant 2 : i32
    %sub3A_39 = arith.constant 1 : i32
    %sub3A_40 = arith.subi %sub3A_38, %sub3A_39 : i32
    %add3A_41 = arith.addi %sub3A_37, %sub3A_40 : i32
    %div3A = arith.constant 2 : i32
    %div3A_42 = arith.divsi %add3A_41, %div3A : i32
    %while3A = arith.constant 2 : i32
    %while3A_43 = arith.constant 0 : i32
    %while3A_44 = arith.constant 0 : i32
    %while3A_45 = arith.subi %div3A_42, %while3A_44 : i32
    %while3A_46 = arith.addi %while3A_44, %while3A_45 : i32
    %while3A_47 = arith.constant 1 : i32
    %while3A_48 = arith.divsi %while3A_45, %while3A_47 : i32
    %while3A_49 = arith.muli %while3A_48, %while3A_47 : i32
    %while3A_50 = arith.addi %while3A_44, %while3A_49 : i32
    %while3A_51 = arith.constant 1 : i32
    scf.for %while3A_141 = %while3A_44 to %while3A_50 step %while3A_51  : i32 {
      %mul3A_142 = arith.muli %while3A_141, %while3A : i32
      %add3A_143 = arith.addi %while3A_43, %mul3A_142 : i32
      %add3A_144 = arith.constant 1 : i32
      %add3A_145 = arith.addi %add3A_143, %add3A_144 : i32
      %add3A_146 = arith.addi %add3A_4, %add3A_145 : i32
      %mul3A_147 = arith.constant 128 : i32
      %mul3A_148 = arith.muli %add3A_146, %mul3A_147 : i32
      "tpu.region"() ({
        %run_scoped3A_176 = tpu.sem_alloc : memref<!tpu.dma_semaphore, #tpu.memory_space<semaphore_mem>>
        %dma_start3A_177 = arith.constant 0 : i32
        %dma_start3A_178 = tpu.memref_slice %arg3[%dma_start3A_177, %mul3A_148] : memref<2x320000xi32, #tpu.memory_space<hbm>> -> memref<2x128xi32, #tpu.memory_space<hbm>>
        %dma_start3A_179 = arith.constant 0 : i32
        %dma_start3A_180 = tpu.memref_slice %arg3[%dma_start3A_179, %mul3A_148] : memref<2x320000xi32, #tpu.memory_space<hbm>> -> memref<2x128xi32, #tpu.memory_space<hbm>>
        tpu.enqueue_dma source(%dma_start3A_180 : memref<2x128xi32, #tpu.memory_space<hbm>>) target(%arg7 : memref<2x128xi32, #tpu.memory_space<vmem>>) target_semaphore(%run_scoped3A_176 : memref<!tpu.dma_semaphore, #tpu.memory_space<semaphore_mem>>)
        %dma_wait3A_181 = arith.constant 0 : i32
        %dma_wait3A_182 = tpu.memref_slice %arg3[%dma_wait3A_181, %mul3A_148] : memref<2x320000xi32, #tpu.memory_space<hbm>> -> memref<2x128xi32, #tpu.memory_space<hbm>>
        %dma_wait3A_183 = arith.constant 0 : i32
        %dma_wait3A_184 = tpu.memref_slice %arg3[%dma_wait3A_183, %mul3A_148] : memref<2x320000xi32, #tpu.memory_space<hbm>> -> memref<2x128xi32, #tpu.memory_space<hbm>>
        tpu.wait_dma2 semaphore(%run_scoped3A_176 : memref<!tpu.dma_semaphore, #tpu.memory_space<semaphore_mem>>) src(%dma_wait3A_184 : memref<2x128xi32, #tpu.memory_space<hbm>>) dst(%arg7 : memref<2x128xi32, #tpu.memory_space<vmem>>)
        tpu.yield
      }) : () -> ()
      %dma_start3A_149 = arith.constant 0 : i32
      %dma_start3A_150 = arith.constant 0 : i32
      %dma_start3A_151 = tpu.memref_slice %arg7[%dma_start3A_149, %dma_start3A_150] : memref<2x128xi32, #tpu.memory_space<vmem>> -> memref<1x128xi32, #tpu.memory_space<vmem>>
      %dma_start3A_152 = tpu.memref_squeeze %dma_start3A_151 : memref<1x128xi32, #tpu.memory_space<vmem>> -> memref<128xi32, #tpu.memory_space<vmem>>
      %dma_start3A_153 = arith.constant 0 : i32
      %dma_start3A_154 = arith.constant 0 : i32
      %dma_start3A_155 = tpu.memref_slice %arg2[%dma_start3A_153, %dma_start3A_154] : memref<10000x128xf32, #tpu.memory_space<hbm>> -> memref<10000x128xf32, #tpu.memory_space<hbm>>
      tpu.enqueue_indirect_dma source(%dma_start3A_155 : memref<10000x128xf32, #tpu.memory_space<hbm>>) target(%arg9 : memref<128x128xf32, #tpu.memory_space<vmem>>) offsets(%dma_start3A_152 : memref<128xi32, #tpu.memory_space<vmem>>) semaphore(%arg12 : memref<!tpu.dma_semaphore, #tpu.memory_space<semaphore_mem>>)
      %dma_wait3A = arith.constant 0 : i32
      %dma_wait3A_156 = arith.constant 0 : i32
      %dma_wait3A_157 = tpu.memref_slice %arg6[%dma_wait3A, %dma_wait3A_156] : memref<2x128xi32, #tpu.memory_space<vmem>> -> memref<1x128xi32, #tpu.memory_space<vmem>>
      %dma_wait3A_158 = tpu.memref_squeeze %dma_wait3A_157 : memref<1x128xi32, #tpu.memory_space<vmem>> -> memref<128xi32, #tpu.memory_space<vmem>>
      %dma_wait3A_159 = arith.constant 0 : i32
      %dma_wait3A_160 = arith.constant 0 : i32
      %dma_wait3A_161 = tpu.memref_slice %arg2[%dma_wait3A_159, %dma_wait3A_160] : memref<10000x128xf32, #tpu.memory_space<hbm>> -> memref<10000x128xf32, #tpu.memory_space<hbm>>
      tpu.wait_indirect_dma semaphore(%arg11 : memref<!tpu.dma_semaphore, #tpu.memory_space<semaphore_mem>>) src(%dma_wait3A_161 : memref<10000x128xf32, #tpu.memory_space<hbm>>) dst(%arg8 : memref<128x128xf32, #tpu.memory_space<vmem>>)
      %run_scoped3A = arith.constant 1 : i32
      "tpu.region"() ({
        %run_scoped3A_176 = tpu.sem_alloc : memref<!tpu.dma_semaphore, #tpu.memory_space<semaphore_mem>>
        %dma_start3A_177 = arith.constant 0 : i32
        %dma_start3A_178 = tpu.memref_slice %arg6[%run_scoped3A, %dma_start3A_177] : memref<2x128xi32, #tpu.memory_space<vmem>> -> memref<1x128xi32, #tpu.memory_space<vmem>>
        %dma_start3A_179 = tpu.memref_squeeze %dma_start3A_178 : memref<1x128xi32, #tpu.memory_space<vmem>> -> memref<128xi32, #tpu.memory_space<vmem>>
        %dma_start3A_180 = arith.constant 0 : i32
        %dma_start3A_181 = arith.constant 0 : i32
        %dma_start3A_182 = tpu.memref_slice %arg10[%dma_start3A_180, %dma_start3A_181] : memref<10240x128xf32, #tpu.memory_space<vmem_shared>> -> memref<10240x128xf32, #tpu.memory_space<vmem_shared>>
        tpu.enqueue_indirect_dma source(%arg8 : memref<128x128xf32, #tpu.memory_space<vmem>>) target(%dma_start3A_182 : memref<10240x128xf32, #tpu.memory_space<vmem_shared>>) offsets(%dma_start3A_179 : memref<128xi32, #tpu.memory_space<vmem>>) semaphore(%run_scoped3A_176 : memref<!tpu.dma_semaphore, #tpu.memory_space<semaphore_mem>>) {add = true}
        %dma_wait3A_183 = arith.constant 0 : i32
        %dma_wait3A_184 = tpu.memref_slice %arg6[%run_scoped3A, %dma_wait3A_183] : memref<2x128xi32, #tpu.memory_space<vmem>> -> memref<1x128xi32, #tpu.memory_space<vmem>>
        %dma_wait3A_185 = tpu.memref_squeeze %dma_wait3A_184 : memref<1x128xi32, #tpu.memory_space<vmem>> -> memref<128xi32, #tpu.memory_space<vmem>>
        %dma_wait3A_186 = arith.constant 0 : i32
        %dma_wait3A_187 = arith.constant 0 : i32
        %dma_wait3A_188 = tpu.memref_slice %arg10[%dma_wait3A_186, %dma_wait3A_187] : memref<10240x128xf32, #tpu.memory_space<vmem_shared>> -> memref<10240x128xf32, #tpu.memory_space<vmem_shared>>
        tpu.wait_indirect_dma semaphore(%run_scoped3A_176 : memref<!tpu.dma_semaphore, #tpu.memory_space<semaphore_mem>>) src(%arg8 : memref<128x128xf32, #tpu.memory_space<vmem>>) dst(%dma_wait3A_188 : memref<10240x128xf32, #tpu.memory_space<vmem_shared>>)
        tpu.yield
      }) : () -> ()
      %add3A_162 = arith.constant 2 : i32
      %add3A_163 = arith.addi %add3A_143, %add3A_162 : i32
      %lt3A_164 = arith.cmpi slt, %add3A_163, %add3A_8 : i32
      %convert_element_type3A_165 = arith.extui %lt3A_164 : i1 to i32
      %cond3A_166 = arith.constant 0 : i32
      %cond3A_167 = arith.cmpi ne, %convert_element_type3A_165, %cond3A_166 : i32
      scf.if %cond3A_167 {
        %add3A_176 = arith.constant 2 : i32
        %add3A_177 = arith.addi %add3A_143, %add3A_176 : i32
        %add3A_178 = arith.addi %add3A_4, %add3A_177 : i32
        %mul3A_179 = arith.constant 128 : i32
        %mul3A_180 = arith.muli %add3A_178, %mul3A_179 : i32
        "tpu.region"() ({
          %run_scoped3A_188 = tpu.sem_alloc : memref<!tpu.dma_semaphore, #tpu.memory_space<semaphore_mem>>
          %dma_start3A_189 = arith.constant 0 : i32
          %dma_start3A_190 = tpu.memref_slice %arg3[%dma_start3A_189, %mul3A_180] : memref<2x320000xi32, #tpu.memory_space<hbm>> -> memref<2x128xi32, #tpu.memory_space<hbm>>
          %dma_start3A_191 = arith.constant 0 : i32
          %dma_start3A_192 = tpu.memref_slice %arg3[%dma_start3A_191, %mul3A_180] : memref<2x320000xi32, #tpu.memory_space<hbm>> -> memref<2x128xi32, #tpu.memory_space<hbm>>
          tpu.enqueue_dma source(%dma_start3A_192 : memref<2x128xi32, #tpu.memory_space<hbm>>) target(%arg6 : memref<2x128xi32, #tpu.memory_space<vmem>>) target_semaphore(%run_scoped3A_188 : memref<!tpu.dma_semaphore, #tpu.memory_space<semaphore_mem>>)
          %dma_wait3A_193 = arith.constant 0 : i32
          %dma_wait3A_194 = tpu.memref_slice %arg3[%dma_wait3A_193, %mul3A_180] : memref<2x320000xi32, #tpu.memory_space<hbm>> -> memref<2x128xi32, #tpu.memory_space<hbm>>
          %dma_wait3A_195 = arith.constant 0 : i32
          %dma_wait3A_196 = tpu.memref_slice %arg3[%dma_wait3A_195, %mul3A_180] : memref<2x320000xi32, #tpu.memory_space<hbm>> -> memref<2x128xi32, #tpu.memory_space<hbm>>
          tpu.wait_dma2 semaphore(%run_scoped3A_188 : memref<!tpu.dma_semaphore, #tpu.memory_space<semaphore_mem>>) src(%dma_wait3A_196 : memref<2x128xi32, #tpu.memory_space<hbm>>) dst(%arg6 : memref<2x128xi32, #tpu.memory_space<vmem>>)
          tpu.yield
        }) : () -> ()
        %dma_start3A_181 = arith.constant 0 : i32
        %dma_start3A_182 = arith.constant 0 : i32
        %dma_start3A_183 = tpu.memref_slice %arg6[%dma_start3A_181, %dma_start3A_182] : memref<2x128xi32, #tpu.memory_space<vmem>> -> memref<1x128xi32, #tpu.memory_space<vmem>>
        %dma_start3A_184 = tpu.memref_squeeze %dma_start3A_183 : memref<1x128xi32, #tpu.memory_space<vmem>> -> memref<128xi32, #tpu.memory_space<vmem>>
        %dma_start3A_185 = arith.constant 0 : i32
        %dma_start3A_186 = arith.constant 0 : i32
        %dma_start3A_187 = tpu.memref_slice %arg2[%dma_start3A_185, %dma_start3A_186] : memref<10000x128xf32, #tpu.memory_space<hbm>> -> memref<10000x128xf32, #tpu.memory_space<hbm>>
        tpu.enqueue_indirect_dma source(%dma_start3A_187 : memref<10000x128xf32, #tpu.memory_space<hbm>>) target(%arg8 : memref<128x128xf32, #tpu.memory_space<vmem>>) offsets(%dma_start3A_184 : memref<128xi32, #tpu.memory_space<vmem>>) semaphore(%arg11 : memref<!tpu.dma_semaphore, #tpu.memory_space<semaphore_mem>>)
      } else {
      }
      %dma_wait3A_168 = arith.constant 0 : i32
      %dma_wait3A_169 = arith.constant 0 : i32
      %dma_wait3A_170 = tpu.memref_slice %arg7[%dma_wait3A_168, %dma_wait3A_169] : memref<2x128xi32, #tpu.memory_space<vmem>> -> memref<1x128xi32, #tpu.memory_space<vmem>>
      %dma_wait3A_171 = tpu.memref_squeeze %dma_wait3A_170 : memref<1x128xi32, #tpu.memory_space<vmem>> -> memref<128xi32, #tpu.memory_space<vmem>>
      %dma_wait3A_172 = arith.constant 0 : i32
      %dma_wait3A_173 = arith.constant 0 : i32
      %dma_wait3A_174 = tpu.memref_slice %arg2[%dma_wait3A_172, %dma_wait3A_173] : memref<10000x128xf32, #tpu.memory_space<hbm>> -> memref<10000x128xf32, #tpu.memory_space<hbm>>
      tpu.wait_indirect_dma semaphore(%arg12 : memref<!tpu.dma_semaphore, #tpu.memory_space<semaphore_mem>>) src(%dma_wait3A_174 : memref<10000x128xf32, #tpu.memory_space<hbm>>) dst(%arg9 : memref<128x128xf32, #tpu.memory_space<vmem>>)
      %run_scoped3A_175 = arith.constant 1 : i32
      "tpu.region"() ({
        %run_scoped3A_176 = tpu.sem_alloc : memref<!tpu.dma_semaphore, #tpu.memory_space<semaphore_mem>>
        %dma_start3A_177 = arith.constant 0 : i32
        %dma_start3A_178 = tpu.memref_slice %arg7[%run_scoped3A_175, %dma_start3A_177] : memref<2x128xi32, #tpu.memory_space<vmem>> -> memref<1x128xi32, #tpu.memory_space<vmem>>
        %dma_start3A_179 = tpu.memref_squeeze %dma_start3A_178 : memref<1x128xi32, #tpu.memory_space<vmem>> -> memref<128xi32, #tpu.memory_space<vmem>>
        %dma_start3A_180 = arith.constant 0 : i32
        %dma_start3A_181 = arith.constant 0 : i32
        %dma_start3A_182 = tpu.memref_slice %arg10[%dma_start3A_180, %dma_start3A_181] : memref<10240x128xf32, #tpu.memory_space<vmem_shared>> -> memref<10240x128xf32, #tpu.memory_space<vmem_shared>>
        tpu.enqueue_indirect_dma source(%arg9 : memref<128x128xf32, #tpu.memory_space<vmem>>) target(%dma_start3A_182 : memref<10240x128xf32, #tpu.memory_space<vmem_shared>>) offsets(%dma_start3A_179 : memref<128xi32, #tpu.memory_space<vmem>>) semaphore(%run_scoped3A_176 : memref<!tpu.dma_semaphore, #tpu.memory_space<semaphore_mem>>) {add = true}
        %dma_wait3A_183 = arith.constant 0 : i32
        %dma_wait3A_184 = tpu.memref_slice %arg7[%run_scoped3A_175, %dma_wait3A_183] : memref<2x128xi32, #tpu.memory_space<vmem>> -> memref<1x128xi32, #tpu.memory_space<vmem>>
        %dma_wait3A_185 = tpu.memref_squeeze %dma_wait3A_184 : memref<1x128xi32, #tpu.memory_space<vmem>> -> memref<128xi32, #tpu.memory_space<vmem>>
        %dma_wait3A_186 = arith.constant 0 : i32
        %dma_wait3A_187 = arith.constant 0 : i32
        %dma_wait3A_188 = tpu.memref_slice %arg10[%dma_wait3A_186, %dma_wait3A_187] : memref<10240x128xf32, #tpu.memory_space<vmem_shared>> -> memref<10240x128xf32, #tpu.memory_space<vmem_shared>>
        tpu.wait_indirect_dma semaphore(%run_scoped3A_176 : memref<!tpu.dma_semaphore, #tpu.memory_space<semaphore_mem>>) src(%arg9 : memref<128x128xf32, #tpu.memory_space<vmem>>) dst(%dma_wait3A_188 : memref<10240x128xf32, #tpu.memory_space<vmem_shared>>)
        tpu.yield
      }) : () -> ()
    }
    %while3A_52 = arith.constant 1 : i32
    scf.for %while3A_141 = %while3A_50 to %while3A_46 step %while3A_52  : i32 {
      %mul3A_142 = arith.muli %while3A_141, %while3A : i32
      %add3A_143 = arith.addi %while3A_43, %mul3A_142 : i32
      %add3A_144 = arith.constant 1 : i32
      %add3A_145 = arith.addi %add3A_143, %add3A_144 : i32
      %add3A_146 = arith.addi %add3A_4, %add3A_145 : i32
      %mul3A_147 = arith.constant 128 : i32
      %mul3A_148 = arith.muli %add3A_146, %mul3A_147 : i32
      "tpu.region"() ({
        %run_scoped3A_176 = tpu.sem_alloc : memref<!tpu.dma_semaphore, #tpu.memory_space<semaphore_mem>>
        %dma_start3A_177 = arith.constant 0 : i32
        %dma_start3A_178 = tpu.memref_slice %arg3[%dma_start3A_177, %mul3A_148] : memref<2x320000xi32, #tpu.memory_space<hbm>> -> memref<2x128xi32, #tpu.memory_space<hbm>>
        %dma_start3A_179 = arith.constant 0 : i32
        %dma_start3A_180 = tpu.memref_slice %arg3[%dma_start3A_179, %mul3A_148] : memref<2x320000xi32, #tpu.memory_space<hbm>> -> memref<2x128xi32, #tpu.memory_space<hbm>>
        tpu.enqueue_dma source(%dma_start3A_180 : memref<2x128xi32, #tpu.memory_space<hbm>>) target(%arg7 : memref<2x128xi32, #tpu.memory_space<vmem>>) target_semaphore(%run_scoped3A_176 : memref<!tpu.dma_semaphore, #tpu.memory_space<semaphore_mem>>)
        %dma_wait3A_181 = arith.constant 0 : i32
        %dma_wait3A_182 = tpu.memref_slice %arg3[%dma_wait3A_181, %mul3A_148] : memref<2x320000xi32, #tpu.memory_space<hbm>> -> memref<2x128xi32, #tpu.memory_space<hbm>>
        %dma_wait3A_183 = arith.constant 0 : i32
        %dma_wait3A_184 = tpu.memref_slice %arg3[%dma_wait3A_183, %mul3A_148] : memref<2x320000xi32, #tpu.memory_space<hbm>> -> memref<2x128xi32, #tpu.memory_space<hbm>>
        tpu.wait_dma2 semaphore(%run_scoped3A_176 : memref<!tpu.dma_semaphore, #tpu.memory_space<semaphore_mem>>) src(%dma_wait3A_184 : memref<2x128xi32, #tpu.memory_space<hbm>>) dst(%arg7 : memref<2x128xi32, #tpu.memory_space<vmem>>)
        tpu.yield
      }) : () -> ()
      %dma_start3A_149 = arith.constant 0 : i32
      %dma_start3A_150 = arith.constant 0 : i32
      %dma_start3A_151 = tpu.memref_slice %arg7[%dma_start3A_149, %dma_start3A_150] : memref<2x128xi32, #tpu.memory_space<vmem>> -> memref<1x128xi32, #tpu.memory_space<vmem>>
      %dma_start3A_152 = tpu.memref_squeeze %dma_start3A_151 : memref<1x128xi32, #tpu.memory_space<vmem>> -> memref<128xi32, #tpu.memory_space<vmem>>
      %dma_start3A_153 = arith.constant 0 : i32
      %dma_start3A_154 = arith.constant 0 : i32
      %dma_start3A_155 = tpu.memref_slice %arg2[%dma_start3A_153, %dma_start3A_154] : memref<10000x128xf32, #tpu.memory_space<hbm>> -> memref<10000x128xf32, #tpu.memory_space<hbm>>
      tpu.enqueue_indirect_dma source(%dma_start3A_155 : memref<10000x128xf32, #tpu.memory_space<hbm>>) target(%arg9 : memref<128x128xf32, #tpu.memory_space<vmem>>) offsets(%dma_start3A_152 : memref<128xi32, #tpu.memory_space<vmem>>) semaphore(%arg12 : memref<!tpu.dma_semaphore, #tpu.memory_space<semaphore_mem>>)
      %dma_wait3A = arith.constant 0 : i32
      %dma_wait3A_156 = arith.constant 0 : i32
      %dma_wait3A_157 = tpu.memref_slice %arg6[%dma_wait3A, %dma_wait3A_156] : memref<2x128xi32, #tpu.memory_space<vmem>> -> memref<1x128xi32, #tpu.memory_space<vmem>>
      %dma_wait3A_158 = tpu.memref_squeeze %dma_wait3A_157 : memref<1x128xi32, #tpu.memory_space<vmem>> -> memref<128xi32, #tpu.memory_space<vmem>>
      %dma_wait3A_159 = arith.constant 0 : i32
      %dma_wait3A_160 = arith.constant 0 : i32
      %dma_wait3A_161 = tpu.memref_slice %arg2[%dma_wait3A_159, %dma_wait3A_160] : memref<10000x128xf32, #tpu.memory_space<hbm>> -> memref<10000x128xf32, #tpu.memory_space<hbm>>
      tpu.wait_indirect_dma semaphore(%arg11 : memref<!tpu.dma_semaphore, #tpu.memory_space<semaphore_mem>>) src(%dma_wait3A_161 : memref<10000x128xf32, #tpu.memory_space<hbm>>) dst(%arg8 : memref<128x128xf32, #tpu.memory_space<vmem>>)
      %run_scoped3A = arith.constant 1 : i32
      "tpu.region"() ({
        %run_scoped3A_176 = tpu.sem_alloc : memref<!tpu.dma_semaphore, #tpu.memory_space<semaphore_mem>>
        %dma_start3A_177 = arith.constant 0 : i32
        %dma_start3A_178 = tpu.memref_slice %arg6[%run_scoped3A, %dma_start3A_177] : memref<2x128xi32, #tpu.memory_space<vmem>> -> memref<1x128xi32, #tpu.memory_space<vmem>>
        %dma_start3A_179 = tpu.memref_squeeze %dma_start3A_178 : memref<1x128xi32, #tpu.memory_space<vmem>> -> memref<128xi32, #tpu.memory_space<vmem>>
        %dma_start3A_180 = arith.constant 0 : i32
        %dma_start3A_181 = arith.constant 0 : i32
        %dma_start3A_182 = tpu.memref_slice %arg10[%dma_start3A_180, %dma_start3A_181] : memref<10240x128xf32, #tpu.memory_space<vmem_shared>> -> memref<10240x128xf32, #tpu.memory_space<vmem_shared>>
        tpu.enqueue_indirect_dma source(%arg8 : memref<128x128xf32, #tpu.memory_space<vmem>>) target(%dma_start3A_182 : memref<10240x128xf32, #tpu.memory_space<vmem_shared>>) offsets(%dma_start3A_179 : memref<128xi32, #tpu.memory_space<vmem>>) semaphore(%run_scoped3A_176 : memref<!tpu.dma_semaphore, #tpu.memory_space<semaphore_mem>>) {add = true}
        %dma_wait3A_183 = arith.constant 0 : i32
        %dma_wait3A_184 = tpu.memref_slice %arg6[%run_scoped3A, %dma_wait3A_183] : memref<2x128xi32, #tpu.memory_space<vmem>> -> memref<1x128xi32, #tpu.memory_space<vmem>>
        %dma_wait3A_185 = tpu.memref_squeeze %dma_wait3A_184 : memref<1x128xi32, #tpu.memory_space<vmem>> -> memref<128xi32, #tpu.memory_space<vmem>>
        %dma_wait3A_186 = arith.constant 0 : i32
        %dma_wait3A_187 = arith.constant 0 : i32
        %dma_wait3A_188 = tpu.memref_slice %arg10[%dma_wait3A_186, %dma_wait3A_187] : memref<10240x128xf32, #tpu.memory_space<vmem_shared>> -> memref<10240x128xf32, #tpu.memory_space<vmem_shared>>
        tpu.wait_indirect_dma semaphore(%run_scoped3A_176 : memref<!tpu.dma_semaphore, #tpu.memory_space<semaphore_mem>>) src(%arg8 : memref<128x128xf32, #tpu.memory_space<vmem>>) dst(%dma_wait3A_188 : memref<10240x128xf32, #tpu.memory_space<vmem_shared>>)
        tpu.yield
      }) : () -> ()
      %add3A_162 = arith.constant 2 : i32
      %add3A_163 = arith.addi %add3A_143, %add3A_162 : i32
      %lt3A_164 = arith.cmpi slt, %add3A_163, %add3A_8 : i32
      %convert_element_type3A_165 = arith.extui %lt3A_164 : i1 to i32
      %cond3A_166 = arith.constant 0 : i32
      %cond3A_167 = arith.cmpi ne, %convert_element_type3A_165, %cond3A_166 : i32
      scf.if %cond3A_167 {
        %add3A_176 = arith.constant 2 : i32
        %add3A_177 = arith.addi %add3A_143, %add3A_176 : i32
        %add3A_178 = arith.addi %add3A_4, %add3A_177 : i32
        %mul3A_179 = arith.constant 128 : i32
        %mul3A_180 = arith.muli %add3A_178, %mul3A_179 : i32
        "tpu.region"() ({
          %run_scoped3A_188 = tpu.sem_alloc : memref<!tpu.dma_semaphore, #tpu.memory_space<semaphore_mem>>
          %dma_start3A_189 = arith.constant 0 : i32
          %dma_start3A_190 = tpu.memref_slice %arg3[%dma_start3A_189, %mul3A_180] : memref<2x320000xi32, #tpu.memory_space<hbm>> -> memref<2x128xi32, #tpu.memory_space<hbm>>
          %dma_start3A_191 = arith.constant 0 : i32
          %dma_start3A_192 = tpu.memref_slice %arg3[%dma_start3A_191, %mul3A_180] : memref<2x320000xi32, #tpu.memory_space<hbm>> -> memref<2x128xi32, #tpu.memory_space<hbm>>
          tpu.enqueue_dma source(%dma_start3A_192 : memref<2x128xi32, #tpu.memory_space<hbm>>) target(%arg6 : memref<2x128xi32, #tpu.memory_space<vmem>>) target_semaphore(%run_scoped3A_188 : memref<!tpu.dma_semaphore, #tpu.memory_space<semaphore_mem>>)
          %dma_wait3A_193 = arith.constant 0 : i32
          %dma_wait3A_194 = tpu.memref_slice %arg3[%dma_wait3A_193, %mul3A_180] : memref<2x320000xi32, #tpu.memory_space<hbm>> -> memref<2x128xi32, #tpu.memory_space<hbm>>
          %dma_wait3A_195 = arith.constant 0 : i32
          %dma_wait3A_196 = tpu.memref_slice %arg3[%dma_wait3A_195, %mul3A_180] : memref<2x320000xi32, #tpu.memory_space<hbm>> -> memref<2x128xi32, #tpu.memory_space<hbm>>
          tpu.wait_dma2 semaphore(%run_scoped3A_188 : memref<!tpu.dma_semaphore, #tpu.memory_space<semaphore_mem>>) src(%dma_wait3A_196 : memref<2x128xi32, #tpu.memory_space<hbm>>) dst(%arg6 : memref<2x128xi32, #tpu.memory_space<vmem>>)
          tpu.yield
        }) : () -> ()
        %dma_start3A_181 = arith.constant 0 : i32
        %dma_start3A_182 = arith.constant 0 : i32
        %dma_start3A_183 = tpu.memref_slice %arg6[%dma_start3A_181, %dma_start3A_182] : memref<2x128xi32, #tpu.memory_space<vmem>> -> memref<1x128xi32, #tpu.memory_space<vmem>>
        %dma_start3A_184 = tpu.memref_squeeze %dma_start3A_183 : memref<1x128xi32, #tpu.memory_space<vmem>> -> memref<128xi32, #tpu.memory_space<vmem>>
        %dma_start3A_185 = arith.constant 0 : i32
        %dma_start3A_186 = arith.constant 0 : i32
        %dma_start3A_187 = tpu.memref_slice %arg2[%dma_start3A_185, %dma_start3A_186] : memref<10000x128xf32, #tpu.memory_space<hbm>> -> memref<10000x128xf32, #tpu.memory_space<hbm>>
        tpu.enqueue_indirect_dma source(%dma_start3A_187 : memref<10000x128xf32, #tpu.memory_space<hbm>>) target(%arg8 : memref<128x128xf32, #tpu.memory_space<vmem>>) offsets(%dma_start3A_184 : memref<128xi32, #tpu.memory_space<vmem>>) semaphore(%arg11 : memref<!tpu.dma_semaphore, #tpu.memory_space<semaphore_mem>>)
      } else {
      }
      %dma_wait3A_168 = arith.constant 0 : i32
      %dma_wait3A_169 = arith.constant 0 : i32
      %dma_wait3A_170 = tpu.memref_slice %arg7[%dma_wait3A_168, %dma_wait3A_169] : memref<2x128xi32, #tpu.memory_space<vmem>> -> memref<1x128xi32, #tpu.memory_space<vmem>>
      %dma_wait3A_171 = tpu.memref_squeeze %dma_wait3A_170 : memref<1x128xi32, #tpu.memory_space<vmem>> -> memref<128xi32, #tpu.memory_space<vmem>>
      %dma_wait3A_172 = arith.constant 0 : i32
      %dma_wait3A_173 = arith.constant 0 : i32
      %dma_wait3A_174 = tpu.memref_slice %arg2[%dma_wait3A_172, %dma_wait3A_173] : memref<10000x128xf32, #tpu.memory_space<hbm>> -> memref<10000x128xf32, #tpu.memory_space<hbm>>
      tpu.wait_indirect_dma semaphore(%arg12 : memref<!tpu.dma_semaphore, #tpu.memory_space<semaphore_mem>>) src(%dma_wait3A_174 : memref<10000x128xf32, #tpu.memory_space<hbm>>) dst(%arg9 : memref<128x128xf32, #tpu.memory_space<vmem>>)
      %run_scoped3A_175 = arith.constant 1 : i32
      "tpu.region"() ({
        %run_scoped3A_176 = tpu.sem_alloc : memref<!tpu.dma_semaphore, #tpu.memory_space<semaphore_mem>>
        %dma_start3A_177 = arith.constant 0 : i32
        %dma_start3A_178 = tpu.memref_slice %arg7[%run_scoped3A_175, %dma_start3A_177] : memref<2x128xi32, #tpu.memory_space<vmem>> -> memref<1x128xi32, #tpu.memory_space<vmem>>
        %dma_start3A_179 = tpu.memref_squeeze %dma_start3A_178 : memref<1x128xi32, #tpu.memory_space<vmem>> -> memref<128xi32, #tpu.memory_space<vmem>>
        %dma_start3A_180 = arith.constant 0 : i32
        %dma_start3A_181 = arith.constant 0 : i32
        %dma_start3A_182 = tpu.memref_slice %arg10[%dma_start3A_180, %dma_start3A_181] : memref<10240x128xf32, #tpu.memory_space<vmem_shared>> -> memref<10240x128xf32, #tpu.memory_space<vmem_shared>>
        tpu.enqueue_indirect_dma source(%arg9 : memref<128x128xf32, #tpu.memory_space<vmem>>) target(%dma_start3A_182 : memref<10240x128xf32, #tpu.memory_space<vmem_shared>>) offsets(%dma_start3A_179 : memref<128xi32, #tpu.memory_space<vmem>>) semaphore(%run_scoped3A_176 : memref<!tpu.dma_semaphore, #tpu.memory_space<semaphore_mem>>) {add = true}
        %dma_wait3A_183 = arith.constant 0 : i32
        %dma_wait3A_184 = tpu.memref_slice %arg7[%run_scoped3A_175, %dma_wait3A_183] : memref<2x128xi32, #tpu.memory_space<vmem>> -> memref<1x128xi32, #tpu.memory_space<vmem>>
        %dma_wait3A_185 = tpu.memref_squeeze %dma_wait3A_184 : memref<1x128xi32, #tpu.memory_space<vmem>> -> memref<128xi32, #tpu.memory_space<vmem>>
        %dma_wait3A_186 = arith.constant 0 : i32
        %dma_wait3A_187 = arith.constant 0 : i32
        %dma_wait3A_188 = tpu.memref_slice %arg10[%dma_wait3A_186, %dma_wait3A_187] : memref<10240x128xf32, #tpu.memory_space<vmem_shared>> -> memref<10240x128xf32, #tpu.memory_space<vmem_shared>>
        tpu.wait_indirect_dma semaphore(%run_scoped3A_176 : memref<!tpu.dma_semaphore, #tpu.memory_space<semaphore_mem>>) src(%arg9 : memref<128x128xf32, #tpu.memory_space<vmem>>) dst(%dma_wait3A_188 : memref<10240x128xf32, #tpu.memory_space<vmem_shared>>)
        tpu.yield
      }) : () -> ()
    }
    %jit3A_53 = arith.constant 2 : i32
    %eq3A = arith.constant 0 : i32
    %eq3A_54 = arith.cmpi eq, %jit3A_53, %eq3A : i32
    %jit3A_55 = arith.constant 1 : i32
    %select_n3A_56 = arith.select %eq3A_54, %jit3A_55, %jit3A_53 : i32
    %rem3A = arith.remsi %add3A_8, %select_n3A_56 : i32
    %ne3A = arith.constant 0 : i32
    %ne3A_57 = arith.cmpi ne, %rem3A, %ne3A : i32
    %lt3A_58 = arith.constant 0 : i32
    %lt3A_59 = arith.cmpi slt, %rem3A, %lt3A_58 : i32
    %lt3A_60 = arith.constant 0 : i32
    %lt3A_61 = arith.cmpi slt, %select_n3A_56, %lt3A_60 : i32
    %ne3A_62 = arith.xori %lt3A_59, %lt3A_61 : i1
    %and3A = arith.andi %ne3A_62, %ne3A_57 : i1
    %add3A_63 = arith.addi %rem3A, %select_n3A_56 : i32
    %select_n3A_64 = arith.select %and3A, %add3A_63, %rem3A : i32
    %eq3A_65 = arith.constant 1 : i32
    %eq3A_66 = arith.cmpi eq, %select_n3A_64, %eq3A_65 : i32
    %convert_element_type3A = arith.extui %eq3A_66 : i1 to i32
    %cond3A = arith.constant 0 : i32
    %cond3A_67 = arith.cmpi ne, %convert_element_type3A, %cond3A : i32
    scf.if %cond3A_67 {
      %dma_wait3A = arith.constant 0 : i32
      %dma_wait3A_141 = arith.constant 0 : i32
      %dma_wait3A_142 = tpu.memref_slice %arg6[%dma_wait3A, %dma_wait3A_141] : memref<2x128xi32, #tpu.memory_space<vmem>> -> memref<1x128xi32, #tpu.memory_space<vmem>>
      %dma_wait3A_143 = tpu.memref_squeeze %dma_wait3A_142 : memref<1x128xi32, #tpu.memory_space<vmem>> -> memref<128xi32, #tpu.memory_space<vmem>>
      %dma_wait3A_144 = arith.constant 0 : i32
      %dma_wait3A_145 = arith.constant 0 : i32
      %dma_wait3A_146 = tpu.memref_slice %arg2[%dma_wait3A_144, %dma_wait3A_145] : memref<10000x128xf32, #tpu.memory_space<hbm>> -> memref<10000x128xf32, #tpu.memory_space<hbm>>
      tpu.wait_indirect_dma semaphore(%arg11 : memref<!tpu.dma_semaphore, #tpu.memory_space<semaphore_mem>>) src(%dma_wait3A_146 : memref<10000x128xf32, #tpu.memory_space<hbm>>) dst(%arg8 : memref<128x128xf32, #tpu.memory_space<vmem>>)
      %run_scoped3A = arith.constant 1 : i32
      "tpu.region"() ({
        %run_scoped3A_147 = tpu.sem_alloc : memref<!tpu.dma_semaphore, #tpu.memory_space<semaphore_mem>>
        %dma_start3A_148 = arith.constant 0 : i32
        %dma_start3A_149 = tpu.memref_slice %arg6[%run_scoped3A, %dma_start3A_148] : memref<2x128xi32, #tpu.memory_space<vmem>> -> memref<1x128xi32, #tpu.memory_space<vmem>>
        %dma_start3A_150 = tpu.memref_squeeze %dma_start3A_149 : memref<1x128xi32, #tpu.memory_space<vmem>> -> memref<128xi32, #tpu.memory_space<vmem>>
        %dma_start3A_151 = arith.constant 0 : i32
        %dma_start3A_152 = arith.constant 0 : i32
        %dma_start3A_153 = tpu.memref_slice %arg10[%dma_start3A_151, %dma_start3A_152] : memref<10240x128xf32, #tpu.memory_space<vmem_shared>> -> memref<10240x128xf32, #tpu.memory_space<vmem_shared>>
        tpu.enqueue_indirect_dma source(%arg8 : memref<128x128xf32, #tpu.memory_space<vmem>>) target(%dma_start3A_153 : memref<10240x128xf32, #tpu.memory_space<vmem_shared>>) offsets(%dma_start3A_150 : memref<128xi32, #tpu.memory_space<vmem>>) semaphore(%run_scoped3A_147 : memref<!tpu.dma_semaphore, #tpu.memory_space<semaphore_mem>>) {add = true}
        %dma_wait3A_154 = arith.constant 0 : i32
        %dma_wait3A_155 = tpu.memref_slice %arg6[%run_scoped3A, %dma_wait3A_154] : memref<2x128xi32, #tpu.memory_space<vmem>> -> memref<1x128xi32, #tpu.memory_space<vmem>>
        %dma_wait3A_156 = tpu.memref_squeeze %dma_wait3A_155 : memref<1x128xi32, #tpu.memory_space<vmem>> -> memref<128xi32, #tpu.memory_space<vmem>>
        %dma_wait3A_157 = arith.constant 0 : i32
        %dma_wait3A_158 = arith.constant 0 : i32
        %dma_wait3A_159 = tpu.memref_slice %arg10[%dma_wait3A_157, %dma_wait3A_158] : memref<10240x128xf32, #tpu.memory_space<vmem_shared>> -> memref<10240x128xf32, #tpu.memory_space<vmem_shared>>
        tpu.wait_indirect_dma semaphore(%run_scoped3A_147 : memref<!tpu.dma_semaphore, #tpu.memory_space<semaphore_mem>>) src(%arg8 : memref<128x128xf32, #tpu.memory_space<vmem>>) dst(%dma_wait3A_159 : memref<10240x128xf32, #tpu.memory_space<vmem_shared>>)
        tpu.yield
      }) : () -> ()
    } else {
    }
    %barrier3A_68 = arith.constant 0 : index
    tpu.barrier barrier_id(%barrier3A_68)
    "tpu.region"() ({
      %run_scoped3A = tpu.sem_alloc : memref<!tpu.dma_semaphore, #tpu.memory_space<semaphore_mem>>
      %dma_start3A_141 = arith.constant 0 : i32
      %dma_start3A_142 = tpu.memref_slice %arg4[%arg0, %mul3A_10, %dma_start3A_141] : memref<2x10240x128xf32, #tpu.memory_space<hbm>> -> memref<1x640x128xf32, #tpu.memory_space<hbm>>
      %dma_start3A_143 = tpu.memref_squeeze %dma_start3A_142 : memref<1x640x128xf32, #tpu.memory_space<hbm>> -> memref<640x128xf32, #tpu.memory_space<hbm>>
      %dma_start3A_144 = arith.constant 0 : i32
      %dma_start3A_145 = tpu.memref_slice %arg10[%mul3A_10, %dma_start3A_144] : memref<10240x128xf32, #tpu.memory_space<vmem_shared>> -> memref<640x128xf32, #tpu.memory_space<vmem_shared>>
      tpu.enqueue_dma source(%dma_start3A_145 : memref<640x128xf32, #tpu.memory_space<vmem_shared>>) target(%dma_start3A_143 : memref<640x128xf32, #tpu.memory_space<hbm>>) target_semaphore(%run_scoped3A : memref<!tpu.dma_semaphore, #tpu.memory_space<semaphore_mem>>)
      %dma_wait3A = arith.constant 0 : i32
      %dma_wait3A_146 = tpu.memref_slice %arg4[%arg0, %mul3A_10, %dma_wait3A] : memref<2x10240x128xf32, #tpu.memory_space<hbm>> -> memref<1x640x128xf32, #tpu.memory_space<hbm>>
      %dma_wait3A_147 = tpu.memref_squeeze %dma_wait3A_146 : memref<1x640x128xf32, #tpu.memory_space<hbm>> -> memref<640x128xf32, #tpu.memory_space<hbm>>
      %dma_wait3A_148 = arith.constant 0 : i32
      %dma_wait3A_149 = tpu.memref_slice %arg10[%mul3A_10, %dma_wait3A_148] : memref<10240x128xf32, #tpu.memory_space<vmem_shared>> -> memref<640x128xf32, #tpu.memory_space<vmem_shared>>
      tpu.wait_dma2 semaphore(%run_scoped3A : memref<!tpu.dma_semaphore, #tpu.memory_space<semaphore_mem>>) src(%dma_wait3A_149 : memref<640x128xf32, #tpu.memory_space<vmem_shared>>) dst(%dma_wait3A_147 : memref<640x128xf32, #tpu.memory_space<hbm>>)
      tpu.yield
    }) : () -> ()
    %scan3A_69 = arith.constant 0 : i32
    %scan3A_70 = arith.constant 128 : i32
    %scan3A_71 = arith.addi %scan3A_69, %scan3A_70 : i32
    %scan3A_72 = arith.constant 1 : i32
    scf.for %scan3A_141 = %scan3A_69 to %scan3A_71 step %scan3A_72  : i32 {
      %mul3A_142 = arith.constant 1 : i32
      %mul3A_143 = arith.muli %scan3A_141, %mul3A_142 : i32
      %add3A_144 = arith.constant 0 : i32
      %add3A_145 = arith.addi %add3A_144, %mul3A_143 : i32
      %broadcast_in_dim3A = arith.constant 0.000000e+00 : f32
      %broadcast_in_dim3A_146 = vector.broadcast %broadcast_in_dim3A : f32 to vector<16xf32>
      %swap3A = arith.index_cast %add3A_145 : i32 to index
      %swap3A_147 = arith.constant 0 : index
      %swap3A_148 = tpu.vector_load %arg9[%swap3A, %swap3A_147] {strides = array<i32>} : memref<128x128xf32, #tpu.memory_space<vmem>>, vector<1x16xf32>,
      %swap3A_149 = vector.shape_cast %swap3A_148 : vector<1x16xf32> to vector<16xf32>
      %swap3A_150 = vector.shape_cast %broadcast_in_dim3A_146 : vector<16xf32> to vector<1x16xf32>
      tpu.vector_store %arg9[%swap3A, %swap3A_147], %swap3A_150 {strides = array<i32>} : memref<128x128xf32, #tpu.memory_space<vmem>>, vector<1x16xf32>,
      %broadcast_in_dim3A_151 = arith.constant 0.000000e+00 : f32
      %broadcast_in_dim3A_152 = vector.broadcast %broadcast_in_dim3A_151 : f32 to vector<16xf32>
      %swap3A_153 = arith.index_cast %add3A_145 : i32 to index
      %swap3A_154 = arith.constant 16 : index
      %swap3A_155 = tpu.vector_load %arg9[%swap3A_153, %swap3A_154] {strides = array<i32>} : memref<128x128xf32, #tpu.memory_space<vmem>>, vector<1x16xf32>,
      %swap3A_156 = vector.shape_cast %swap3A_155 : vector<1x16xf32> to vector<16xf32>
      %swap3A_157 = vector.shape_cast %broadcast_in_dim3A_152 : vector<16xf32> to vector<1x16xf32>
      tpu.vector_store %arg9[%swap3A_153, %swap3A_154], %swap3A_157 {strides = array<i32>} : memref<128x128xf32, #tpu.memory_space<vmem>>, vector<1x16xf32>,
      %broadcast_in_dim3A_158 = arith.constant 0.000000e+00 : f32
      %broadcast_in_dim3A_159 = vector.broadcast %broadcast_in_dim3A_158 : f32 to vector<16xf32>
      %swap3A_160 = arith.index_cast %add3A_145 : i32 to index
      %swap3A_161 = arith.constant 32 : index
      %swap3A_162 = tpu.vector_load %arg9[%swap3A_160, %swap3A_161] {strides = array<i32>} : memref<128x128xf32, #tpu.memory_space<vmem>>, vector<1x16xf32>,
      %swap3A_163 = vector.shape_cast %swap3A_162 : vector<1x16xf32> to vector<16xf32>
      %swap3A_164 = vector.shape_cast %broadcast_in_dim3A_159 : vector<16xf32> to vector<1x16xf32>
      tpu.vector_store %arg9[%swap3A_160, %swap3A_161], %swap3A_164 {strides = array<i32>} : memref<128x128xf32, #tpu.memory_space<vmem>>, vector<1x16xf32>,
      %broadcast_in_dim3A_165 = arith.constant 0.000000e+00 : f32
      %broadcast_in_dim3A_166 = vector.broadcast %broadcast_in_dim3A_165 : f32 to vector<16xf32>
      %swap3A_167 = arith.index_cast %add3A_145 : i32 to index
      %swap3A_168 = arith.constant 48 : index
      %swap3A_169 = tpu.vector_load %arg9[%swap3A_167, %swap3A_168] {strides = array<i32>} : memref<128x128xf32, #tpu.memory_space<vmem>>, vector<1x16xf32>,
      %swap3A_170 = vector.shape_cast %swap3A_169 : vector<1x16xf32> to vector<16xf32>
      %swap3A_171 = vector.shape_cast %broadcast_in_dim3A_166 : vector<16xf32> to vector<1x16xf32>
      tpu.vector_store %arg9[%swap3A_167, %swap3A_168], %swap3A_171 {strides = array<i32>} : memref<128x128xf32, #tpu.memory_space<vmem>>, vector<1x16xf32>,
      %broadcast_in_dim3A_172 = arith.constant 0.000000e+00 : f32
      %broadcast_in_dim3A_173 = vector.broadcast %broadcast_in_dim3A_172 : f32 to vector<16xf32>
      %swap3A_174 = arith.index_cast %add3A_145 : i32 to index
      %swap3A_175 = arith.constant 64 : index
      %swap3A_176 = tpu.vector_load %arg9[%swap3A_174, %swap3A_175] {strides = array<i32>} : memref<128x128xf32, #tpu.memory_space<vmem>>, vector<1x16xf32>,
      %swap3A_177 = vector.shape_cast %swap3A_176 : vector<1x16xf32> to vector<16xf32>
      %swap3A_178 = vector.shape_cast %broadcast_in_dim3A_173 : vector<16xf32> to vector<1x16xf32>
      tpu.vector_store %arg9[%swap3A_174, %swap3A_175], %swap3A_178 {strides = array<i32>} : memref<128x128xf32, #tpu.memory_space<vmem>>, vector<1x16xf32>,
      %broadcast_in_dim3A_179 = arith.constant 0.000000e+00 : f32
      %broadcast_in_dim3A_180 = vector.broadcast %broadcast_in_dim3A_179 : f32 to vector<16xf32>
      %swap3A_181 = arith.index_cast %add3A_145 : i32 to index
      %swap3A_182 = arith.constant 80 : index
      %swap3A_183 = tpu.vector_load %arg9[%swap3A_181, %swap3A_182] {strides = array<i32>} : memref<128x128xf32, #tpu.memory_space<vmem>>, vector<1x16xf32>,
      %swap3A_184 = vector.shape_cast %swap3A_183 : vector<1x16xf32> to vector<16xf32>
      %swap3A_185 = vector.shape_cast %broadcast_in_dim3A_180 : vector<16xf32> to vector<1x16xf32>
      tpu.vector_store %arg9[%swap3A_181, %swap3A_182], %swap3A_185 {strides = array<i32>} : memref<128x128xf32, #tpu.memory_space<vmem>>, vector<1x16xf32>,
      %broadcast_in_dim3A_186 = arith.constant 0.000000e+00 : f32
      %broadcast_in_dim3A_187 = vector.broadcast %broadcast_in_dim3A_186 : f32 to vector<16xf32>
      %swap3A_188 = arith.index_cast %add3A_145 : i32 to index
      %swap3A_189 = arith.constant 96 : index
      %swap3A_190 = tpu.vector_load %arg9[%swap3A_188, %swap3A_189] {strides = array<i32>} : memref<128x128xf32, #tpu.memory_space<vmem>>, vector<1x16xf32>,
      %swap3A_191 = vector.shape_cast %swap3A_190 : vector<1x16xf32> to vector<16xf32>
      %swap3A_192 = vector.shape_cast %broadcast_in_dim3A_187 : vector<16xf32> to vector<1x16xf32>
      tpu.vector_store %arg9[%swap3A_188, %swap3A_189], %swap3A_192 {strides = array<i32>} : memref<128x128xf32, #tpu.memory_space<vmem>>, vector<1x16xf32>,
      %broadcast_in_dim3A_193 = arith.constant 0.000000e+00 : f32
      %broadcast_in_dim3A_194 = vector.broadcast %broadcast_in_dim3A_193 : f32 to vector<16xf32>
      %swap3A_195 = arith.index_cast %add3A_145 : i32 to index
      %swap3A_196 = arith.constant 112 : index
      %swap3A_197 = tpu.vector_load %arg9[%swap3A_195, %swap3A_196] {strides = array<i32>} : memref<128x128xf32, #tpu.memory_space<vmem>>, vector<1x16xf32>,
      %swap3A_198 = vector.shape_cast %swap3A_197 : vector<1x16xf32> to vector<16xf32>
      %swap3A_199 = vector.shape_cast %broadcast_in_dim3A_194 : vector<16xf32> to vector<1x16xf32>
      tpu.vector_store %arg9[%swap3A_195, %swap3A_196], %swap3A_199 {strides = array<i32>} : memref<128x128xf32, #tpu.memory_space<vmem>>, vector<1x16xf32>,
    }
    %scan3A_73 = arith.constant 128 : i32
    %add3A_74 = arith.constant 0 : i32
    %add3A_75 = arith.addi %mul3A_10, %add3A_74 : i32
    "tpu.region"() ({
      %run_scoped3A = tpu.sem_alloc : memref<!tpu.dma_semaphore, #tpu.memory_space<semaphore_mem>>
      %dma_start3A_141 = arith.constant 0 : i32
      %dma_start3A_142 = tpu.memref_slice %arg10[%add3A_75, %dma_start3A_141] : memref<10240x128xf32, #tpu.memory_space<vmem_shared>> -> memref<128x128xf32, #tpu.memory_space<vmem_shared>>
      %dma_start3A_143 = arith.constant 0 : i32
      %dma_start3A_144 = tpu.memref_slice %arg10[%add3A_75, %dma_start3A_143] : memref<10240x128xf32, #tpu.memory_space<vmem_shared>> -> memref<128x128xf32, #tpu.memory_space<vmem_shared>>
      tpu.enqueue_dma source(%arg9 : memref<128x128xf32, #tpu.memory_space<vmem>>) target(%dma_start3A_144 : memref<128x128xf32, #tpu.memory_space<vmem_shared>>) target_semaphore(%run_scoped3A : memref<!tpu.dma_semaphore, #tpu.memory_space<semaphore_mem>>)
      %dma_wait3A = arith.constant 0 : i32
      %dma_wait3A_145 = tpu.memref_slice %arg10[%add3A_75, %dma_wait3A] : memref<10240x128xf32, #tpu.memory_space<vmem_shared>> -> memref<128x128xf32, #tpu.memory_space<vmem_shared>>
      %dma_wait3A_146 = arith.constant 0 : i32
      %dma_wait3A_147 = tpu.memref_slice %arg10[%add3A_75, %dma_wait3A_146] : memref<10240x128xf32, #tpu.memory_space<vmem_shared>> -> memref<128x128xf32, #tpu.memory_space<vmem_shared>>
      tpu.wait_dma2 semaphore(%run_scoped3A : memref<!tpu.dma_semaphore, #tpu.memory_space<semaphore_mem>>) src(%arg9 : memref<128x128xf32, #tpu.memory_space<vmem>>) dst(%dma_wait3A_147 : memref<128x128xf32, #tpu.memory_space<vmem_shared>>)
      tpu.yield
    }) : () -> ()
    %add3A_76 = arith.constant 128 : i32
    %add3A_77 = arith.addi %mul3A_10, %add3A_76 : i32
    "tpu.region"() ({
      %run_scoped3A = tpu.sem_alloc : memref<!tpu.dma_semaphore, #tpu.memory_space<semaphore_mem>>
      %dma_start3A_141 = arith.constant 0 : i32
      %dma_start3A_142 = tpu.memref_slice %arg10[%add3A_77, %dma_start3A_141] : memref<10240x128xf32, #tpu.memory_space<vmem_shared>> -> memref<128x128xf32, #tpu.memory_space<vmem_shared>>
      %dma_start3A_143 = arith.constant 0 : i32
      %dma_start3A_144 = tpu.memref_slice %arg10[%add3A_77, %dma_start3A_143] : memref<10240x128xf32, #tpu.memory_space<vmem_shared>> -> memref<128x128xf32, #tpu.memory_space<vmem_shared>>
      tpu.enqueue_dma source(%arg9 : memref<128x128xf32, #tpu.memory_space<vmem>>) target(%dma_start3A_144 : memref<128x128xf32, #tpu.memory_space<vmem_shared>>) target_semaphore(%run_scoped3A : memref<!tpu.dma_semaphore, #tpu.memory_space<semaphore_mem>>)
      %dma_wait3A = arith.constant 0 : i32
      %dma_wait3A_145 = tpu.memref_slice %arg10[%add3A_77, %dma_wait3A] : memref<10240x128xf32, #tpu.memory_space<vmem_shared>> -> memref<128x128xf32, #tpu.memory_space<vmem_shared>>
      %dma_wait3A_146 = arith.constant 0 : i32
      %dma_wait3A_147 = tpu.memref_slice %arg10[%add3A_77, %dma_wait3A_146] : memref<10240x128xf32, #tpu.memory_space<vmem_shared>> -> memref<128x128xf32, #tpu.memory_space<vmem_shared>>
      tpu.wait_dma2 semaphore(%run_scoped3A : memref<!tpu.dma_semaphore, #tpu.memory_space<semaphore_mem>>) src(%arg9 : memref<128x128xf32, #tpu.memory_space<vmem>>) dst(%dma_wait3A_147 : memref<128x128xf32, #tpu.memory_space<vmem_shared>>)
      tpu.yield
    }) : () -> ()
    %add3A_78 = arith.constant 256 : i32
    %add3A_79 = arith.addi %mul3A_10, %add3A_78 : i32
    "tpu.region"() ({
      %run_scoped3A = tpu.sem_alloc : memref<!tpu.dma_semaphore, #tpu.memory_space<semaphore_mem>>
      %dma_start3A_141 = arith.constant 0 : i32
      %dma_start3A_142 = tpu.memref_slice %arg10[%add3A_79, %dma_start3A_141] : memref<10240x128xf32, #tpu.memory_space<vmem_shared>> -> memref<128x128xf32, #tpu.memory_space<vmem_shared>>
      %dma_start3A_143 = arith.constant 0 : i32
      %dma_start3A_144 = tpu.memref_slice %arg10[%add3A_79, %dma_start3A_143] : memref<10240x128xf32, #tpu.memory_space<vmem_shared>> -> memref<128x128xf32, #tpu.memory_space<vmem_shared>>
      tpu.enqueue_dma source(%arg9 : memref<128x128xf32, #tpu.memory_space<vmem>>) target(%dma_start3A_144 : memref<128x128xf32, #tpu.memory_space<vmem_shared>>) target_semaphore(%run_scoped3A : memref<!tpu.dma_semaphore, #tpu.memory_space<semaphore_mem>>)
      %dma_wait3A = arith.constant 0 : i32
      %dma_wait3A_145 = tpu.memref_slice %arg10[%add3A_79, %dma_wait3A] : memref<10240x128xf32, #tpu.memory_space<vmem_shared>> -> memref<128x128xf32, #tpu.memory_space<vmem_shared>>
      %dma_wait3A_146 = arith.constant 0 : i32
      %dma_wait3A_147 = tpu.memref_slice %arg10[%add3A_79, %dma_wait3A_146] : memref<10240x128xf32, #tpu.memory_space<vmem_shared>> -> memref<128x128xf32, #tpu.memory_space<vmem_shared>>
      tpu.wait_dma2 semaphore(%run_scoped3A : memref<!tpu.dma_semaphore, #tpu.memory_space<semaphore_mem>>) src(%arg9 : memref<128x128xf32, #tpu.memory_space<vmem>>) dst(%dma_wait3A_147 : memref<128x128xf32, #tpu.memory_space<vmem_shared>>)
      tpu.yield
    }) : () -> ()
    %add3A_80 = arith.constant 384 : i32
    %add3A_81 = arith.addi %mul3A_10, %add3A_80 : i32
    "tpu.region"() ({
      %run_scoped3A = tpu.sem_alloc : memref<!tpu.dma_semaphore, #tpu.memory_space<semaphore_mem>>
      %dma_start3A_141 = arith.constant 0 : i32
      %dma_start3A_142 = tpu.memref_slice %arg10[%add3A_81, %dma_start3A_141] : memref<10240x128xf32, #tpu.memory_space<vmem_shared>> -> memref<128x128xf32, #tpu.memory_space<vmem_shared>>
      %dma_start3A_143 = arith.constant 0 : i32
      %dma_start3A_144 = tpu.memref_slice %arg10[%add3A_81, %dma_start3A_143] : memref<10240x128xf32, #tpu.memory_space<vmem_shared>> -> memref<128x128xf32, #tpu.memory_space<vmem_shared>>
      tpu.enqueue_dma source(%arg9 : memref<128x128xf32, #tpu.memory_space<vmem>>) target(%dma_start3A_144 : memref<128x128xf32, #tpu.memory_space<vmem_shared>>) target_semaphore(%run_scoped3A : memref<!tpu.dma_semaphore, #tpu.memory_space<semaphore_mem>>)
      %dma_wait3A = arith.constant 0 : i32
      %dma_wait3A_145 = tpu.memref_slice %arg10[%add3A_81, %dma_wait3A] : memref<10240x128xf32, #tpu.memory_space<vmem_shared>> -> memref<128x128xf32, #tpu.memory_space<vmem_shared>>
      %dma_wait3A_146 = arith.constant 0 : i32
      %dma_wait3A_147 = tpu.memref_slice %arg10[%add3A_81, %dma_wait3A_146] : memref<10240x128xf32, #tpu.memory_space<vmem_shared>> -> memref<128x128xf32, #tpu.memory_space<vmem_shared>>
      tpu.wait_dma2 semaphore(%run_scoped3A : memref<!tpu.dma_semaphore, #tpu.memory_space<semaphore_mem>>) src(%arg9 : memref<128x128xf32, #tpu.memory_space<vmem>>) dst(%dma_wait3A_147 : memref<128x128xf32, #tpu.memory_space<vmem_shared>>)
      tpu.yield
    }) : () -> ()
    %add3A_82 = arith.constant 512 : i32
    %add3A_83 = arith.addi %mul3A_10, %add3A_82 : i32
    "tpu.region"() ({
      %run_scoped3A = tpu.sem_alloc : memref<!tpu.dma_semaphore, #tpu.memory_space<semaphore_mem>>
      %dma_start3A_141 = arith.constant 0 : i32
      %dma_start3A_142 = tpu.memref_slice %arg10[%add3A_83, %dma_start3A_141] : memref<10240x128xf32, #tpu.memory_space<vmem_shared>> -> memref<128x128xf32, #tpu.memory_space<vmem_shared>>
      %dma_start3A_143 = arith.constant 0 : i32
      %dma_start3A_144 = tpu.memref_slice %arg10[%add3A_83, %dma_start3A_143] : memref<10240x128xf32, #tpu.memory_space<vmem_shared>> -> memref<128x128xf32, #tpu.memory_space<vmem_shared>>
      tpu.enqueue_dma source(%arg9 : memref<128x128xf32, #tpu.memory_space<vmem>>) target(%dma_start3A_144 : memref<128x128xf32, #tpu.memory_space<vmem_shared>>) target_semaphore(%run_scoped3A : memref<!tpu.dma_semaphore, #tpu.memory_space<semaphore_mem>>)
      %dma_wait3A = arith.constant 0 : i32
      %dma_wait3A_145 = tpu.memref_slice %arg10[%add3A_83, %dma_wait3A] : memref<10240x128xf32, #tpu.memory_space<vmem_shared>> -> memref<128x128xf32, #tpu.memory_space<vmem_shared>>
      %dma_wait3A_146 = arith.constant 0 : i32
      %dma_wait3A_147 = tpu.memref_slice %arg10[%add3A_83, %dma_wait3A_146] : memref<10240x128xf32, #tpu.memory_space<vmem_shared>> -> memref<128x128xf32, #tpu.memory_space<vmem_shared>>
      tpu.wait_dma2 semaphore(%run_scoped3A : memref<!tpu.dma_semaphore, #tpu.memory_space<semaphore_mem>>) src(%arg9 : memref<128x128xf32, #tpu.memory_space<vmem>>) dst(%dma_wait3A_147 : memref<128x128xf32, #tpu.memory_space<vmem_shared>>)
      tpu.yield
    }) : () -> ()
    %scan3A_84 = arith.constant 0 : i32
    %scan3A_85 = arith.constant 128 : i32
    %scan3A_86 = arith.addi %scan3A_84, %scan3A_85 : i32
    %scan3A_87 = arith.constant 1 : i32
    scf.for %scan3A_141 = %scan3A_84 to %scan3A_86 step %scan3A_87  : i32 {
      %mul3A_142 = arith.constant 1 : i32
      %mul3A_143 = arith.muli %scan3A_141, %mul3A_142 : i32
      %add3A_144 = arith.constant 0 : i32
      %add3A_145 = arith.addi %add3A_144, %mul3A_143 : i32
      %broadcast_in_dim3A = arith.constant 1.000000e+00 : f32
      %broadcast_in_dim3A_146 = vector.broadcast %broadcast_in_dim3A : f32 to vector<16xf32>
      %swap3A = arith.index_cast %add3A_145 : i32 to index
      %swap3A_147 = arith.constant 0 : index
      %swap3A_148 = tpu.vector_load %arg8[%swap3A, %swap3A_147] {strides = array<i32>} : memref<128x128xf32, #tpu.memory_space<vmem>>, vector<1x16xf32>,
      %swap3A_149 = vector.shape_cast %swap3A_148 : vector<1x16xf32> to vector<16xf32>
      %swap3A_150 = vector.shape_cast %broadcast_in_dim3A_146 : vector<16xf32> to vector<1x16xf32>
      tpu.vector_store %arg8[%swap3A, %swap3A_147], %swap3A_150 {strides = array<i32>} : memref<128x128xf32, #tpu.memory_space<vmem>>, vector<1x16xf32>,
      %broadcast_in_dim3A_151 = arith.constant 1.000000e+00 : f32
      %broadcast_in_dim3A_152 = vector.broadcast %broadcast_in_dim3A_151 : f32 to vector<16xf32>
      %swap3A_153 = arith.index_cast %add3A_145 : i32 to index
      %swap3A_154 = arith.constant 16 : index
      %swap3A_155 = tpu.vector_load %arg8[%swap3A_153, %swap3A_154] {strides = array<i32>} : memref<128x128xf32, #tpu.memory_space<vmem>>, vector<1x16xf32>,
      %swap3A_156 = vector.shape_cast %swap3A_155 : vector<1x16xf32> to vector<16xf32>
      %swap3A_157 = vector.shape_cast %broadcast_in_dim3A_152 : vector<16xf32> to vector<1x16xf32>
      tpu.vector_store %arg8[%swap3A_153, %swap3A_154], %swap3A_157 {strides = array<i32>} : memref<128x128xf32, #tpu.memory_space<vmem>>, vector<1x16xf32>,
      %broadcast_in_dim3A_158 = arith.constant 1.000000e+00 : f32
      %broadcast_in_dim3A_159 = vector.broadcast %broadcast_in_dim3A_158 : f32 to vector<16xf32>
      %swap3A_160 = arith.index_cast %add3A_145 : i32 to index
      %swap3A_161 = arith.constant 32 : index
      %swap3A_162 = tpu.vector_load %arg8[%swap3A_160, %swap3A_161] {strides = array<i32>} : memref<128x128xf32, #tpu.memory_space<vmem>>, vector<1x16xf32>,
      %swap3A_163 = vector.shape_cast %swap3A_162 : vector<1x16xf32> to vector<16xf32>
      %swap3A_164 = vector.shape_cast %broadcast_in_dim3A_159 : vector<16xf32> to vector<1x16xf32>
      tpu.vector_store %arg8[%swap3A_160, %swap3A_161], %swap3A_164 {strides = array<i32>} : memref<128x128xf32, #tpu.memory_space<vmem>>, vector<1x16xf32>,
      %broadcast_in_dim3A_165 = arith.constant 1.000000e+00 : f32
      %broadcast_in_dim3A_166 = vector.broadcast %broadcast_in_dim3A_165 : f32 to vector<16xf32>
      %swap3A_167 = arith.index_cast %add3A_145 : i32 to index
      %swap3A_168 = arith.constant 48 : index
      %swap3A_169 = tpu.vector_load %arg8[%swap3A_167, %swap3A_168] {strides = array<i32>} : memref<128x128xf32, #tpu.memory_space<vmem>>, vector<1x16xf32>,
      %swap3A_170 = vector.shape_cast %swap3A_169 : vector<1x16xf32> to vector<16xf32>
      %swap3A_171 = vector.shape_cast %broadcast_in_dim3A_166 : vector<16xf32> to vector<1x16xf32>
      tpu.vector_store %arg8[%swap3A_167, %swap3A_168], %swap3A_171 {strides = array<i32>} : memref<128x128xf32, #tpu.memory_space<vmem>>, vector<1x16xf32>,
      %broadcast_in_dim3A_172 = arith.constant 1.000000e+00 : f32
      %broadcast_in_dim3A_173 = vector.broadcast %broadcast_in_dim3A_172 : f32 to vector<16xf32>
      %swap3A_174 = arith.index_cast %add3A_145 : i32 to index
      %swap3A_175 = arith.constant 64 : index
      %swap3A_176 = tpu.vector_load %arg8[%swap3A_174, %swap3A_175] {strides = array<i32>} : memref<128x128xf32, #tpu.memory_space<vmem>>, vector<1x16xf32>,
      %swap3A_177 = vector.shape_cast %swap3A_176 : vector<1x16xf32> to vector<16xf32>
      %swap3A_178 = vector.shape_cast %broadcast_in_dim3A_173 : vector<16xf32> to vector<1x16xf32>
      tpu.vector_store %arg8[%swap3A_174, %swap3A_175], %swap3A_178 {strides = array<i32>} : memref<128x128xf32, #tpu.memory_space<vmem>>, vector<1x16xf32>,
      %broadcast_in_dim3A_179 = arith.constant 1.000000e+00 : f32
      %broadcast_in_dim3A_180 = vector.broadcast %broadcast_in_dim3A_179 : f32 to vector<16xf32>
      %swap3A_181 = arith.index_cast %add3A_145 : i32 to index
      %swap3A_182 = arith.constant 80 : index
      %swap3A_183 = tpu.vector_load %arg8[%swap3A_181, %swap3A_182] {strides = array<i32>} : memref<128x128xf32, #tpu.memory_space<vmem>>, vector<1x16xf32>,
      %swap3A_184 = vector.shape_cast %swap3A_183 : vector<1x16xf32> to vector<16xf32>
      %swap3A_185 = vector.shape_cast %broadcast_in_dim3A_180 : vector<16xf32> to vector<1x16xf32>
      tpu.vector_store %arg8[%swap3A_181, %swap3A_182], %swap3A_185 {strides = array<i32>} : memref<128x128xf32, #tpu.memory_space<vmem>>, vector<1x16xf32>,
      %broadcast_in_dim3A_186 = arith.constant 1.000000e+00 : f32
      %broadcast_in_dim3A_187 = vector.broadcast %broadcast_in_dim3A_186 : f32 to vector<16xf32>
      %swap3A_188 = arith.index_cast %add3A_145 : i32 to index
      %swap3A_189 = arith.constant 96 : index
      %swap3A_190 = tpu.vector_load %arg8[%swap3A_188, %swap3A_189] {strides = array<i32>} : memref<128x128xf32, #tpu.memory_space<vmem>>, vector<1x16xf32>,
      %swap3A_191 = vector.shape_cast %swap3A_190 : vector<1x16xf32> to vector<16xf32>
      %swap3A_192 = vector.shape_cast %broadcast_in_dim3A_187 : vector<16xf32> to vector<1x16xf32>
      tpu.vector_store %arg8[%swap3A_188, %swap3A_189], %swap3A_192 {strides = array<i32>} : memref<128x128xf32, #tpu.memory_space<vmem>>, vector<1x16xf32>,
      %broadcast_in_dim3A_193 = arith.constant 1.000000e+00 : f32
      %broadcast_in_dim3A_194 = vector.broadcast %broadcast_in_dim3A_193 : f32 to vector<16xf32>
      %swap3A_195 = arith.index_cast %add3A_145 : i32 to index
      %swap3A_196 = arith.constant 112 : index
      %swap3A_197 = tpu.vector_load %arg8[%swap3A_195, %swap3A_196] {strides = array<i32>} : memref<128x128xf32, #tpu.memory_space<vmem>>, vector<1x16xf32>,
      %swap3A_198 = vector.shape_cast %swap3A_197 : vector<1x16xf32> to vector<16xf32>
      %swap3A_199 = vector.shape_cast %broadcast_in_dim3A_194 : vector<16xf32> to vector<1x16xf32>
      tpu.vector_store %arg8[%swap3A_195, %swap3A_196], %swap3A_199 {strides = array<i32>} : memref<128x128xf32, #tpu.memory_space<vmem>>, vector<1x16xf32>,
    }
    %scan3A_88 = arith.constant 128 : i32
    %add3A_89 = arith.constant 0 : i32
    %add3A_90 = arith.addi %add3A_4, %add3A_89 : i32
    %mul3A_91 = arith.constant 128 : i32
    %mul3A_92 = arith.muli %add3A_90, %mul3A_91 : i32
    %dma_start3A_93 = arith.constant 0 : i32
    %dma_start3A_94 = tpu.memref_slice %arg3[%dma_start3A_93, %mul3A_92] : memref<2x320000xi32, #tpu.memory_space<hbm>> -> memref<2x128xi32, #tpu.memory_space<hbm>>
    %dma_start3A_95 = arith.constant 0 : i32
    %dma_start3A_96 = tpu.memref_slice %arg3[%dma_start3A_95, %mul3A_92] : memref<2x320000xi32, #tpu.memory_space<hbm>> -> memref<2x128xi32, #tpu.memory_space<hbm>>
    tpu.enqueue_dma source(%dma_start3A_96 : memref<2x128xi32, #tpu.memory_space<hbm>>) target(%arg6 : memref<2x128xi32, #tpu.memory_space<vmem>>) target_semaphore(%arg11 : memref<!tpu.dma_semaphore, #tpu.memory_space<semaphore_mem>>)
    %barrier3A_97 = arith.constant 0 : index
    tpu.barrier barrier_id(%barrier3A_97)
    %sub3A_98 = arith.constant 1 : i32
    %sub3A_99 = arith.subi %add3A_8, %sub3A_98 : i32
    %sub3A_100 = arith.constant 0 : i32
    %sub3A_101 = arith.subi %sub3A_99, %sub3A_100 : i32
    %sub3A_102 = arith.constant 2 : i32
    %sub3A_103 = arith.constant 1 : i32
    %sub3A_104 = arith.subi %sub3A_102, %sub3A_103 : i32
    %add3A_105 = arith.addi %sub3A_101, %sub3A_104 : i32
    %div3A_106 = arith.constant 2 : i32
    %div3A_107 = arith.divsi %add3A_105, %div3A_106 : i32
    %while3A_108 = arith.constant 2 : i32
    %while3A_109 = arith.constant 0 : i32
    %while3A_110 = arith.constant 0 : i32
    %while3A_111 = arith.subi %div3A_107, %while3A_110 : i32
    %while3A_112 = arith.addi %while3A_110, %while3A_111 : i32
    %while3A_113 = arith.constant 1 : i32
    %while3A_114 = arith.divsi %while3A_111, %while3A_113 : i32
    %while3A_115 = arith.muli %while3A_114, %while3A_113 : i32
    %while3A_116 = arith.addi %while3A_110, %while3A_115 : i32
    %while3A_117 = arith.constant 1 : i32
    scf.for %while3A_141 = %while3A_110 to %while3A_116 step %while3A_117  : i32 {
      %mul3A_142 = arith.muli %while3A_141, %while3A_108 : i32
      %add3A_143 = arith.addi %while3A_109, %mul3A_142 : i32
      %add3A_144 = arith.constant 1 : i32
      %add3A_145 = arith.addi %add3A_143, %add3A_144 : i32
      %add3A_146 = arith.addi %add3A_4, %add3A_145 : i32
      %mul3A_147 = arith.constant 128 : i32
      %mul3A_148 = arith.muli %add3A_146, %mul3A_147 : i32
      %dma_start3A_149 = arith.constant 0 : i32
      %dma_start3A_150 = tpu.memref_slice %arg3[%dma_start3A_149, %mul3A_148] : memref<2x320000xi32, #tpu.memory_space<hbm>> -> memref<2x128xi32, #tpu.memory_space<hbm>>
      %dma_start3A_151 = arith.constant 0 : i32
      %dma_start3A_152 = tpu.memref_slice %arg3[%dma_start3A_151, %mul3A_148] : memref<2x320000xi32, #tpu.memory_space<hbm>> -> memref<2x128xi32, #tpu.memory_space<hbm>>
      tpu.enqueue_dma source(%dma_start3A_152 : memref<2x128xi32, #tpu.memory_space<hbm>>) target(%arg7 : memref<2x128xi32, #tpu.memory_space<vmem>>) target_semaphore(%arg12 : memref<!tpu.dma_semaphore, #tpu.memory_space<semaphore_mem>>)
      %dma_wait3A = arith.constant 0 : i32
      %dma_wait3A_153 = arith.constant 0 : i32
      %dma_wait3A_154 = tpu.memref_slice %arg3[%dma_wait3A, %dma_wait3A_153] : memref<2x320000xi32, #tpu.memory_space<hbm>> -> memref<2x128xi32, #tpu.memory_space<hbm>>
      %dma_wait3A_155 = arith.constant 0 : i32
      %dma_wait3A_156 = arith.constant 0 : i32
      %dma_wait3A_157 = tpu.memref_slice %arg3[%dma_wait3A_155, %dma_wait3A_156] : memref<2x320000xi32, #tpu.memory_space<hbm>> -> memref<2x128xi32, #tpu.memory_space<hbm>>
      tpu.wait_dma2 semaphore(%arg11 : memref<!tpu.dma_semaphore, #tpu.memory_space<semaphore_mem>>) src(%dma_wait3A_157 : memref<2x128xi32, #tpu.memory_space<hbm>>) dst(%arg6 : memref<2x128xi32, #tpu.memory_space<vmem>>)
      %run_scoped3A = arith.constant 1 : i32
      "tpu.region"() ({
        %run_scoped3A_171 = tpu.sem_alloc : memref<!tpu.dma_semaphore, #tpu.memory_space<semaphore_mem>>
        %dma_start3A_172 = arith.constant 0 : i32
        %dma_start3A_173 = tpu.memref_slice %arg6[%run_scoped3A, %dma_start3A_172] : memref<2x128xi32, #tpu.memory_space<vmem>> -> memref<1x128xi32, #tpu.memory_space<vmem>>
        %dma_start3A_174 = tpu.memref_squeeze %dma_start3A_173 : memref<1x128xi32, #tpu.memory_space<vmem>> -> memref<128xi32, #tpu.memory_space<vmem>>
        %dma_start3A_175 = arith.constant 0 : i32
        %dma_start3A_176 = arith.constant 0 : i32
        %dma_start3A_177 = tpu.memref_slice %arg10[%dma_start3A_175, %dma_start3A_176] : memref<10240x128xf32, #tpu.memory_space<vmem_shared>> -> memref<10240x128xf32, #tpu.memory_space<vmem_shared>>
        tpu.enqueue_indirect_dma source(%arg8 : memref<128x128xf32, #tpu.memory_space<vmem>>) target(%dma_start3A_177 : memref<10240x128xf32, #tpu.memory_space<vmem_shared>>) offsets(%dma_start3A_174 : memref<128xi32, #tpu.memory_space<vmem>>) semaphore(%run_scoped3A_171 : memref<!tpu.dma_semaphore, #tpu.memory_space<semaphore_mem>>) {add = true}
        %dma_wait3A_178 = arith.constant 0 : i32
        %dma_wait3A_179 = tpu.memref_slice %arg6[%run_scoped3A, %dma_wait3A_178] : memref<2x128xi32, #tpu.memory_space<vmem>> -> memref<1x128xi32, #tpu.memory_space<vmem>>
        %dma_wait3A_180 = tpu.memref_squeeze %dma_wait3A_179 : memref<1x128xi32, #tpu.memory_space<vmem>> -> memref<128xi32, #tpu.memory_space<vmem>>
        %dma_wait3A_181 = arith.constant 0 : i32
        %dma_wait3A_182 = arith.constant 0 : i32
        %dma_wait3A_183 = tpu.memref_slice %arg10[%dma_wait3A_181, %dma_wait3A_182] : memref<10240x128xf32, #tpu.memory_space<vmem_shared>> -> memref<10240x128xf32, #tpu.memory_space<vmem_shared>>
        tpu.wait_indirect_dma semaphore(%run_scoped3A_171 : memref<!tpu.dma_semaphore, #tpu.memory_space<semaphore_mem>>) src(%arg8 : memref<128x128xf32, #tpu.memory_space<vmem>>) dst(%dma_wait3A_183 : memref<10240x128xf32, #tpu.memory_space<vmem_shared>>)
        tpu.yield
      }) : () -> ()
      %add3A_158 = arith.constant 2 : i32
      %add3A_159 = arith.addi %add3A_143, %add3A_158 : i32
      %lt3A_160 = arith.cmpi slt, %add3A_159, %add3A_8 : i32
      %convert_element_type3A_161 = arith.extui %lt3A_160 : i1 to i32
      %cond3A_162 = arith.constant 0 : i32
      %cond3A_163 = arith.cmpi ne, %convert_element_type3A_161, %cond3A_162 : i32
      scf.if %cond3A_163 {
        %add3A_171 = arith.constant 2 : i32
        %add3A_172 = arith.addi %add3A_143, %add3A_171 : i32
        %add3A_173 = arith.addi %add3A_4, %add3A_172 : i32
        %mul3A_174 = arith.constant 128 : i32
        %mul3A_175 = arith.muli %add3A_173, %mul3A_174 : i32
        %dma_start3A_176 = arith.constant 0 : i32
        %dma_start3A_177 = tpu.memref_slice %arg3[%dma_start3A_176, %mul3A_175] : memref<2x320000xi32, #tpu.memory_space<hbm>> -> memref<2x128xi32, #tpu.memory_space<hbm>>
        %dma_start3A_178 = arith.constant 0 : i32
        %dma_start3A_179 = tpu.memref_slice %arg3[%dma_start3A_178, %mul3A_175] : memref<2x320000xi32, #tpu.memory_space<hbm>> -> memref<2x128xi32, #tpu.memory_space<hbm>>
        tpu.enqueue_dma source(%dma_start3A_179 : memref<2x128xi32, #tpu.memory_space<hbm>>) target(%arg6 : memref<2x128xi32, #tpu.memory_space<vmem>>) target_semaphore(%arg11 : memref<!tpu.dma_semaphore, #tpu.memory_space<semaphore_mem>>)
      } else {
      }
      %dma_wait3A_164 = arith.constant 0 : i32
      %dma_wait3A_165 = arith.constant 0 : i32
      %dma_wait3A_166 = tpu.memref_slice %arg3[%dma_wait3A_164, %dma_wait3A_165] : memref<2x320000xi32, #tpu.memory_space<hbm>> -> memref<2x128xi32, #tpu.memory_space<hbm>>
      %dma_wait3A_167 = arith.constant 0 : i32
      %dma_wait3A_168 = arith.constant 0 : i32
      %dma_wait3A_169 = tpu.memref_slice %arg3[%dma_wait3A_167, %dma_wait3A_168] : memref<2x320000xi32, #tpu.memory_space<hbm>> -> memref<2x128xi32, #tpu.memory_space<hbm>>
      tpu.wait_dma2 semaphore(%arg12 : memref<!tpu.dma_semaphore, #tpu.memory_space<semaphore_mem>>) src(%dma_wait3A_169 : memref<2x128xi32, #tpu.memory_space<hbm>>) dst(%arg7 : memref<2x128xi32, #tpu.memory_space<vmem>>)
      %run_scoped3A_170 = arith.constant 1 : i32
      "tpu.region"() ({
        %run_scoped3A_171 = tpu.sem_alloc : memref<!tpu.dma_semaphore, #tpu.memory_space<semaphore_mem>>
        %dma_start3A_172 = arith.constant 0 : i32
        %dma_start3A_173 = tpu.memref_slice %arg7[%run_scoped3A_170, %dma_start3A_172] : memref<2x128xi32, #tpu.memory_space<vmem>> -> memref<1x128xi32, #tpu.memory_space<vmem>>
        %dma_start3A_174 = tpu.memref_squeeze %dma_start3A_173 : memref<1x128xi32, #tpu.memory_space<vmem>> -> memref<128xi32, #tpu.memory_space<vmem>>
        %dma_start3A_175 = arith.constant 0 : i32
        %dma_start3A_176 = arith.constant 0 : i32
        %dma_start3A_177 = tpu.memref_slice %arg10[%dma_start3A_175, %dma_start3A_176] : memref<10240x128xf32, #tpu.memory_space<vmem_shared>> -> memref<10240x128xf32, #tpu.memory_space<vmem_shared>>
        tpu.enqueue_indirect_dma source(%arg8 : memref<128x128xf32, #tpu.memory_space<vmem>>) target(%dma_start3A_177 : memref<10240x128xf32, #tpu.memory_space<vmem_shared>>) offsets(%dma_start3A_174 : memref<128xi32, #tpu.memory_space<vmem>>) semaphore(%run_scoped3A_171 : memref<!tpu.dma_semaphore, #tpu.memory_space<semaphore_mem>>) {add = true}
        %dma_wait3A_178 = arith.constant 0 : i32
        %dma_wait3A_179 = tpu.memref_slice %arg7[%run_scoped3A_170, %dma_wait3A_178] : memref<2x128xi32, #tpu.memory_space<vmem>> -> memref<1x128xi32, #tpu.memory_space<vmem>>
        %dma_wait3A_180 = tpu.memref_squeeze %dma_wait3A_179 : memref<1x128xi32, #tpu.memory_space<vmem>> -> memref<128xi32, #tpu.memory_space<vmem>>
        %dma_wait3A_181 = arith.constant 0 : i32
        %dma_wait3A_182 = arith.constant 0 : i32
        %dma_wait3A_183 = tpu.memref_slice %arg10[%dma_wait3A_181, %dma_wait3A_182] : memref<10240x128xf32, #tpu.memory_space<vmem_shared>> -> memref<10240x128xf32, #tpu.memory_space<vmem_shared>>
        tpu.wait_indirect_dma semaphore(%run_scoped3A_171 : memref<!tpu.dma_semaphore, #tpu.memory_space<semaphore_mem>>) src(%arg8 : memref<128x128xf32, #tpu.memory_space<vmem>>) dst(%dma_wait3A_183 : memref<10240x128xf32, #tpu.memory_space<vmem_shared>>)
        tpu.yield
      }) : () -> ()
    }
    %while3A_118 = arith.constant 1 : i32
    scf.for %while3A_141 = %while3A_116 to %while3A_112 step %while3A_118  : i32 {
      %mul3A_142 = arith.muli %while3A_141, %while3A_108 : i32
      %add3A_143 = arith.addi %while3A_109, %mul3A_142 : i32
      %add3A_144 = arith.constant 1 : i32
      %add3A_145 = arith.addi %add3A_143, %add3A_144 : i32
      %add3A_146 = arith.addi %add3A_4, %add3A_145 : i32
      %mul3A_147 = arith.constant 128 : i32
      %mul3A_148 = arith.muli %add3A_146, %mul3A_147 : i32
      %dma_start3A_149 = arith.constant 0 : i32
      %dma_start3A_150 = tpu.memref_slice %arg3[%dma_start3A_149, %mul3A_148] : memref<2x320000xi32, #tpu.memory_space<hbm>> -> memref<2x128xi32, #tpu.memory_space<hbm>>
      %dma_start3A_151 = arith.constant 0 : i32
      %dma_start3A_152 = tpu.memref_slice %arg3[%dma_start3A_151, %mul3A_148] : memref<2x320000xi32, #tpu.memory_space<hbm>> -> memref<2x128xi32, #tpu.memory_space<hbm>>
      tpu.enqueue_dma source(%dma_start3A_152 : memref<2x128xi32, #tpu.memory_space<hbm>>) target(%arg7 : memref<2x128xi32, #tpu.memory_space<vmem>>) target_semaphore(%arg12 : memref<!tpu.dma_semaphore, #tpu.memory_space<semaphore_mem>>)
      %dma_wait3A = arith.constant 0 : i32
      %dma_wait3A_153 = arith.constant 0 : i32
      %dma_wait3A_154 = tpu.memref_slice %arg3[%dma_wait3A, %dma_wait3A_153] : memref<2x320000xi32, #tpu.memory_space<hbm>> -> memref<2x128xi32, #tpu.memory_space<hbm>>
      %dma_wait3A_155 = arith.constant 0 : i32
      %dma_wait3A_156 = arith.constant 0 : i32
      %dma_wait3A_157 = tpu.memref_slice %arg3[%dma_wait3A_155, %dma_wait3A_156] : memref<2x320000xi32, #tpu.memory_space<hbm>> -> memref<2x128xi32, #tpu.memory_space<hbm>>
      tpu.wait_dma2 semaphore(%arg11 : memref<!tpu.dma_semaphore, #tpu.memory_space<semaphore_mem>>) src(%dma_wait3A_157 : memref<2x128xi32, #tpu.memory_space<hbm>>) dst(%arg6 : memref<2x128xi32, #tpu.memory_space<vmem>>)
      %run_scoped3A = arith.constant 1 : i32
      "tpu.region"() ({
        %run_scoped3A_171 = tpu.sem_alloc : memref<!tpu.dma_semaphore, #tpu.memory_space<semaphore_mem>>
        %dma_start3A_172 = arith.constant 0 : i32
        %dma_start3A_173 = tpu.memref_slice %arg6[%run_scoped3A, %dma_start3A_172] : memref<2x128xi32, #tpu.memory_space<vmem>> -> memref<1x128xi32, #tpu.memory_space<vmem>>
        %dma_start3A_174 = tpu.memref_squeeze %dma_start3A_173 : memref<1x128xi32, #tpu.memory_space<vmem>> -> memref<128xi32, #tpu.memory_space<vmem>>
        %dma_start3A_175 = arith.constant 0 : i32
        %dma_start3A_176 = arith.constant 0 : i32
        %dma_start3A_177 = tpu.memref_slice %arg10[%dma_start3A_175, %dma_start3A_176] : memref<10240x128xf32, #tpu.memory_space<vmem_shared>> -> memref<10240x128xf32, #tpu.memory_space<vmem_shared>>
        tpu.enqueue_indirect_dma source(%arg8 : memref<128x128xf32, #tpu.memory_space<vmem>>) target(%dma_start3A_177 : memref<10240x128xf32, #tpu.memory_space<vmem_shared>>) offsets(%dma_start3A_174 : memref<128xi32, #tpu.memory_space<vmem>>) semaphore(%run_scoped3A_171 : memref<!tpu.dma_semaphore, #tpu.memory_space<semaphore_mem>>) {add = true}
        %dma_wait3A_178 = arith.constant 0 : i32
        %dma_wait3A_179 = tpu.memref_slice %arg6[%run_scoped3A, %dma_wait3A_178] : memref<2x128xi32, #tpu.memory_space<vmem>> -> memref<1x128xi32, #tpu.memory_space<vmem>>
        %dma_wait3A_180 = tpu.memref_squeeze %dma_wait3A_179 : memref<1x128xi32, #tpu.memory_space<vmem>> -> memref<128xi32, #tpu.memory_space<vmem>>
        %dma_wait3A_181 = arith.constant 0 : i32
        %dma_wait3A_182 = arith.constant 0 : i32
        %dma_wait3A_183 = tpu.memref_slice %arg10[%dma_wait3A_181, %dma_wait3A_182] : memref<10240x128xf32, #tpu.memory_space<vmem_shared>> -> memref<10240x128xf32, #tpu.memory_space<vmem_shared>>
        tpu.wait_indirect_dma semaphore(%run_scoped3A_171 : memref<!tpu.dma_semaphore, #tpu.memory_space<semaphore_mem>>) src(%arg8 : memref<128x128xf32, #tpu.memory_space<vmem>>) dst(%dma_wait3A_183 : memref<10240x128xf32, #tpu.memory_space<vmem_shared>>)
        tpu.yield
      }) : () -> ()
      %add3A_158 = arith.constant 2 : i32
      %add3A_159 = arith.addi %add3A_143, %add3A_158 : i32
      %lt3A_160 = arith.cmpi slt, %add3A_159, %add3A_8 : i32
      %convert_element_type3A_161 = arith.extui %lt3A_160 : i1 to i32
      %cond3A_162 = arith.constant 0 : i32
      %cond3A_163 = arith.cmpi ne, %convert_element_type3A_161, %cond3A_162 : i32
      scf.if %cond3A_163 {
        %add3A_171 = arith.constant 2 : i32
        %add3A_172 = arith.addi %add3A_143, %add3A_171 : i32
        %add3A_173 = arith.addi %add3A_4, %add3A_172 : i32
        %mul3A_174 = arith.constant 128 : i32
        %mul3A_175 = arith.muli %add3A_173, %mul3A_174 : i32
        %dma_start3A_176 = arith.constant 0 : i32
        %dma_start3A_177 = tpu.memref_slice %arg3[%dma_start3A_176, %mul3A_175] : memref<2x320000xi32, #tpu.memory_space<hbm>> -> memref<2x128xi32, #tpu.memory_space<hbm>>
        %dma_start3A_178 = arith.constant 0 : i32
        %dma_start3A_179 = tpu.memref_slice %arg3[%dma_start3A_178, %mul3A_175] : memref<2x320000xi32, #tpu.memory_space<hbm>> -> memref<2x128xi32, #tpu.memory_space<hbm>>
        tpu.enqueue_dma source(%dma_start3A_179 : memref<2x128xi32, #tpu.memory_space<hbm>>) target(%arg6 : memref<2x128xi32, #tpu.memory_space<vmem>>) target_semaphore(%arg11 : memref<!tpu.dma_semaphore, #tpu.memory_space<semaphore_mem>>)
      } else {
      }
      %dma_wait3A_164 = arith.constant 0 : i32
      %dma_wait3A_165 = arith.constant 0 : i32
      %dma_wait3A_166 = tpu.memref_slice %arg3[%dma_wait3A_164, %dma_wait3A_165] : memref<2x320000xi32, #tpu.memory_space<hbm>> -> memref<2x128xi32, #tpu.memory_space<hbm>>
      %dma_wait3A_167 = arith.constant 0 : i32
      %dma_wait3A_168 = arith.constant 0 : i32
      %dma_wait3A_169 = tpu.memref_slice %arg3[%dma_wait3A_167, %dma_wait3A_168] : memref<2x320000xi32, #tpu.memory_space<hbm>> -> memref<2x128xi32, #tpu.memory_space<hbm>>
      tpu.wait_dma2 semaphore(%arg12 : memref<!tpu.dma_semaphore, #tpu.memory_space<semaphore_mem>>) src(%dma_wait3A_169 : memref<2x128xi32, #tpu.memory_space<hbm>>) dst(%arg7 : memref<2x128xi32, #tpu.memory_space<vmem>>)
      %run_scoped3A_170 = arith.constant 1 : i32
      "tpu.region"() ({
        %run_scoped3A_171 = tpu.sem_alloc : memref<!tpu.dma_semaphore, #tpu.memory_space<semaphore_mem>>
        %dma_start3A_172 = arith.constant 0 : i32
        %dma_start3A_173 = tpu.memref_slice %arg7[%run_scoped3A_170, %dma_start3A_172] : memref<2x128xi32, #tpu.memory_space<vmem>> -> memref<1x128xi32, #tpu.memory_space<vmem>>
        %dma_start3A_174 = tpu.memref_squeeze %dma_start3A_173 : memref<1x128xi32, #tpu.memory_space<vmem>> -> memref<128xi32, #tpu.memory_space<vmem>>
        %dma_start3A_175 = arith.constant 0 : i32
        %dma_start3A_176 = arith.constant 0 : i32
        %dma_start3A_177 = tpu.memref_slice %arg10[%dma_start3A_175, %dma_start3A_176] : memref<10240x128xf32, #tpu.memory_space<vmem_shared>> -> memref<10240x128xf32, #tpu.memory_space<vmem_shared>>
        tpu.enqueue_indirect_dma source(%arg8 : memref<128x128xf32, #tpu.memory_space<vmem>>) target(%dma_start3A_177 : memref<10240x128xf32, #tpu.memory_space<vmem_shared>>) offsets(%dma_start3A_174 : memref<128xi32, #tpu.memory_space<vmem>>) semaphore(%run_scoped3A_171 : memref<!tpu.dma_semaphore, #tpu.memory_space<semaphore_mem>>) {add = true}
        %dma_wait3A_178 = arith.constant 0 : i32
        %dma_wait3A_179 = tpu.memref_slice %arg7[%run_scoped3A_170, %dma_wait3A_178] : memref<2x128xi32, #tpu.memory_space<vmem>> -> memref<1x128xi32, #tpu.memory_space<vmem>>
        %dma_wait3A_180 = tpu.memref_squeeze %dma_wait3A_179 : memref<1x128xi32, #tpu.memory_space<vmem>> -> memref<128xi32, #tpu.memory_space<vmem>>
        %dma_wait3A_181 = arith.constant 0 : i32
        %dma_wait3A_182 = arith.constant 0 : i32
        %dma_wait3A_183 = tpu.memref_slice %arg10[%dma_wait3A_181, %dma_wait3A_182] : memref<10240x128xf32, #tpu.memory_space<vmem_shared>> -> memref<10240x128xf32, #tpu.memory_space<vmem_shared>>
        tpu.wait_indirect_dma semaphore(%run_scoped3A_171 : memref<!tpu.dma_semaphore, #tpu.memory_space<semaphore_mem>>) src(%arg8 : memref<128x128xf32, #tpu.memory_space<vmem>>) dst(%dma_wait3A_183 : memref<10240x128xf32, #tpu.memory_space<vmem_shared>>)
        tpu.yield
      }) : () -> ()
    }
    %jit3A_119 = arith.constant 2 : i32
    %eq3A_120 = arith.constant 0 : i32
    %eq3A_121 = arith.cmpi eq, %jit3A_119, %eq3A_120 : i32
    %jit3A_122 = arith.constant 1 : i32
    %select_n3A_123 = arith.select %eq3A_121, %jit3A_122, %jit3A_119 : i32
    %rem3A_124 = arith.remsi %add3A_8, %select_n3A_123 : i32
    %ne3A_125 = arith.constant 0 : i32
    %ne3A_126 = arith.cmpi ne, %rem3A_124, %ne3A_125 : i32
    %lt3A_127 = arith.constant 0 : i32
    %lt3A_128 = arith.cmpi slt, %rem3A_124, %lt3A_127 : i32
    %lt3A_129 = arith.constant 0 : i32
    %lt3A_130 = arith.cmpi slt, %select_n3A_123, %lt3A_129 : i32
    %ne3A_131 = arith.xori %lt3A_128, %lt3A_130 : i1
    %and3A_132 = arith.andi %ne3A_131, %ne3A_126 : i1
    %add3A_133 = arith.addi %rem3A_124, %select_n3A_123 : i32
    %select_n3A_134 = arith.select %and3A_132, %add3A_133, %rem3A_124 : i32
    %eq3A_135 = arith.constant 1 : i32
    %eq3A_136 = arith.cmpi eq, %select_n3A_134, %eq3A_135 : i32
    %convert_element_type3A_137 = arith.extui %eq3A_136 : i1 to i32
    %cond3A_138 = arith.constant 0 : i32
    %cond3A_139 = arith.cmpi ne, %convert_element_type3A_137, %cond3A_138 : i32
    scf.if %cond3A_139 {
      %dma_wait3A = arith.constant 0 : i32
      %dma_wait3A_141 = arith.constant 0 : i32
      %dma_wait3A_142 = tpu.memref_slice %arg3[%dma_wait3A, %dma_wait3A_141] : memref<2x320000xi32, #tpu.memory_space<hbm>> -> memref<2x128xi32, #tpu.memory_space<hbm>>
      %dma_wait3A_143 = arith.constant 0 : i32
      %dma_wait3A_144 = arith.constant 0 : i32
      %dma_wait3A_145 = tpu.memref_slice %arg3[%dma_wait3A_143, %dma_wait3A_144] : memref<2x320000xi32, #tpu.memory_space<hbm>> -> memref<2x128xi32, #tpu.memory_space<hbm>>
      tpu.wait_dma2 semaphore(%arg11 : memref<!tpu.dma_semaphore, #tpu.memory_space<semaphore_mem>>) src(%dma_wait3A_145 : memref<2x128xi32, #tpu.memory_space<hbm>>) dst(%arg6 : memref<2x128xi32, #tpu.memory_space<vmem>>)
      %run_scoped3A = arith.constant 1 : i32
      "tpu.region"() ({
        %run_scoped3A_146 = tpu.sem_alloc : memref<!tpu.dma_semaphore, #tpu.memory_space<semaphore_mem>>
        %dma_start3A_147 = arith.constant 0 : i32
        %dma_start3A_148 = tpu.memref_slice %arg6[%run_scoped3A, %dma_start3A_147] : memref<2x128xi32, #tpu.memory_space<vmem>> -> memref<1x128xi32, #tpu.memory_space<vmem>>
        %dma_start3A_149 = tpu.memref_squeeze %dma_start3A_148 : memref<1x128xi32, #tpu.memory_space<vmem>> -> memref<128xi32, #tpu.memory_space<vmem>>
        %dma_start3A_150 = arith.constant 0 : i32
        %dma_start3A_151 = arith.constant 0 : i32
        %dma_start3A_152 = tpu.memref_slice %arg10[%dma_start3A_150, %dma_start3A_151] : memref<10240x128xf32, #tpu.memory_space<vmem_shared>> -> memref<10240x128xf32, #tpu.memory_space<vmem_shared>>
        tpu.enqueue_indirect_dma source(%arg8 : memref<128x128xf32, #tpu.memory_space<vmem>>) target(%dma_start3A_152 : memref<10240x128xf32, #tpu.memory_space<vmem_shared>>) offsets(%dma_start3A_149 : memref<128xi32, #tpu.memory_space<vmem>>) semaphore(%run_scoped3A_146 : memref<!tpu.dma_semaphore, #tpu.memory_space<semaphore_mem>>) {add = true}
        %dma_wait3A_153 = arith.constant 0 : i32
        %dma_wait3A_154 = tpu.memref_slice %arg6[%run_scoped3A, %dma_wait3A_153] : memref<2x128xi32, #tpu.memory_space<vmem>> -> memref<1x128xi32, #tpu.memory_space<vmem>>
        %dma_wait3A_155 = tpu.memref_squeeze %dma_wait3A_154 : memref<1x128xi32, #tpu.memory_space<vmem>> -> memref<128xi32, #tpu.memory_space<vmem>>
        %dma_wait3A_156 = arith.constant 0 : i32
        %dma_wait3A_157 = arith.constant 0 : i32
        %dma_wait3A_158 = tpu.memref_slice %arg10[%dma_wait3A_156, %dma_wait3A_157] : memref<10240x128xf32, #tpu.memory_space<vmem_shared>> -> memref<10240x128xf32, #tpu.memory_space<vmem_shared>>
        tpu.wait_indirect_dma semaphore(%run_scoped3A_146 : memref<!tpu.dma_semaphore, #tpu.memory_space<semaphore_mem>>) src(%arg8 : memref<128x128xf32, #tpu.memory_space<vmem>>) dst(%dma_wait3A_158 : memref<10240x128xf32, #tpu.memory_space<vmem_shared>>)
        tpu.yield
      }) : () -> ()
    } else {
    }
    %barrier3A_140 = arith.constant 0 : index
    tpu.barrier barrier_id(%barrier3A_140)
    "tpu.region"() ({
      %run_scoped3A = tpu.sem_alloc : memref<!tpu.dma_semaphore, #tpu.memory_space<semaphore_mem>>
      %dma_start3A_141 = arith.constant 0 : i32
      %dma_start3A_142 = tpu.memref_slice %arg5[%arg0, %mul3A_10, %dma_start3A_141] : memref<2x10240x128xf32, #tpu.memory_space<hbm>> -> memref<1x640x128xf32, #tpu.memory_space<hbm>>
      %dma_start3A_143 = tpu.memref_squeeze %dma_start3A_142 : memref<1x640x128xf32, #tpu.memory_space<hbm>> -> memref<640x128xf32, #tpu.memory_space<hbm>>
      %dma_start3A_144 = arith.constant 0 : i32
      %dma_start3A_145 = tpu.memref_slice %arg10[%mul3A_10, %dma_start3A_144] : memref<10240x128xf32, #tpu.memory_space<vmem_shared>> -> memref<640x128xf32, #tpu.memory_space<vmem_shared>>
      tpu.enqueue_dma source(%dma_start3A_145 : memref<640x128xf32, #tpu.memory_space<vmem_shared>>) target(%dma_start3A_143 : memref<640x128xf32, #tpu.memory_space<hbm>>) target_semaphore(%run_scoped3A : memref<!tpu.dma_semaphore, #tpu.memory_space<semaphore_mem>>)
      %dma_wait3A = arith.constant 0 : i32
      %dma_wait3A_146 = tpu.memref_slice %arg5[%arg0, %mul3A_10, %dma_wait3A] : memref<2x10240x128xf32, #tpu.memory_space<hbm>> -> memref<1x640x128xf32, #tpu.memory_space<hbm>>
      %dma_wait3A_147 = tpu.memref_squeeze %dma_wait3A_146 : memref<1x640x128xf32, #tpu.memory_space<hbm>> -> memref<640x128xf32, #tpu.memory_space<hbm>>
      %dma_wait3A_148 = arith.constant 0 : i32
      %dma_wait3A_149 = tpu.memref_slice %arg10[%mul3A_10, %dma_wait3A_148] : memref<10240x128xf32, #tpu.memory_space<vmem_shared>> -> memref<640x128xf32, #tpu.memory_space<vmem_shared>>
      tpu.wait_dma2 semaphore(%run_scoped3A : memref<!tpu.dma_semaphore, #tpu.memory_space<semaphore_mem>>) src(%dma_wait3A_149 : memref<640x128xf32, #tpu.memory_space<vmem_shared>>) dst(%dma_wait3A_147 : memref<640x128xf32, #tpu.memory_space<hbm>>)
      tpu.yield
    }) : () -> ()
    return
  }
}

module attributes {stable_mosaic.version = 14 : i64} {
  func.func @_self_body(%arg0: i32, %arg1: memref<1000x128xf32, #tpu.memory_space<vmem>>, %arg2: memref<128x128xf32, #tpu.memory_space<vmem>>, %arg3: memref<1x128xf32, #tpu.memory_space<vmem>>, %arg4: memref<1000x128xf32, #tpu.memory_space<vmem>>) attributes {dimension_semantics = [#tpu.dimension_semantics<arbitrary>], iteration_bounds = array<i64: 10>, scalar_prefetch = 0 : i64, scratch_operands = 0 : i64, tpu.core_type = #tpu.core_type<tc>, window_params = [{transform_indices = @transform_0, window_bounds = array<i64: 1000, 128>}, {pipeline_mode = #tpu.pipeline_mode<synchronous>, transform_indices = @transform_1, window_bounds = array<i64: 128, 128>}, {pipeline_mode = #tpu.pipeline_mode<synchronous>, transform_indices = @transform_2, window_bounds = array<i64: 1, 128>}, {transform_indices = @transform_3, window_bounds = array<i64: 1000, 128>}]} {
    %get3A = arith.constant 0 : index
    %get3A_0 = arith.constant 0 : index
    %get3A_1 = vector.load %arg1[%get3A, %get3A_0] : memref<1000x128xf32, #tpu.memory_space<vmem>>, vector<1000x128xf32>
    %get3A_2 = arith.constant 0 : index
    %get3A_3 = arith.constant 0 : index
    %get3A_4 = vector.load %arg2[%get3A_2, %get3A_3] : memref<128x128xf32, #tpu.memory_space<vmem>>, vector<128x128xf32>
    %dot_general3A = arith.constant dense<0.000000e+00> : vector<1000x128xf32>
    %dot_general3A_5 = tpu.matmul %get3A_1, %get3A_4, %dot_general3A {dimension_numbers = #tpu.dot_dimension_numbers<[1], [0], [0], [1], [0, 0, 1, 1], [], []>, precision = #tpu.contract_precision<fp32>, transpose_lhs_hint = false} : vector<1000x128xf32>, vector<128x128xf32>, vector<1000x128xf32> -> vector<1000x128xf32>
    %get3A_6 = arith.constant 0 : index
    %get3A_7 = arith.constant 0 : index
    %get3A_8 = vector.load %arg3[%get3A_6, %get3A_7] : memref<1x128xf32, #tpu.memory_space<vmem>>, vector<1x128xf32>
    %add3A = vector.broadcast %get3A_8 : vector<1x128xf32> to vector<1000x128xf32>
    %add3A_9 = arith.addf %dot_general3A_5, %add3A : vector<1000x128xf32>
    %swap3A = arith.constant 0 : index
    %swap3A_10 = arith.constant 0 : index
    %swap3A_11 = vector.load %arg4[%swap3A, %swap3A_10] : memref<1000x128xf32, #tpu.memory_space<vmem>>, vector<1000x128xf32>
    tpu.vector_store %arg4[%swap3A, %swap3A_10], %add3A_9 {strides = array<i32>} : memref<1000x128xf32, #tpu.memory_space<vmem>>, vector<1000x128xf32>,
    return
  }
  func.func @transform_0(%arg0: i32) -> (i32, i32) {
    %c0_i32 = arith.constant 0 : i32
    %c0_i32_0 = arith.constant 0 : i32
    return %arg0, %c0_i32 : i32, i32
  }
  func.func @transform_1(%arg0: i32) -> (i32, i32) {
    %c0_i32 = arith.constant 0 : i32
    %c0_i32_0 = arith.constant 0 : i32
    %c0_i32_1 = arith.constant 0 : i32
    return %c0_i32, %c0_i32_0 : i32, i32
  }
  func.func @transform_2(%arg0: i32) -> (i32, i32) {
    %c0_i32 = arith.constant 0 : i32
    %c0_i32_0 = arith.constant 0 : i32
    %c0_i32_1 = arith.constant 0 : i32
    return %c0_i32, %c0_i32_0 : i32, i32
  }
  func.func @transform_3(%arg0: i32) -> (i32, i32) {
    %c0_i32 = arith.constant 0 : i32
    %c0_i32_0 = arith.constant 0 : i32
    return %arg0, %c0_i32 : i32, i32
  }
}

module attributes {stable_mosaic.version = 14 : i64} {
  func.func @_rest_body(%arg0: i32, %arg1: memref<1000x128xf32, #tpu.memory_space<vmem>>, %arg2: memref<1x1000x128xf32, #tpu.memory_space<vmem>>, %arg3: memref<1x1000x128xf32, #tpu.memory_space<vmem>>, %arg4: memref<1x1000x128xf32, #tpu.memory_space<vmem>>, %arg5: memref<1x1000x128xf32, #tpu.memory_space<vmem>>, %arg6: memref<128x128xf32, #tpu.memory_space<vmem>>, %arg7: memref<1000x128xf32, #tpu.memory_space<vmem>>) attributes {dimension_semantics = [#tpu.dimension_semantics<arbitrary>], iteration_bounds = array<i64: 10>, scalar_prefetch = 0 : i64, scratch_operands = 0 : i64, tpu.core_type = #tpu.core_type<tc>, window_params = [{transform_indices = @transform_0, window_bounds = array<i64: 1000, 128>}, {transform_indices = @transform_1, window_bounds = array<i64: 1, 1000, 128>}, {transform_indices = @transform_2, window_bounds = array<i64: 1, 1000, 128>}, {transform_indices = @transform_3, window_bounds = array<i64: 1, 1000, 128>}, {transform_indices = @transform_4, window_bounds = array<i64: 1, 1000, 128>}, {pipeline_mode = #tpu.pipeline_mode<synchronous>, transform_indices = @transform_5, window_bounds = array<i64: 128, 128>}, {transform_indices = @transform_6, window_bounds = array<i64: 1000, 128>}]} {
    %get3A = arith.constant 0 : index
    %get3A_0 = arith.constant 0 : index
    %get3A_1 = arith.constant 0 : index
    %get3A_2 = vector.load %arg4[%get3A, %get3A_0, %get3A_1] : memref<1x1000x128xf32, #tpu.memory_space<vmem>>, vector<1x1000x1xf32>
    %get3A_3 = vector.shape_cast %get3A_2 : vector<1x1000x1xf32> to vector<1000x1xf32>
    %get3A_4 = arith.constant 0 : index
    %get3A_5 = arith.constant 0 : index
    %get3A_6 = arith.constant 0 : index
    %get3A_7 = vector.load %arg5[%get3A_4, %get3A_5, %get3A_6] : memref<1x1000x128xf32, #tpu.memory_space<vmem>>, vector<1x1000x1xf32>
    %get3A_8 = vector.shape_cast %get3A_7 : vector<1x1000x1xf32> to vector<1000x1xf32>
    %add3A = arith.addf %get3A_3, %get3A_8 : vector<1000x1xf32>
    %max3A = arith.constant 1.000000e+00 : f32
    %max3A_9 = vector.broadcast %max3A : f32 to vector<1000x1xf32>
    %max3A_10 = arith.maximumf %add3A, %max3A_9 : vector<1000x1xf32>
    %get3A_11 = arith.constant 0 : index
    %get3A_12 = arith.constant 0 : index
    %get3A_13 = arith.constant 0 : index
    %get3A_14 = vector.load %arg2[%get3A_11, %get3A_12, %get3A_13] : memref<1x1000x128xf32, #tpu.memory_space<vmem>>, vector<1x1000x128xf32>
    %get3A_15 = vector.shape_cast %get3A_14 : vector<1x1000x128xf32> to vector<1000x128xf32>
    %get3A_16 = arith.constant 0 : index
    %get3A_17 = arith.constant 0 : index
    %get3A_18 = arith.constant 0 : index
    %get3A_19 = vector.load %arg3[%get3A_16, %get3A_17, %get3A_18] : memref<1x1000x128xf32, #tpu.memory_space<vmem>>, vector<1x1000x128xf32>
    %get3A_20 = vector.shape_cast %get3A_19 : vector<1x1000x128xf32> to vector<1000x128xf32>
    %add3A_21 = arith.addf %get3A_15, %get3A_20 : vector<1000x128xf32>
    %div3A = vector.broadcast %max3A_10 : vector<1000x1xf32> to vector<1000x128xf32>
    %div3A_22 = arith.divf %add3A_21, %div3A : vector<1000x128xf32>
    %get3A_23 = arith.constant 0 : index
    %get3A_24 = arith.constant 0 : index
    %get3A_25 = vector.load %arg1[%get3A_23, %get3A_24] : memref<1000x128xf32, #tpu.memory_space<vmem>>, vector<1000x128xf32>
    %get3A_26 = arith.constant 0 : index
    %get3A_27 = arith.constant 0 : index
    %get3A_28 = vector.load %arg6[%get3A_26, %get3A_27] : memref<128x128xf32, #tpu.memory_space<vmem>>, vector<128x128xf32>
    %dot_general3A = arith.constant dense<0.000000e+00> : vector<1000x128xf32>
    %dot_general3A_29 = tpu.matmul %div3A_22, %get3A_28, %dot_general3A {dimension_numbers = #tpu.dot_dimension_numbers<[1], [0], [0], [1], [0, 0, 1, 1], [], []>, precision = #tpu.contract_precision<fp32>, transpose_lhs_hint = false} : vector<1000x128xf32>, vector<128x128xf32>, vector<1000x128xf32> -> vector<1000x128xf32>
    %add3A_30 = arith.addf %get3A_25, %dot_general3A_29 : vector<1000x128xf32>
    %swap3A = arith.constant 0 : index
    %swap3A_31 = arith.constant 0 : index
    %swap3A_32 = vector.load %arg7[%swap3A, %swap3A_31] : memref<1000x128xf32, #tpu.memory_space<vmem>>, vector<1000x128xf32>
    tpu.vector_store %arg7[%swap3A, %swap3A_31], %add3A_30 {strides = array<i32>} : memref<1000x128xf32, #tpu.memory_space<vmem>>, vector<1000x128xf32>,
    return
  }
  func.func @transform_0(%arg0: i32) -> (i32, i32) {
    %c0_i32 = arith.constant 0 : i32
    %c0_i32_0 = arith.constant 0 : i32
    return %arg0, %c0_i32 : i32, i32
  }
  func.func @transform_1(%arg0: i32) -> (i32, i32, i32) {
    %c0_i32 = arith.constant 0 : i32
    %c0_i32_0 = arith.constant 0 : i32
    %c0_i32_1 = arith.constant 0 : i32
    return %c0_i32, %arg0, %c0_i32_0 : i32, i32, i32
  }
  func.func @transform_2(%arg0: i32) -> (i32, i32, i32) {
    %c1_i32 = arith.constant 1 : i32
    %c0_i32 = arith.constant 0 : i32
    %c0_i32_0 = arith.constant 0 : i32
    return %c1_i32, %arg0, %c0_i32 : i32, i32, i32
  }
  func.func @transform_3(%arg0: i32) -> (i32, i32, i32) {
    %c0_i32 = arith.constant 0 : i32
    %c0_i32_0 = arith.constant 0 : i32
    %c0_i32_1 = arith.constant 0 : i32
    return %c0_i32, %arg0, %c0_i32_0 : i32, i32, i32
  }
  func.func @transform_4(%arg0: i32) -> (i32, i32, i32) {
    %c1_i32 = arith.constant 1 : i32
    %c0_i32 = arith.constant 0 : i32
    %c0_i32_0 = arith.constant 0 : i32
    return %c1_i32, %arg0, %c0_i32 : i32, i32, i32
  }
  func.func @transform_5(%arg0: i32) -> (i32, i32) {
    %c0_i32 = arith.constant 0 : i32
    %c0_i32_0 = arith.constant 0 : i32
    %c0_i32_1 = arith.constant 0 : i32
    return %c0_i32, %c0_i32_0 : i32, i32
  }
  func.func @transform_6(%arg0: i32) -> (i32, i32) {
    %c0_i32 = arith.constant 0 : i32
    %c0_i32_0 = arith.constant 0 : i32
    return %arg0, %c0_i32 : i32, i32
  }
}

module attributes {stable_mosaic.version = 14 : i64} {
  func.func @_rest_body(%arg0: i32, %arg1: memref<1000x128xf32, #tpu.memory_space<vmem>>, %arg2: memref<1x1000x128xf32, #tpu.memory_space<vmem>>, %arg3: memref<1x1000x128xf32, #tpu.memory_space<vmem>>, %arg4: memref<1x1000x128xf32, #tpu.memory_space<vmem>>, %arg5: memref<1x1000x128xf32, #tpu.memory_space<vmem>>, %arg6: memref<128x128xf32, #tpu.memory_space<vmem>>, %arg7: memref<1000x128xf32, #tpu.memory_space<vmem>>) attributes {dimension_semantics = [#tpu.dimension_semantics<arbitrary>], iteration_bounds = array<i64: 10>, scalar_prefetch = 0 : i64, scratch_operands = 0 : i64, tpu.core_type = #tpu.core_type<tc>, window_params = [{transform_indices = @transform_0, window_bounds = array<i64: 1000, 128>}, {transform_indices = @transform_1, window_bounds = array<i64: 1, 1000, 128>}, {transform_indices = @transform_2, window_bounds = array<i64: 1, 1000, 128>}, {transform_indices = @transform_3, window_bounds = array<i64: 1, 1000, 128>}, {transform_indices = @transform_4, window_bounds = array<i64: 1, 1000, 128>}, {pipeline_mode = #tpu.pipeline_mode<synchronous>, transform_indices = @transform_5, window_bounds = array<i64: 128, 128>}, {transform_indices = @transform_6, window_bounds = array<i64: 1000, 128>}]} {
    %get3A = arith.constant 0 : index
    %get3A_0 = arith.constant 0 : index
    %get3A_1 = arith.constant 0 : index
    %get3A_2 = vector.load %arg4[%get3A, %get3A_0, %get3A_1] : memref<1x1000x128xf32, #tpu.memory_space<vmem>>, vector<1x1000x1xf32>
    %get3A_3 = vector.shape_cast %get3A_2 : vector<1x1000x1xf32> to vector<1000x1xf32>
    %get3A_4 = arith.constant 0 : index
    %get3A_5 = arith.constant 0 : index
    %get3A_6 = arith.constant 0 : index
    %get3A_7 = vector.load %arg5[%get3A_4, %get3A_5, %get3A_6] : memref<1x1000x128xf32, #tpu.memory_space<vmem>>, vector<1x1000x1xf32>
    %get3A_8 = vector.shape_cast %get3A_7 : vector<1x1000x1xf32> to vector<1000x1xf32>
    %add3A = arith.addf %get3A_3, %get3A_8 : vector<1000x1xf32>
    %max3A = arith.constant 1.000000e+00 : f32
    %max3A_9 = vector.broadcast %max3A : f32 to vector<1000x1xf32>
    %max3A_10 = arith.maximumf %add3A, %max3A_9 : vector<1000x1xf32>
    %get3A_11 = arith.constant 0 : index
    %get3A_12 = arith.constant 0 : index
    %get3A_13 = arith.constant 0 : index
    %get3A_14 = vector.load %arg2[%get3A_11, %get3A_12, %get3A_13] : memref<1x1000x128xf32, #tpu.memory_space<vmem>>, vector<1x1000x128xf32>
    %get3A_15 = vector.shape_cast %get3A_14 : vector<1x1000x128xf32> to vector<1000x128xf32>
    %get3A_16 = arith.constant 0 : index
    %get3A_17 = arith.constant 0 : index
    %get3A_18 = arith.constant 0 : index
    %get3A_19 = vector.load %arg3[%get3A_16, %get3A_17, %get3A_18] : memref<1x1000x128xf32, #tpu.memory_space<vmem>>, vector<1x1000x128xf32>
    %get3A_20 = vector.shape_cast %get3A_19 : vector<1x1000x128xf32> to vector<1000x128xf32>
    %add3A_21 = arith.addf %get3A_15, %get3A_20 : vector<1000x128xf32>
    %div3A = vector.broadcast %max3A_10 : vector<1000x1xf32> to vector<1000x128xf32>
    %div3A_22 = arith.divf %add3A_21, %div3A : vector<1000x128xf32>
    %get3A_23 = arith.constant 0 : index
    %get3A_24 = arith.constant 0 : index
    %get3A_25 = vector.load %arg1[%get3A_23, %get3A_24] : memref<1000x128xf32, #tpu.memory_space<vmem>>, vector<1000x128xf32>
    %get3A_26 = arith.constant 0 : index
    %get3A_27 = arith.constant 0 : index
    %get3A_28 = vector.load %arg6[%get3A_26, %get3A_27] : memref<128x128xf32, #tpu.memory_space<vmem>>, vector<128x128xf32>
    %dot_general3A = arith.constant dense<0.000000e+00> : vector<1000x128xf32>
    %dot_general3A_29 = tpu.matmul %div3A_22, %get3A_28, %dot_general3A {dimension_numbers = #tpu.dot_dimension_numbers<[1], [0], [0], [1], [0, 0, 1, 1], [], []>, precision = #tpu.contract_precision<fp32>, transpose_lhs_hint = false} : vector<1000x128xf32>, vector<128x128xf32>, vector<1000x128xf32> -> vector<1000x128xf32>
    %add3A_30 = arith.addf %get3A_25, %dot_general3A_29 : vector<1000x128xf32>
    %max3A_31 = arith.constant 0.000000e+00 : f32
    %max3A_32 = vector.broadcast %max3A_31 : f32 to vector<1000x128xf32>
    %max3A_33 = arith.maximumf %add3A_30, %max3A_32 : vector<1000x128xf32>
    %swap3A = arith.constant 0 : index
    %swap3A_34 = arith.constant 0 : index
    %swap3A_35 = vector.load %arg7[%swap3A, %swap3A_34] : memref<1000x128xf32, #tpu.memory_space<vmem>>, vector<1000x128xf32>
    tpu.vector_store %arg7[%swap3A, %swap3A_34], %max3A_33 {strides = array<i32>} : memref<1000x128xf32, #tpu.memory_space<vmem>>, vector<1000x128xf32>,
    return
  }
  func.func @transform_0(%arg0: i32) -> (i32, i32) {
    %c0_i32 = arith.constant 0 : i32
    %c0_i32_0 = arith.constant 0 : i32
    return %arg0, %c0_i32 : i32, i32
  }
  func.func @transform_1(%arg0: i32) -> (i32, i32, i32) {
    %c0_i32 = arith.constant 0 : i32
    %c0_i32_0 = arith.constant 0 : i32
    %c0_i32_1 = arith.constant 0 : i32
    return %c0_i32, %arg0, %c0_i32_0 : i32, i32, i32
  }
  func.func @transform_2(%arg0: i32) -> (i32, i32, i32) {
    %c1_i32 = arith.constant 1 : i32
    %c0_i32 = arith.constant 0 : i32
    %c0_i32_0 = arith.constant 0 : i32
    return %c1_i32, %arg0, %c0_i32 : i32, i32, i32
  }
  func.func @transform_3(%arg0: i32) -> (i32, i32, i32) {
    %c0_i32 = arith.constant 0 : i32
    %c0_i32_0 = arith.constant 0 : i32
    %c0_i32_1 = arith.constant 0 : i32
    return %c0_i32, %arg0, %c0_i32_0 : i32, i32, i32
  }
  func.func @transform_4(%arg0: i32) -> (i32, i32, i32) {
    %c1_i32 = arith.constant 1 : i32
    %c0_i32 = arith.constant 0 : i32
    %c0_i32_0 = arith.constant 0 : i32
    return %c1_i32, %arg0, %c0_i32 : i32, i32, i32
  }
  func.func @transform_5(%arg0: i32) -> (i32, i32) {
    %c0_i32 = arith.constant 0 : i32
    %c0_i32_0 = arith.constant 0 : i32
    %c0_i32_1 = arith.constant 0 : i32
    return %c0_i32, %c0_i32_0 : i32, i32
  }
  func.func @transform_6(%arg0: i32) -> (i32, i32) {
    %c0_i32 = arith.constant 0 : i32
    %c0_i32_0 = arith.constant 0 : i32
    return %arg0, %c0_i32 : i32, i32
  }
}

</mosaic_0001>

<sc_bundles>
// kernel: kernel.11.cloned.1.call-start
scs
__scs_entry_jumppad:
0x0: {  	(pc) =	sbr.rel $0x88, $3  }
0x1: {  	(tag) =	ssettag $0x0;
	lr =	simm.s32 $0x1  }
0x2: {  	[smem:$0x3F99] =	sst lr;
	_ =	strace $0xD0000000  }
0x3: {  	_ = 	snop  }
0x4: {  	_ = 	snop  }
0x5: {  	_ = 	snop  }
0x6: {  	_ = 	snop  }
0x7: {  	_ = 	snop  }
__scs_overlays_trampoline_lowered:
0x8: {  	[smem:$0x3FA8] =	sst s0  }
0x9: {  	[smem:$0x3FA9] =	sst s1  }
0xa: {  	[smem:$0x3FAA] =	sst s2  }
0xb: {  	[smem:$0x3FAB] =	sst s3  }
0xc: {  	[smem:$0x3FAC] =	sst s4  }
0xd: {  	[smem:$0x3FAD] =	sst s5  }
0xe: {  	[smem:$0x3FAE] =	sst s6  }
0xf: {  	[smem:$0x3FAF] =	sst s7  }
0x10: {  	[smem:$0x3FB0] =	sst s8  }
0x11: {  	[smem:$0x3FB1] =	sst s9;
	s0 =	simm.s32 @!p0 $0x0  }
0x12: {  	s1 =	sld [smem:$0x3F97];
	s0 =	simm.s32 @p0 $0x1  }
0x13: {  	[smem:$0x3FB2] =	sst s0;
	s0 =	simm.s32 @!p1 $0x0  }
0x14: {  	s2 =	sld [smem:$0x3F96];
	s0 =	simm.s32 @p1 $0x1  }
0x15: {  	[smem:$0x3FB3] =	sst s0;
	s0 =	simm.s32 @!p2 $0x0  }
0x16: {  	s3 =	sld [smem:$0x3FDB];
	s0 =	simm.s32 @p2 $0x1  }
0x17: {  	s4 =	simm.s32 $0x1BF5;
	[smem:$0x3FB5] =	sst s0  }
0x18: {  	s0 =	sld [smem:$0x3F98];
	_ =	swait.ge [sflag:s4], $0x0  }
0x19: {  	s7 =	sld [smem:$0x3F99]  }
0x1a: {  	s8 =	sadd.s32 $0xFFFFE003, lr  }
0x1b: {  	s9 =	sadd.s32 $0xFFFFFEF7, lr;
	s5 =	simm.s32 $0xFFFFFFFF;
	p2 =	slt.u32 s8, $0xFFFFF086  }
0x1c: {  	p1 =	slt.u32 s9, $0xF7A;
	s5 =	simm.s32 @!p2 $0x0  }
0x1d: {  	s5 =	simm.s32 @p1 $0x1;
	p0 =	seq.s32 s7, s2  }
0x1e: {  	s7 =	smul.u32 @!p0 $0xF7A, s2;
	p2 =	seq.s32 @!p0 s5, $0x0  }
0x1f: {  	s9 =	smul.u32 $0xF7A, s1;
	s8 =	simm.s32 @!p0 $0x1BF5;
	p2 =	por !p2, p0  }
0x20: {  	[sflag:s8] =	ssyncset.s32 @!p0 $0xFFFFF086;
	s6 =	sadd.s32 @!p0 s3, s7;
	s7 =	simm.s32 @!p0 $0x108  }
0x21: {  	s3 =	sadd.s32 s3, s9;
	s6 =	sadd.s32 @!p0 $0x88, s6;
	s7 =	simm.s32 @p2 $0x1082  }
0x22: {  	[simem:s7], [sflag:s8] =	dma.local @!p0 [hbm:s6], $0xF7A  }
0x23: {  	s9 =	sor.u32 $0xD0000000, s2;
	s6 =	simm.s32 $0x108;
	_ =	swait.ge @!p0 [sflag:s8], $0x0  }
0x24: {  	s3 =	sadd.s32 $0x88, s3;
	s6 =	simm.s32 @!p1 $0x1082;
	[sflag:s4] =	ssyncset.s32 $0xFFFFF086  }
0x25: {  	[simem:s6], [sflag:s4] =	dma.local [hbm:s3], $0xF7A  }
0x26: {  	[smem:$0x3F99] =	sst s1;
	(tag) =	ssettag s2;
	_ =	strace s9  }
0x27: {  	s1 =	sld [smem:$0x3FA9]  }
0x28: {  	s2 =	sld [smem:$0x3FAA]  }
0x29: {  	s4 =	sld [smem:$0x3FAC]  }
0x2a: {  	p0 =	seq.s32 s5, $0x0;
	s5 =	sld [smem:$0x3FAD]  }
0x2b: {  	s6 =	sld [smem:$0x3FAE]  }
0x2c: {  	s7 =	sld [smem:$0x3FAF]  }
0x2d: {  	s3 =	simm.s32 $0x108;
	s8 =	sld [smem:$0x3FB0]  }
0x2e: {  	s3 =	simm.s32 @!p0 $0x1082;
	s9 =	sld [smem:$0x3FB1]  }
0x2f: {  	lr =	sadd.s32 s0, s3;
	s0 =	sld [smem:$0x3FA8]  }
0x30: {  	s3 =	sld [smem:$0x3FAB]  }
0x31: {  	[smem:$0x3FB4] =	sst s10  }
0x32: {  	s10 =	sld [smem:$0x3FB2];
	_ =	sdelay $0x3  }
0x33: {  	p0 =	seq.s32 s10, $0x1;
	s10 =	sld [smem:$0x3FB4];
	_ =	sdelay $0x3  }
0x34: {  	[smem:$0x3FB4] =	sst s10  }
0x35: {  	s10 =	sld [smem:$0x3FB3];
	_ =	sdelay $0x3  }
0x36: {  	p1 =	seq.s32 s10, $0x1;
	s10 =	sld [smem:$0x3FB4];
	_ =	sdelay $0x3  }
0x37: {  	[smem:$0x3FB4] =	sst s10  }
0x38: {  	s10 =	sld [smem:$0x3FB5]  }
0x39: {  	_ = 	snop;
	(pc) =	sbr.ind lr, $3  }
0x3a: {  	_ = 	snop  }
0x3b: {  	_ = 	snop  }
0x3c: {  	p2 =	seq.s32 s10, $0x1;
	s10 =	sld [smem:$0x3FB4]  }
0x3d: {  	_ =	shalt  }
0x3e: {  	_ =	shalt  }
0x3f: {  	_ =	shalt  }
0x40: {  	_ =	shalt  }
0x41: {  	_ =	shalt  }
0x42: {  	_ =	shalt  }
0x43: {  	_ =	shalt  }
0x44: {  	_ =	shalt  }
0x45: {  	_ =	shalt  }
0x46: {  	_ =	shalt  }
0x47: {  	_ =	shalt  }
0x48: {  	_ =	shalt  }
0x49: {  	_ =	shalt  }
0x4a: {  	_ =	shalt  }
0x4b: {  	_ =	shalt  }
0x4c: {  	_ =	shalt  }
0x4d: {  	_ =	shalt  }
0x4e: {  	_ =	shalt  }
0x4f: {  	_ =	shalt  }
0x50: {  	_ =	shalt  }
0x51: {  	_ =	shalt  }
0x52: {  	_ =	shalt  }
0x53: {  	_ =	shalt  }
0x54: {  	_ =	shalt  }
0x55: {  	_ =	shalt  }
0x56: {  	_ =	shalt  }
0x57: {  	_ =	shalt  }
0x58: {  	_ =	shalt  }
0x59: {  	_ =	shalt  }
0x5a: {  	_ =	shalt  }
0x5b: {  	_ =	shalt  }
0x5c: {  	_ =	shalt  }
0x5d: {  	_ =	shalt  }
0x5e: {  	_ =	shalt  }
0x5f: {  	_ =	shalt  }
0x60: {  	_ =	shalt  }
0x61: {  	_ =	shalt  }
0x62: {  	_ =	shalt  }
0x63: {  	_ =	shalt  }
0x64: {  	_ =	shalt  }
0x65: {  	_ =	shalt  }
0x66: {  	_ =	shalt  }
0x67: {  	_ =	shalt  }
0x68: {  	_ =	shalt  }
0x69: {  	_ =	shalt  }
0x6a: {  	_ =	shalt  }
0x6b: {  	_ =	shalt  }
0x6c: {  	_ =	shalt  }
0x6d: {  	_ =	shalt  }
0x6e: {  	_ =	shalt  }
0x6f: {  	_ =	shalt  }
0x70: {  	_ =	shalt  }
0x71: {  	_ =	shalt  }
0x72: {  	_ =	shalt  }
0x73: {  	_ =	shalt  }
0x74: {  	_ =	shalt  }
0x75: {  	_ =	shalt  }
0x76: {  	_ =	shalt  }
0x77: {  	_ =	shalt  }
0x78: {  	_ =	shalt  }
0x79: {  	_ =	shalt  }
0x7a: {  	_ =	shalt  }
0x7b: {  	_ =	shalt  }
0x7c: {  	_ =	shalt  }
0x7d: {  	_ =	shalt  }
0x7e: {  	_ =	shalt  }
0x7f: {  	_ =	shalt  }
0x80: {  	_ =	shalt  }
0x81: {  	_ =	shalt  }
0x82: {  	_ =	shalt  }
0x83: {  	_ =	shalt  }
0x84: {  	_ =	shalt  }
0x85: {  	_ =	shalt  }
0x86: {  	_ =	shalt  }
0x87: {  	_ =	shalt  }
.Lfunc_end0:
.L_simem_size_0:
called_computation.1_lowered:
.L_overlay_start_0:
0x88: {  	s2 =	sld [smem:$0x3FD9]  }
0x89: {  	s3 =	sld [smem:$0x3FFE];
	_ =	sdelay $0x1  }
0x8a: {  	s1 =	srdreg.scid  }
0x8b: {  	s0 =	sand.u32 $0x1, s1  }
0x8c: {  	s17 =	sshll.u32 s0, $0xA;
	s2 =	sadd.s32 s3, s2  }
0x8d: {  	s2 =	sadd.s32 s2, s17  }
0x8e: {  	[smem:$0x3FC0] =	sst s2  }
0x8f: {  	_ = 	snop  }
0x90: {  	s2 =	sld [smem:$0x3FC8]  }
0x91: {  	s18 =	sld [smem:$0x3FD0];
	(tm) =	ssettm $0x1  }
0x92: {  	s4 =	sld [smem:$0x3FFB];
	_ =	sdelay $0x3  }
0x93: {  	_ =	strace s4  }
0x94: {  	s4 =	sld [smem:$0x3FFC];
	_ =	sdelay $0x3  }
0x95: {  	_ =	strace s4  }
0x96: {  	s4 =	sld [smem:$0x3FFD];
	_ =	sdelay $0x3  }
0x97: {  	_ =	strace s4  }
0x98: {  	_ =	strace $0x8FFFFFFF  }
0x99: {  	s19 =	sld [smem:$0x3FDB];
	_ =	sdelay $0x1  }
0x9a: {  	s5 =	simm.s32 $_scs_section_size  }
0x9b: {  	s6 =	simm.s32 $_size__tile_overlayer_lowered;
	s7 =	simm.s32 $_tile_overlayer_lowered  }
0x9c: {  	s22 =	simm.s32 $0x1BFF;
	s21 =	sshll.u32 s7, $0x1;
	s4 =	sadd.s32 s5, s19  }
0x9d: {  	s8 =	simm.s32 $0x0;
	s20 =	sshll.u32 s6, $0x1;
	s6 =	sadd.s32 s21, s4  }
0x9e: {  	[timem:s8], [sflag:s22] =	dma.local [hbm:s6], s20  }
0x9f: {  	_ =	swait.ge [sflag:s22], s20  }
0xa0: {  	s5 =	ssub.s32 $0x0, s20;
	[sflag:s22] =	ssyncset.done $0x0  }
0xa1: {  	[sflag:s22] =	ssyncadd.s32 s5;
	_ =	sdelay $0x1  }
0xa2: {  	s23 =	simm.s32 $0x1B8B  }
0xa3: {  	_ =	swait.ge [sflag:s23], $0x1  }
0xa4: {  	[sflag:s23] =	ssyncset.done $0x0  }
0xa5: {  	s25 =	simm.s32 $0x1B8E;
	s24 =	sld [smem:$0x3FFE];
	[sflag:s23] =	ssyncadd.s32 $0xFFFFFFFF  }
0xa6: {  	s26 =	simm.s32 $execute0_lowered;
	[smem:$0x3FD2] =	sst s25  }
0xa7: {  	s6 =	sshll.u32 s26, $0x1;
	_ =	strace $0x80000049;
	[dreg:$0x1] =	wrdreg $0xFFFFFFFF  }
0xa8: {  	s28 =	simm.s32 $_size_execute0_lowered;
	s4 =	sadd.s32 s4, s6;
	[dreg:$0x0] =	wrdreg $0x0  }
0xa9: {  	s6 =	sshll.u32 s28, $0x1;
	[dreg:$0x2] =	wrdreg s4  }
0xaa: {  	[dreg:$0x3] =	wrdreg s6  }
0xab: {  	[dreg:$0x4] =	wrdreg $0xC0  }
0xac: {  	_ =	task [dreg:s8], $0x5FFFF  }
0xad: {  	[dreg:$0x1] =	wrdreg $0xFFFFFFFF  }
0xae: {  	[dreg:$0x0] =	wrdreg $0x60  }
0xaf: {  	[dreg:$0x2] =	wrdreg s18  }
0xb0: {  	[dreg:$0x3] =	wrdreg s2  }
0xb1: {  	[dreg:$0x4] =	wrdreg s24  }
0xb2: {  	[dreg:$0x5] =	wrdreg $0x82000  }
0xb3: {  	[dreg:$0x6] =	wrdreg $0x9  }
0xb4: {  	_ =	task.clear_ibuf [dreg:s8], $0x7FFFF;
	_ =	strace $0x90000049  }
0xb5: {  	s29 =	simm.s32 $0x9;
	_ =	strace $0x8000004B  }
0xb6: {  	_ =	swait.ge [sflag:s29], $0x1  }
0xb7: {  	[sflag:s29] =	ssyncadd.s32 $0xFFFFFFFF  }
0xb8: {  	_ =	strace $0x9000004B  }
0xb9: {  	_ =	sfence  }
0xba: {  	s30 =	sld [smem:$0x0];
	_ =	sdelay $0x2  }
0xbb: {  	s31 =	sshll.u32 s1, $0xD;
	s1 =	sshrl.u32 s1, $0x2  }
0xbc: {  	s3 =	sand.u32 $0x4000, s31;
	s1 =	sadd.s32 s1, s30  }
0xbd: {  	s0 =	sor.u32 s3, s0;
	s1 =	sshll.u32 s1, $0x11  }
0xbe: {  	s0 =	sor.u32 s1, s0  }
0xbf: {  	s0 =	sadd.s32 $0x8F2B, s0  }
0xc0: {  	[sflag:s0] =	ssyncadd.remote.s32 $0x1  }
0xc1: {  	_ =	sfence.sel $0xFFFF  }
0xc2: {  	[dreg:$0x0] =	wrdreg $0xFFFFFFFF;
	(pc) =	sbr.abs _section_cstart, $3  }
0xc3: {  	[dreg:$0x1] =	wrdreg $0xFFFFFFFF  }
0xc4: {  	_ =	task.clear_ibuf [dreg:s8], $0x2FFFF;
	_ =	strace $0x9FFFFFFF  }
0xc5: {  	(tm) =	ssettm $0x7FFFFFFF  }
tec
execute0_lowered:
.L_overlay_start_1:
0x0: {  	(tag) =	ssettag $0x1  }
0x1: {  	s0 =	rddreg [dreg:$0x0]  }
0x2: {  	s14 =	rddreg [dreg:$0x1]  }
0x3: {  	s5 =	rddreg [dreg:$0x2]  }
0x4: {  	s3 =	rddreg [dreg:$0x3]  }
0x5: {  	s1 =	srdreg.scid;
	s2 =	rddreg [dreg:$0x4]  }
0x6: {  	s4 =	simm.s32 $0x0;
	s17 =	simm.s32 $0x3;
	s6 =	sand.u32 $0x1, s1  }
0x7: {  	s18 =	simm.s32 $0x80;
	s1 =	stileid.u32;
	s7 =	smul.u32 $0x140000, s6  }
0x8: {  	s19 =	simm.s32 $0x100;
	s20 =	simm.s32 $0x4200;
	s8 =	smul.u32 $0x14000, s1  }
0x9: {  	s21 =	simm.s32 $0x1;
	s22 =	simm.s32 $0x2;
	s9 =	smul.u32 $0x50000, s1  }
0xa: {  	s23 =	simm.s32 $0x180;
	[smem:$0x7FF] =	sst s4;
	s10 =	smul.u32 $0x4E0, s6  }
0xb: {  	_ =	strace $0x8000004A;
	s26 =	ssub.s32 $0x2, s6;
	s15 =	smul.u32 $0x4E, s1  }
0xc: {  	s28 =	sshll.u32 s6, $0x4;
	s29 =	sshrl.u32 s26, $0x1;
	s7 =	sadd.s32 s8, s7  }
0xd: {  	s13 =	ssub.s32 s26, s29;
	s31 =	sshrl.u32 s9, $0x2;
	s15 =	sadd.s32 s15, s10  }
0xe: {  	s7 =	sshrl.u32 s7, $0x3;
	s6 =	sadd.s32 s31, s3;
	s13 =	smax.u32 s13, $0x1  }
0xf: {  	s12 =	sadd.s32 s7, s5;
	s7 =	sor.u32 s1, s28;
	s5 =	simm.s32 $0x4F  }
0x10: {  	s8 =	sadd.s32 $0x8000, s6;
	s9 =	sadd.s32 $0xC000, s6;
	s10 =	sadd.s32 $0x10000, s6  }
0x11: {  	s30 =	smul.u32 $0x4E, s7;
	s11 =	smin.u32 s7, $0x4;
	p0 =	slt.u32 s7, $0x4  }
0x12: {  	s7 =	sadd.s32 $0x4000, s6;
	s12 =	sadd.s32 $0x2200, s12;
	s15 =	sadd.s32 s11, s15  }
0x13: {  	s5 =	simm.s32 @!p0 $0x4E;
	s16 =	sadd.s32 s11, s30;
	s15 =	sshll.u32 s15, $0x5  }
0x14: {  	s24 =	sand.u32 $0x1, s5;
	s16 =	sshll.u32 s16, $0x5;
	s15 =	sadd.s32 s15, s14  }
0x15: {  	p0 =	seq.s32 s24, $0x0;
	s24 =	simm.s32 $0x0;
	s11 =	sadd.s32 s14, s16  }
0x16: {  	v0 =	vimm.f32 $0.0e+00;
	s14 =	sadd.s32 $0x20, s15;
	s15 =	sadd.s32 $0x40, s15;
	s16 =	simm.s32 $0x200  }
.LBB2_1:
0x17: {  	s25 =	simm.s32 $0x0;
	s26 =	simm.s32 $0x200  }
.LBB2_2:
0x18: {  	p1 =	sne.s32 s26, $0xFE00;
	[tilespmem:s25+$0x270] =	vst v0  }
0x19: {  	[tilespmem:s25+$0x200] =	vst v0  }
0x1a: {  	[tilespmem:s25+$0x210] =	vst v0  }
.Ltmp0:
0x1b: {  	[tilespmem:s25+$0x220] =	vst v0;
	(pc) =	sbr.rel @p1 .LBB2_2-.Ltmp0, $4  }
0x1c: {  	[tilespmem:s25+$0x230] =	vst v0  }
0x1d: {  	[tilespmem:s25+$0x240] =	vst v0  }
0x1e: {  	[tilespmem:s25+$0x250] =	vst v0  }
0x1f: {  	[tilespmem:s25+$0x260] =	vst v0;
	s25 =	sshra.s32 s26, $0x2;
	s26 =	sadd.s32 $0x200, s26  }
0x20: {  	[tilespmem:s25+$0x270] =	vst v0  }
0x21: {  	[tilespmem:s25+$0x200] =	vst v0  }
0x22: {  	[tilespmem:s25+$0x210] =	vst v0  }
0x23: {  	[tilespmem:s25+$0x220] =	vst v0  }
0x24: {  	[tilespmem:s25+$0x230] =	vst v0  }
0x25: {  	[tilespmem:s25+$0x240] =	vst v0  }
0x26: {  	[tilespmem:s25+$0x250] =	vst v0  }
0x27: {  	[tilespmem:s25+$0x260] =	vst v0  }
0x28: {  	[spmem:s6] =	stream.linear.scatter [tilespmem:s16], [sflag:$0x3], $0x4000, $0x38;
	[tilespmem:$0x1C200] =	vst v63  }
0x29: {  	_ =	swait.ge [sflag:s17], $0x4000  }
0x2a: {  	[sflag:s17] =	ssyncset.done $0x0  }
0x2b: {  	[sflag:s17] =	ssyncadd.s32 $0xFFFFC000  }
0x2c: {  	[spmem:s7] =	stream.linear.scatter [tilespmem:s16], [sflag:$0x3], $0x4000, $0x38;
	[tilespmem:$0x1C200] =	vst v63  }
0x2d: {  	_ =	swait.ge [sflag:s17], $0x4000  }
0x2e: {  	[sflag:s17] =	ssyncset.done $0x0  }
0x2f: {  	[sflag:s17] =	ssyncadd.s32 $0xFFFFC000  }
0x30: {  	[spmem:s8] =	stream.linear.scatter [tilespmem:s16], [sflag:$0x3], $0x4000, $0x38;
	[tilespmem:$0x1C200] =	vst v63  }
0x31: {  	_ =	swait.ge [sflag:s17], $0x4000  }
0x32: {  	[sflag:s17] =	ssyncset.done $0x0  }
0x33: {  	[sflag:s17] =	ssyncadd.s32 $0xFFFFC000  }
0x34: {  	[spmem:s9] =	stream.linear.scatter [tilespmem:s16], [sflag:$0x3], $0x4000, $0x38;
	[tilespmem:$0x1C200] =	vst v63  }
0x35: {  	_ =	swait.ge [sflag:s17], $0x4000  }
0x36: {  	[sflag:s17] =	ssyncset.done $0x0  }
0x37: {  	[sflag:s17] =	ssyncadd.s32 $0xFFFFC000  }
0x38: {  	[spmem:s10] =	stream.linear.scatter [tilespmem:s16], [sflag:$0x3], $0x4000, $0x38;
	[tilespmem:$0x1C200] =	vst v63  }
0x39: {  	_ =	swait.ge [sflag:s17], $0x4000  }
0x3a: {  	[sflag:s17] =	ssyncset.done $0x0  }
0x3b: {  	[sflag:s17] =	ssyncadd.s32 $0xFFFFC000  }
0x3c: {  	[bflag:$0x0] =	sbarrier.arrive $0xFFFF  }
0x3d: {  	[tilespmem:s4], [sflag:$0x3] =	stream.linear.gather [hbm4b:s11+s4], $0x100, $0x38;
	[tilespmem:$0x1C200] =	vst v63  }
0x3e: {  	_ =	swait.ge [sflag:s17], $0x100  }
0x3f: {  	[sflag:s17] =	ssyncset.done $0x0  }
0x40: {  	[sflag:s17] =	ssyncadd.s32 $0xFFFFFF00  }
0x41: {  	[tilespmem:s16], [sflag:$0x1] =	stream.indirect.gather [hbm4b:s0+s18], $0x80, s4, s18, $0xb8;
	[tilespmem:$0x1C200] =	vst v63  }
0x42: {  	_ = 	snop  }
0x43: {  	[tilespmem:s19], [sflag:$0x3] =	stream.linear.gather [hbm4b:s14+s4], $0x100, $0x38;
	[tilespmem:$0x1C200] =	vst v63  }
0x44: {  	_ =	swait.ge [sflag:s17], $0x100  }
0x45: {  	[sflag:s17] =	ssyncset.done $0x0  }
0x46: {  	[sflag:s17] =	ssyncadd.s32 $0xFFFFFF00  }
0x47: {  	[tilespmem:s20], [sflag:$0x2] =	stream.indirect.gather [hbm4b:s0+s18], $0x80, s19, s18, $0xb8;
	[tilespmem:$0x1C200] =	vst v63  }
0x48: {  	_ =	swait.ge [sflag:s21], $0x4000  }
0x49: {  	[sflag:s21] =	ssyncset.done $0x0  }
0x4a: {  	[sflag:s21] =	ssyncadd.s32 $0xFFFFC000  }
0x4b: {  	[spmem:s3] =	stream.indirect.scatter.add.f32 [tilespmem:s16], [sflag:$0x3], $0x80, s18, s18, $0xb8;
	[tilespmem:$0x1C200] =	vst v63  }
0x4c: {  	_ =	swait.ge [sflag:s17], $0x4000  }
0x4d: {  	p1 =	sle.u32 s5, $0x2;
	[sflag:s17] =	ssyncset.done $0x0  }
0x4e: {  	s25 =	simm.s32 @!p1 $0x0;
	s26 =	simm.s32 @!p1 $0x3;
	[sflag:s17] =	ssyncadd.s32 $0xFFFFC000  }
0x4f: {  	[tilespmem:s25], [sflag:$0x3] =	stream.linear.gather @!p1 [hbm4b:s15+s25], $0x100, $0x38;
	[tilespmem:$0x1C200] =	vst v63  }
0x50: {  	_ =	swait.ge @!p1 [sflag:s26], $0x100  }
0x51: {  	[sflag:s26] =	ssyncset.done @!p1 $0x0  }
0x52: {  	s28 =	simm.s32 @!p1 $0x200;
	[sflag:s26] =	ssyncadd.s32 @!p1 $0xFFFFFF00;
	s26 =	simm.s32 @!p1 $0x80  }
0x53: {  	[tilespmem:s28], [sflag:$0x1] =	stream.indirect.gather @!p1 [hbm4b:s0+s26], $0x80, s25, s26, $0xb8;
	[tilespmem:$0x1C200] =	vst v63  }
0x54: {  	_ =	swait.ge [sflag:s22], $0x4000  }
0x55: {  	[sflag:s22] =	ssyncset.done $0x0  }
0x56: {  	[sflag:s22] =	ssyncadd.s32 $0xFFFFC000  }
0x57: {  	[spmem:s3] =	stream.indirect.scatter.add.f32 [tilespmem:s20], [sflag:$0x3], $0x80, s23, s18, $0xb8;
	[tilespmem:$0x1C200] =	vst v63  }
0x58: {  	s25 =	simm.s32 $0x4;
	_ =	swait.ge [sflag:s17], $0x4000  }
0x59: {  	s26 =	sadd.s32 $0x40, s15;
	s28 =	smov.u32 s14;
	[sflag:s17] =	ssyncset.done $0x0  }
.LBB2_4:
0x5a: {  	[sflag:s17] =	ssyncadd.s32 $0xFFFFC000  }
0x5b: {  	s28 =	sadd.s32 $0x40, s28;
	s29 =	smov.u32 s25;
	s25 =	sadd.s32 $0x2, s25  }
0x5c: {  	[tilespmem:s19], [sflag:$0x3] =	stream.linear.gather [hbm4b:s28+s4], $0x100, $0x38;
	[tilespmem:$0x1C200] =	vst v63  }
0x5d: {  	p1 =	sne.s32 s25, $0x50;
	_ =	swait.ge [sflag:s17], $0x100  }
0x5e: {  	[sflag:s17] =	ssyncset.done $0x0  }
0x5f: {  	[sflag:s17] =	ssyncadd.s32 $0xFFFFFF00  }
0x60: {  	[tilespmem:s20], [sflag:$0x2] =	stream.indirect.gather [hbm4b:s0+s18], $0x80, s19, s18, $0xb8;
	[tilespmem:$0x1C200] =	vst v63  }
0x61: {  	_ =	swait.ge [sflag:s21], $0x4000  }
0x62: {  	[sflag:s21] =	ssyncset.done $0x0  }
0x63: {  	[sflag:s21] =	ssyncadd.s32 $0xFFFFC000  }
0x64: {  	[spmem:s3] =	stream.indirect.scatter.add.f32 [tilespmem:s16], [sflag:$0x3], $0x80, s18, s18, $0xb8;
	[tilespmem:$0x1C200] =	vst v63  }
0x65: {  	_ =	swait.ge [sflag:s17], $0x4000  }
0x66: {  	p2 =	sge.u32 s29, s5;
	[sflag:s17] =	ssyncset.done $0x0  }
0x67: {  	s29 =	simm.s32 @!p2 $0x0;
	s30 =	simm.s32 @!p2 $0x3;
	[sflag:s17] =	ssyncadd.s32 $0xFFFFC000  }
0x68: {  	[tilespmem:s29], [sflag:$0x3] =	stream.linear.gather @!p2 [hbm4b:s26+s29], $0x100, $0x38;
	[tilespmem:$0x1C200] =	vst v63  }
0x69: {  	_ =	swait.ge @!p2 [sflag:s30], $0x100  }
0x6a: {  	[sflag:s30] =	ssyncset.done @!p2 $0x0  }
0x6b: {  	s31 =	simm.s32 @!p2 $0x200;
	[sflag:s30] =	ssyncadd.s32 @!p2 $0xFFFFFF00;
	s30 =	simm.s32 @!p2 $0x80  }
0x6c: {  	[tilespmem:s31], [sflag:$0x1] =	stream.indirect.gather @!p2 [hbm4b:s0+s30], $0x80, s29, s30, $0xb8;
	[tilespmem:$0x1C200] =	vst v63  }
0x6d: {  	_ =	swait.ge [sflag:s22], $0x4000  }
.Ltmp1:
0x6e: {  	[sflag:s22] =	ssyncset.done $0x0;
	(pc) =	sbr.rel @p1 .LBB2_4-.Ltmp1, $4  }
0x6f: {  	[sflag:s22] =	ssyncadd.s32 $0xFFFFC000  }
0x70: {  	[spmem:s3] =	stream.indirect.scatter.add.f32 [tilespmem:s20], [sflag:$0x3], $0x80, s23, s18, $0xb8;
	[tilespmem:$0x1C200] =	vst v63  }
0x71: {  	_ =	swait.ge [sflag:s17], $0x4000  }
0x72: {  	s26 =	sadd.s32 $0x40, s26;
	[sflag:s17] =	ssyncset.done $0x0  }
0x73: {  	[sflag:s17] =	ssyncadd.s32 $0xFFFFC000;
	s25 =	simm.s32 @!p0 $0x1  }
0x74: {  	_ =	swait.ge @!p0 [sflag:s25], $0x4000  }
0x75: {  	[sflag:s25] =	ssyncset.done @!p0 $0x0  }
0x76: {  	s26 =	simm.s32 @!p0 $0x200;
	[sflag:s25] =	ssyncadd.s32 @!p0 $0xFFFFC000;
	s25 =	simm.s32 @!p0 $0x80  }
0x77: {  	[spmem:s3] =	stream.indirect.scatter.add.f32 @!p0 [tilespmem:s26], [sflag:$0x3], $0x80, s25, s25, $0xb8;
	[tilespmem:$0x1C200] =	vst v63  }
0x78: {  	s25 =	simm.s32 @!p0 $0x3  }
0x79: {  	_ =	swait.ge @!p0 [sflag:s25], $0x4000  }
0x7a: {  	s30 =	sshll.u32 s1, $0x6;
	s24 =	sadd.s32 $0x1, s24;
	[sflag:s25] =	ssyncset.done @!p0 $0x0  }
0x7b: {  	s31 =	sshrl.u32 s6, $0x3;
	p1 =	sne.s32 s24, s13;
	[sflag:s25] =	ssyncadd.s32 @!p0 $0xFFFFC000  }
.Ltmp2:
0x7c: {  	s25 =	sor.u32 $0x1C03, s30;
	[bflag:$0x0] =	sbarrier.arrive $0xFFFF;
	(pc) =	sbr.rel @p1 .LBB2_1-.Ltmp2, $4  }
0x7d: {  	[hbm:s12], [sflag:s25] =	dma.local [spmem:s31], $0x2800  }
0x7e: {  	_ =	swait.ge [sflag:s17], $0x2800  }
0x7f: {  	[sflag:s17] =	ssyncset.done $0x0  }
0x80: {  	[sflag:s17] =	ssyncadd.s32 $0xFFFFD800  }
0x81: {  	_ =	sfence.sel $0x180000  }
0x82: {  	[bflag:$0x0] =	sbarrier.arrive $0xFFFF  }
0x83: {  	p0 =	sne.s32 s1, $0x0;
	_ =	strace $0x9000004A  }
0x84: {  	s0 =	sadd.s32 @!p0 $0x100000, s2;
	[bflag:$0x2] =	sbarrier.arrive $0xFFFF  }
0x85: {  	[sflag:s0] =	ssyncadd.tile.s32 @!p0 $0x1;
	_ =	shalt  }
.Lfunc_end2:
_tile_overlayer_lowered:
.L_overlay_start_2:
0x86: {  	(tag) =	ssettag $0x2  }
0x87: {  	s0 =	rddreg [dreg:$0x0];
	s2 =	stileid.u32  }
0x88: {  	s1 =	rddreg [dreg:$0x1];
	p0 =	sne.s32 s2, $0x0  }
0x89: {  	s3 =	rddreg [dreg:$0x2];
	[bflag:$0x3] =	sbarrier.arrive $0xFFFF;
	s2 =	simm.s32 @!p0 $0x1C03  }
0x8a: {  	[timem:s3], [sflag:s2] =	dma.local @!p0 [hbm:s0], s1  }
0x8b: {  	s0 =	simm.s32 @!p0 $0x3  }
0x8c: {  	_ =	swait.ge @!p0 [sflag:s0], s1  }
0x8d: {  	s1 =	ssub.s32 @!p0 $0x0, s1;
	[sflag:s0] =	ssyncset.done @!p0 $0x0  }
0x8e: {  	[sflag:s0] =	ssyncadd.s32 @!p0 s1  }
0x8f: {  	[bflag:$0x3] =	sbarrier.arrive $0xFFFF  }
0x90: {  	_ =	shalt  }

// kernel: kernel.8.cloned.1.call-start
scs
__scs_entry_jumppad:
0x0: {  	(pc) =	sbr.rel $0x88, $3  }
0x1: {  	(tag) =	ssettag $0x0;
	lr =	simm.s32 $0x1  }
0x2: {  	[smem:$0x3F99] =	sst lr;
	_ =	strace $0xD0000000  }
0x3: {  	_ = 	snop  }
0x4: {  	_ = 	snop  }
0x5: {  	_ = 	snop  }
0x6: {  	_ = 	snop  }
0x7: {  	_ = 	snop  }
__scs_overlays_trampoline_lowered:
0x8: {  	[smem:$0x3FA8] =	sst s0  }
0x9: {  	[smem:$0x3FA9] =	sst s1  }
0xa: {  	[smem:$0x3FAA] =	sst s2  }
0xb: {  	[smem:$0x3FAB] =	sst s3  }
0xc: {  	[smem:$0x3FAC] =	sst s4  }
0xd: {  	[smem:$0x3FAD] =	sst s5  }
0xe: {  	[smem:$0x3FAE] =	sst s6  }
0xf: {  	[smem:$0x3FAF] =	sst s7  }
0x10: {  	[smem:$0x3FB0] =	sst s8  }
0x11: {  	[smem:$0x3FB1] =	sst s9;
	s0 =	simm.s32 @!p0 $0x0  }
0x12: {  	s1 =	sld [smem:$0x3F97];
	s0 =	simm.s32 @p0 $0x1  }
0x13: {  	[smem:$0x3FB2] =	sst s0;
	s0 =	simm.s32 @!p1 $0x0  }
0x14: {  	s2 =	sld [smem:$0x3F96];
	s0 =	simm.s32 @p1 $0x1  }
0x15: {  	[smem:$0x3FB3] =	sst s0;
	s0 =	simm.s32 @!p2 $0x0  }
0x16: {  	s3 =	sld [smem:$0x3FDB];
	s0 =	simm.s32 @p2 $0x1  }
0x17: {  	s4 =	simm.s32 $0x1BF5;
	[smem:$0x3FB5] =	sst s0  }
0x18: {  	s0 =	sld [smem:$0x3F98];
	_ =	swait.ge [sflag:s4], $0x0  }
0x19: {  	s7 =	sld [smem:$0x3F99]  }
0x1a: {  	s8 =	sadd.s32 $0xFFFFE003, lr  }
0x1b: {  	s9 =	sadd.s32 $0xFFFFFEF7, lr;
	s5 =	simm.s32 $0xFFFFFFFF;
	p2 =	slt.u32 s8, $0xFFFFF086  }
0x1c: {  	p1 =	slt.u32 s9, $0xF7A;
	s5 =	simm.s32 @!p2 $0x0  }
0x1d: {  	s5 =	simm.s32 @p1 $0x1;
	p0 =	seq.s32 s7, s2  }
0x1e: {  	s7 =	smul.u32 @!p0 $0xF7A, s2;
	p2 =	seq.s32 @!p0 s5, $0x0  }
0x1f: {  	s9 =	smul.u32 $0xF7A, s1;
	s8 =	simm.s32 @!p0 $0x1BF5;
	p2 =	por !p2, p0  }
0x20: {  	[sflag:s8] =	ssyncset.s32 @!p0 $0xFFFFF086;
	s6 =	sadd.s32 @!p0 s3, s7;
	s7 =	simm.s32 @!p0 $0x108  }
0x21: {  	s3 =	sadd.s32 s3, s9;
	s6 =	sadd.s32 @!p0 $0x88, s6;
	s7 =	simm.s32 @p2 $0x1082  }
0x22: {  	[simem:s7], [sflag:s8] =	dma.local @!p0 [hbm:s6], $0xF7A  }
0x23: {  	s9 =	sor.u32 $0xD0000000, s2;
	s6 =	simm.s32 $0x108;
	_ =	swait.ge @!p0 [sflag:s8], $0x0  }
0x24: {  	s3 =	sadd.s32 $0x88, s3;
	s6 =	simm.s32 @!p1 $0x1082;
	[sflag:s4] =	ssyncset.s32 $0xFFFFF086  }
0x25: {  	[simem:s6], [sflag:s4] =	dma.local [hbm:s3], $0xF7A  }
0x26: {  	[smem:$0x3F99] =	sst s1;
	(tag) =	ssettag s2;
	_ =	strace s9  }
0x27: {  	s1 =	sld [smem:$0x3FA9]  }
0x28: {  	s2 =	sld [smem:$0x3FAA]  }
0x29: {  	s4 =	sld [smem:$0x3FAC]  }
0x2a: {  	p0 =	seq.s32 s5, $0x0;
	s5 =	sld [smem:$0x3FAD]  }
0x2b: {  	s6 =	sld [smem:$0x3FAE]  }
0x2c: {  	s7 =	sld [smem:$0x3FAF]  }
0x2d: {  	s3 =	simm.s32 $0x108;
	s8 =	sld [smem:$0x3FB0]  }
0x2e: {  	s3 =	simm.s32 @!p0 $0x1082;
	s9 =	sld [smem:$0x3FB1]  }
0x2f: {  	lr =	sadd.s32 s0, s3;
	s0 =	sld [smem:$0x3FA8]  }
0x30: {  	s3 =	sld [smem:$0x3FAB]  }
0x31: {  	[smem:$0x3FB4] =	sst s10  }
0x32: {  	s10 =	sld [smem:$0x3FB2];
	_ =	sdelay $0x3  }
0x33: {  	p0 =	seq.s32 s10, $0x1;
	s10 =	sld [smem:$0x3FB4];
	_ =	sdelay $0x3  }
0x34: {  	[smem:$0x3FB4] =	sst s10  }
0x35: {  	s10 =	sld [smem:$0x3FB3];
	_ =	sdelay $0x3  }
0x36: {  	p1 =	seq.s32 s10, $0x1;
	s10 =	sld [smem:$0x3FB4];
	_ =	sdelay $0x3  }
0x37: {  	[smem:$0x3FB4] =	sst s10  }
0x38: {  	s10 =	sld [smem:$0x3FB5]  }
0x39: {  	_ = 	snop;
	(pc) =	sbr.ind lr, $3  }
0x3a: {  	_ = 	snop  }
0x3b: {  	_ = 	snop  }
0x3c: {  	p2 =	seq.s32 s10, $0x1;
	s10 =	sld [smem:$0x3FB4]  }
0x3d: {  	_ =	shalt  }
0x3e: {  	_ =	shalt  }
0x3f: {  	_ =	shalt  }
0x40: {  	_ =	shalt  }
0x41: {  	_ =	shalt  }
0x42: {  	_ =	shalt  }
0x43: {  	_ =	shalt  }
0x44: {  	_ =	shalt  }
0x45: {  	_ =	shalt  }
0x46: {  	_ =	shalt  }
0x47: {  	_ =	shalt  }
0x48: {  	_ =	shalt  }
0x49: {  	_ =	shalt  }
0x4a: {  	_ =	shalt  }
0x4b: {  	_ =	shalt  }
0x4c: {  	_ =	shalt  }
0x4d: {  	_ =	shalt  }
0x4e: {  	_ =	shalt  }
0x4f: {  	_ =	shalt  }
0x50: {  	_ =	shalt  }
0x51: {  	_ =	shalt  }
0x52: {  	_ =	shalt  }
0x53: {  	_ =	shalt  }
0x54: {  	_ =	shalt  }
0x55: {  	_ =	shalt  }
0x56: {  	_ =	shalt  }
0x57: {  	_ =	shalt  }
0x58: {  	_ =	shalt  }
0x59: {  	_ =	shalt  }
0x5a: {  	_ =	shalt  }
0x5b: {  	_ =	shalt  }
0x5c: {  	_ =	shalt  }
0x5d: {  	_ =	shalt  }
0x5e: {  	_ =	shalt  }
0x5f: {  	_ =	shalt  }
0x60: {  	_ =	shalt  }
0x61: {  	_ =	shalt  }
0x62: {  	_ =	shalt  }
0x63: {  	_ =	shalt  }
0x64: {  	_ =	shalt  }
0x65: {  	_ =	shalt  }
0x66: {  	_ =	shalt  }
0x67: {  	_ =	shalt  }
0x68: {  	_ =	shalt  }
0x69: {  	_ =	shalt  }
0x6a: {  	_ =	shalt  }
0x6b: {  	_ =	shalt  }
0x6c: {  	_ =	shalt  }
0x6d: {  	_ =	shalt  }
0x6e: {  	_ =	shalt  }
0x6f: {  	_ =	shalt  }
0x70: {  	_ =	shalt  }
0x71: {  	_ =	shalt  }
0x72: {  	_ =	shalt  }
0x73: {  	_ =	shalt  }
0x74: {  	_ =	shalt  }
0x75: {  	_ =	shalt  }
0x76: {  	_ =	shalt  }
0x77: {  	_ =	shalt  }
0x78: {  	_ =	shalt  }
0x79: {  	_ =	shalt  }
0x7a: {  	_ =	shalt  }
0x7b: {  	_ =	shalt  }
0x7c: {  	_ =	shalt  }
0x7d: {  	_ =	shalt  }
0x7e: {  	_ =	shalt  }
0x7f: {  	_ =	shalt  }
0x80: {  	_ =	shalt  }
0x81: {  	_ =	shalt  }
0x82: {  	_ =	shalt  }
0x83: {  	_ =	shalt  }
0x84: {  	_ =	shalt  }
0x85: {  	_ =	shalt  }
0x86: {  	_ =	shalt  }
0x87: {  	_ =	shalt  }
.Lfunc_end0:
.L_simem_size_0:
called_computation_lowered:
.L_overlay_start_0:
0x88: {  	s2 =	sld [smem:$0x3FD9]  }
0x89: {  	s3 =	sld [smem:$0x3FFE];
	_ =	sdelay $0x1  }
0x8a: {  	s1 =	srdreg.scid  }
0x8b: {  	s0 =	sand.u32 $0x1, s1  }
0x8c: {  	s17 =	sshll.u32 s0, $0xA;
	s2 =	sadd.s32 s3, s2  }
0x8d: {  	s2 =	sadd.s32 s2, s17  }
0x8e: {  	[smem:$0x3FC0] =	sst s2  }
0x8f: {  	_ = 	snop  }
0x90: {  	s2 =	sld [smem:$0x3FC9]  }
0x91: {  	s18 =	sld [smem:$0x3FC8];
	(tm) =	ssettm $0x1  }
0x92: {  	s4 =	sld [smem:$0x3FFB];
	_ =	sdelay $0x3  }
0x93: {  	_ =	strace s4  }
0x94: {  	s4 =	sld [smem:$0x3FFC];
	_ =	sdelay $0x3  }
0x95: {  	_ =	strace s4  }
0x96: {  	s4 =	sld [smem:$0x3FFD];
	_ =	sdelay $0x3  }
0x97: {  	_ =	strace s4  }
0x98: {  	_ =	strace $0x8FFFFFFF  }
0x99: {  	s19 =	sld [smem:$0x3FDB];
	_ =	sdelay $0x1  }
0x9a: {  	s5 =	simm.s32 $_scs_section_size  }
0x9b: {  	s6 =	simm.s32 $_size__tile_overlayer_lowered;
	s7 =	simm.s32 $_tile_overlayer_lowered  }
0x9c: {  	s22 =	simm.s32 $0x1BFF;
	s21 =	sshll.u32 s7, $0x1;
	s4 =	sadd.s32 s5, s19  }
0x9d: {  	s8 =	simm.s32 $0x0;
	s20 =	sshll.u32 s6, $0x1;
	s6 =	sadd.s32 s21, s4  }
0x9e: {  	[timem:s8], [sflag:s22] =	dma.local [hbm:s6], s20  }
0x9f: {  	_ =	swait.ge [sflag:s22], s20  }
0xa0: {  	s5 =	ssub.s32 $0x0, s20;
	[sflag:s22] =	ssyncset.done $0x0  }
0xa1: {  	[sflag:s22] =	ssyncadd.s32 s5;
	_ =	sdelay $0x1  }
0xa2: {  	s23 =	simm.s32 $0x1B8B  }
0xa3: {  	_ =	swait.ge [sflag:s23], $0x1  }
0xa4: {  	[sflag:s23] =	ssyncset.done $0x0  }
0xa5: {  	s25 =	simm.s32 $0x1B8E;
	s24 =	sld [smem:$0x3FFE];
	[sflag:s23] =	ssyncadd.s32 $0xFFFFFFFF  }
0xa6: {  	s26 =	simm.s32 $execute0_lowered;
	[smem:$0x3FD2] =	sst s25  }
0xa7: {  	s6 =	sshll.u32 s26, $0x1;
	_ =	strace $0x80000046;
	[dreg:$0x1] =	wrdreg $0xFFFFFFFF  }
0xa8: {  	s28 =	simm.s32 $_size_execute0_lowered;
	s4 =	sadd.s32 s4, s6;
	[dreg:$0x0] =	wrdreg $0x0  }
0xa9: {  	s6 =	sshll.u32 s28, $0x1;
	[dreg:$0x2] =	wrdreg s4  }
0xaa: {  	[dreg:$0x3] =	wrdreg s6  }
0xab: {  	[dreg:$0x4] =	wrdreg $0xC0  }
0xac: {  	_ =	task [dreg:s8], $0x5FFFF  }
0xad: {  	[dreg:$0x1] =	wrdreg $0xFFFFFFFF  }
0xae: {  	[dreg:$0x0] =	wrdreg $0x60  }
0xaf: {  	[dreg:$0x2] =	wrdreg s2  }
0xb0: {  	[dreg:$0x3] =	wrdreg s18  }
0xb1: {  	[dreg:$0x4] =	wrdreg s24  }
0xb2: {  	[dreg:$0x5] =	wrdreg $0x82000  }
0xb3: {  	[dreg:$0x6] =	wrdreg $0x9  }
0xb4: {  	_ =	task.clear_ibuf [dreg:s8], $0x7FFFF;
	_ =	strace $0x90000046  }
0xb5: {  	s29 =	simm.s32 $0x9;
	_ =	strace $0x80000048  }
0xb6: {  	_ =	swait.ge [sflag:s29], $0x1  }
0xb7: {  	[sflag:s29] =	ssyncadd.s32 $0xFFFFFFFF  }
0xb8: {  	_ =	strace $0x90000048  }
0xb9: {  	_ =	sfence  }
0xba: {  	s30 =	sld [smem:$0x0];
	_ =	sdelay $0x2  }
0xbb: {  	s31 =	sshll.u32 s1, $0xD;
	s1 =	sshrl.u32 s1, $0x2  }
0xbc: {  	s3 =	sand.u32 $0x4000, s31;
	s1 =	sadd.s32 s1, s30  }
0xbd: {  	s0 =	sor.u32 s3, s0;
	s1 =	sshll.u32 s1, $0x11  }
0xbe: {  	s0 =	sor.u32 s1, s0  }
0xbf: {  	s0 =	sadd.s32 $0x8F2B, s0  }
0xc0: {  	[sflag:s0] =	ssyncadd.remote.s32 $0x1  }
0xc1: {  	_ =	sfence.sel $0xFFFF  }
0xc2: {  	[dreg:$0x0] =	wrdreg $0xFFFFFFFF;
	(pc) =	sbr.abs _section_cstart, $3  }
0xc3: {  	[dreg:$0x1] =	wrdreg $0xFFFFFFFF  }
0xc4: {  	_ =	task.clear_ibuf [dreg:s8], $0x2FFFF;
	_ =	strace $0x9FFFFFFF  }
0xc5: {  	(tm) =	ssettm $0x7FFFFFFF  }
tec
execute0_lowered:
.L_overlay_start_1:
0x0: {  	(tag) =	ssettag $0x1  }
0x1: {  	s0 =	rddreg [dreg:$0x0]  }
0x2: {  	s15 =	rddreg [dreg:$0x1]  }
0x3: {  	s5 =	rddreg [dreg:$0x2];
	s1 =	srdreg.scid  }
0x4: {  	s3 =	rddreg [dreg:$0x3];
	s2 =	stileid.u32  }
0x5: {  	s4 =	simm.s32 $0x0;
	s18 =	simm.s32 $0x3;
	s19 =	simm.s32 $0x80  }
0x6: {  	s20 =	simm.s32 $0x100;
	s21 =	simm.s32 $0x4200;
	s8 =	smul.u32 $0x14000, s2  }
0x7: {  	s22 =	simm.s32 $0x1;
	s23 =	simm.s32 $0x2;
	s13 =	smul.u32 $0x50000, s2  }
0x8: {  	s6 =	sand.u32 $0x1, s1;
	[smem:$0x7FF] =	sst s4;
	s29 =	smul.u32 $0x4E, s2  }
0x9: {  	s7 =	smul.u32 $0x140000, s6;
	s9 =	sshll.u32 s6, $0x4;
	_ =	strace $0x80000047  }
0xa: {  	s25 =	ssub.s32 $0x2, s6;
	s28 =	smul.u32 $0x4E0, s6;
	s24 =	sor.u32 s2, s9  }
0xb: {  	s11 =	sshrl.u32 s25, $0x1;
	s26 =	sshrl.u32 s13, $0x2;
	s7 =	sadd.s32 s8, s7  }
0xc: {  	s10 =	smul.u32 $0x4E, s24;
	s12 =	smin.u32 s24, $0x4;
	s16 =	ssub.s32 s25, s11  }
0xd: {  	p0 =	slt.u32 s24, $0x4;
	s6 =	sadd.s32 s26, s3;
	s13 =	sadd.s32 s29, s28  }
0xe: {  	s24 =	simm.s32 $0x180;
	s7 =	sshrl.u32 s7, $0x3;
	s8 =	sadd.s32 $0x8000, s6  }
0xf: {  	s9 =	sadd.s32 $0xC000, s6;
	s13 =	sadd.s32 s12, s13;
	s14 =	sadd.s32 s7, s5  }
0x10: {  	s10 =	sadd.s32 s12, s10;
	s5 =	simm.s32 $0x4F;
	s7 =	sadd.s32 $0x4000, s6  }
0x11: {  	s30 =	sshll.u32 s13, $0x5;
	s5 =	simm.s32 @!p0 $0x4E;
	s17 =	sshll.u32 s10, $0x5  }
0x12: {  	s10 =	sadd.s32 $0x10000, s6;
	s12 =	sadd.s32 $0x2200, s14;
	s13 =	sadd.s32 $0x52200, s14  }
0x13: {  	s14 =	smax.u32 s16, $0x1;
	s31 =	sadd.s32 s30, s15;
	s11 =	sadd.s32 s15, s17  }
0x14: {  	s25 =	sand.u32 $0x1, s5;
	s15 =	sadd.s32 $0x20, s31;
	s16 =	sadd.s32 $0x40, s31  }
0x15: {  	v0 =	vimm.f32 $0.0e+00;
	v1 =	vimm.f32 $1.000000000e+00;
	s17 =	simm.s32 $0x200;
	p0 =	seq.s32 s25, $0x0;
	s25 =	simm.s32 $0x0  }
.LBB2_1:
0x16: {  	s26 =	simm.s32 $0x0;
	s28 =	simm.s32 $0x200  }
.LBB2_2:
0x17: {  	p1 =	sne.s32 s28, $0xFE00;
	[tilespmem:s26+$0x270] =	vst v0  }
0x18: {  	[tilespmem:s26+$0x200] =	vst v0  }
0x19: {  	[tilespmem:s26+$0x210] =	vst v0  }
.Ltmp0:
0x1a: {  	[tilespmem:s26+$0x220] =	vst v0;
	(pc) =	sbr.rel @p1 .LBB2_2-.Ltmp0, $4  }
0x1b: {  	[tilespmem:s26+$0x230] =	vst v0  }
0x1c: {  	[tilespmem:s26+$0x240] =	vst v0  }
0x1d: {  	[tilespmem:s26+$0x250] =	vst v0  }
0x1e: {  	[tilespmem:s26+$0x260] =	vst v0;
	s26 =	sshra.s32 s28, $0x2;
	s28 =	sadd.s32 $0x200, s28  }
0x1f: {  	[tilespmem:s26+$0x270] =	vst v0  }
0x20: {  	[tilespmem:s26+$0x200] =	vst v0  }
0x21: {  	[tilespmem:s26+$0x210] =	vst v0  }
0x22: {  	[tilespmem:s26+$0x220] =	vst v0  }
0x23: {  	[tilespmem:s26+$0x230] =	vst v0  }
0x24: {  	[tilespmem:s26+$0x240] =	vst v0  }
0x25: {  	[tilespmem:s26+$0x250] =	vst v0  }
0x26: {  	[tilespmem:s26+$0x260] =	vst v0  }
0x27: {  	[spmem:s6] =	stream.linear.scatter [tilespmem:s17], [sflag:$0x3], $0x4000, $0x38;
	[tilespmem:$0x1C200] =	vst v63  }
0x28: {  	_ =	swait.ge [sflag:s18], $0x4000  }
0x29: {  	[sflag:s18] =	ssyncset.done $0x0  }
0x2a: {  	[sflag:s18] =	ssyncadd.s32 $0xFFFFC000  }
0x2b: {  	[spmem:s7] =	stream.linear.scatter [tilespmem:s17], [sflag:$0x3], $0x4000, $0x38;
	[tilespmem:$0x1C200] =	vst v63  }
0x2c: {  	_ =	swait.ge [sflag:s18], $0x4000  }
0x2d: {  	[sflag:s18] =	ssyncset.done $0x0  }
0x2e: {  	[sflag:s18] =	ssyncadd.s32 $0xFFFFC000  }
0x2f: {  	[spmem:s8] =	stream.linear.scatter [tilespmem:s17], [sflag:$0x3], $0x4000, $0x38;
	[tilespmem:$0x1C200] =	vst v63  }
0x30: {  	_ =	swait.ge [sflag:s18], $0x4000  }
0x31: {  	[sflag:s18] =	ssyncset.done $0x0  }
0x32: {  	[sflag:s18] =	ssyncadd.s32 $0xFFFFC000  }
0x33: {  	[spmem:s9] =	stream.linear.scatter [tilespmem:s17], [sflag:$0x3], $0x4000, $0x38;
	[tilespmem:$0x1C200] =	vst v63  }
0x34: {  	_ =	swait.ge [sflag:s18], $0x4000  }
0x35: {  	[sflag:s18] =	ssyncset.done $0x0  }
0x36: {  	[sflag:s18] =	ssyncadd.s32 $0xFFFFC000  }
0x37: {  	[spmem:s10] =	stream.linear.scatter [tilespmem:s17], [sflag:$0x3], $0x4000, $0x38;
	[tilespmem:$0x1C200] =	vst v63  }
0x38: {  	_ =	swait.ge [sflag:s18], $0x4000  }
0x39: {  	[sflag:s18] =	ssyncset.done $0x0  }
0x3a: {  	[sflag:s18] =	ssyncadd.s32 $0xFFFFC000  }
0x3b: {  	[bflag:$0x0] =	sbarrier.arrive $0xFFFF  }
0x3c: {  	[tilespmem:s4], [sflag:$0x3] =	stream.linear.gather [hbm4b:s11+s4], $0x100, $0x38;
	[tilespmem:$0x1C200] =	vst v63  }
0x3d: {  	_ =	swait.ge [sflag:s18], $0x100  }
0x3e: {  	[sflag:s18] =	ssyncset.done $0x0  }
0x3f: {  	[sflag:s18] =	ssyncadd.s32 $0xFFFFFF00  }
0x40: {  	[tilespmem:s17], [sflag:$0x1] =	stream.indirect.gather [hbm4b:s0+s19], $0x80, s4, s19, $0xb8;
	[tilespmem:$0x1C200] =	vst v63  }
0x41: {  	_ = 	snop  }
0x42: {  	[tilespmem:s20], [sflag:$0x3] =	stream.linear.gather [hbm4b:s15+s4], $0x100, $0x38;
	[tilespmem:$0x1C200] =	vst v63  }
0x43: {  	_ =	swait.ge [sflag:s18], $0x100  }
0x44: {  	[sflag:s18] =	ssyncset.done $0x0  }
0x45: {  	[sflag:s18] =	ssyncadd.s32 $0xFFFFFF00  }
0x46: {  	[tilespmem:s21], [sflag:$0x2] =	stream.indirect.gather [hbm4b:s0+s19], $0x80, s20, s19, $0xb8;
	[tilespmem:$0x1C200] =	vst v63  }
0x47: {  	_ =	swait.ge [sflag:s22], $0x4000  }
0x48: {  	[sflag:s22] =	ssyncset.done $0x0  }
0x49: {  	[sflag:s22] =	ssyncadd.s32 $0xFFFFC000  }
0x4a: {  	[spmem:s3] =	stream.indirect.scatter.add.f32 [tilespmem:s17], [sflag:$0x3], $0x80, s19, s19, $0xb8;
	[tilespmem:$0x1C200] =	vst v63  }
0x4b: {  	_ =	swait.ge [sflag:s18], $0x4000  }
0x4c: {  	p1 =	sle.u32 s5, $0x2;
	[sflag:s18] =	ssyncset.done $0x0  }
0x4d: {  	s26 =	simm.s32 @!p1 $0x0;
	s28 =	simm.s32 @!p1 $0x3;
	[sflag:s18] =	ssyncadd.s32 $0xFFFFC000  }
0x4e: {  	[tilespmem:s26], [sflag:$0x3] =	stream.linear.gather @!p1 [hbm4b:s16+s26], $0x100, $0x38;
	[tilespmem:$0x1C200] =	vst v63  }
0x4f: {  	_ =	swait.ge @!p1 [sflag:s28], $0x100  }
0x50: {  	[sflag:s28] =	ssyncset.done @!p1 $0x0  }
0x51: {  	s29 =	simm.s32 @!p1 $0x200;
	[sflag:s28] =	ssyncadd.s32 @!p1 $0xFFFFFF00;
	s28 =	simm.s32 @!p1 $0x80  }
0x52: {  	[tilespmem:s29], [sflag:$0x1] =	stream.indirect.gather @!p1 [hbm4b:s0+s28], $0x80, s26, s28, $0xb8;
	[tilespmem:$0x1C200] =	vst v63  }
0x53: {  	_ =	swait.ge [sflag:s23], $0x4000  }
0x54: {  	[sflag:s23] =	ssyncset.done $0x0  }
0x55: {  	[sflag:s23] =	ssyncadd.s32 $0xFFFFC000  }
0x56: {  	[spmem:s3] =	stream.indirect.scatter.add.f32 [tilespmem:s21], [sflag:$0x3], $0x80, s24, s19, $0xb8;
	[tilespmem:$0x1C200] =	vst v63  }
0x57: {  	s26 =	simm.s32 $0x4;
	_ =	swait.ge [sflag:s18], $0x4000  }
0x58: {  	s28 =	sadd.s32 $0x40, s16;
	s29 =	smov.u32 s15;
	[sflag:s18] =	ssyncset.done $0x0  }
.LBB2_4:
0x59: {  	[sflag:s18] =	ssyncadd.s32 $0xFFFFC000  }
0x5a: {  	s29 =	sadd.s32 $0x40, s29;
	s30 =	smov.u32 s26;
	s26 =	sadd.s32 $0x2, s26  }
0x5b: {  	[tilespmem:s20], [sflag:$0x3] =	stream.linear.gather [hbm4b:s29+s4], $0x100, $0x38;
	[tilespmem:$0x1C200] =	vst v63  }
0x5c: {  	p1 =	sne.s32 s26, $0x50;
	_ =	swait.ge [sflag:s18], $0x100  }
0x5d: {  	[sflag:s18] =	ssyncset.done $0x0  }
0x5e: {  	[sflag:s18] =	ssyncadd.s32 $0xFFFFFF00  }
0x5f: {  	[tilespmem:s21], [sflag:$0x2] =	stream.indirect.gather [hbm4b:s0+s19], $0x80, s20, s19, $0xb8;
	[tilespmem:$0x1C200] =	vst v63  }
0x60: {  	_ =	swait.ge [sflag:s22], $0x4000  }
0x61: {  	[sflag:s22] =	ssyncset.done $0x0  }
0x62: {  	[sflag:s22] =	ssyncadd.s32 $0xFFFFC000  }
0x63: {  	[spmem:s3] =	stream.indirect.scatter.add.f32 [tilespmem:s17], [sflag:$0x3], $0x80, s19, s19, $0xb8;
	[tilespmem:$0x1C200] =	vst v63  }
0x64: {  	_ =	swait.ge [sflag:s18], $0x4000  }
0x65: {  	p2 =	sge.u32 s30, s5;
	[sflag:s18] =	ssyncset.done $0x0  }
0x66: {  	s30 =	simm.s32 @!p2 $0x0;
	s31 =	simm.s32 @!p2 $0x3;
	[sflag:s18] =	ssyncadd.s32 $0xFFFFC000  }
0x67: {  	[tilespmem:s30], [sflag:$0x3] =	stream.linear.gather @!p2 [hbm4b:s28+s30], $0x100, $0x38;
	[tilespmem:$0x1C200] =	vst v63  }
0x68: {  	_ =	swait.ge @!p2 [sflag:s31], $0x100  }
0x69: {  	[sflag:s31] =	ssyncset.done @!p2 $0x0  }
0x6a: {  	s1 =	simm.s32 @!p2 $0x200;
	[sflag:s31] =	ssyncadd.s32 @!p2 $0xFFFFFF00;
	s31 =	simm.s32 @!p2 $0x80  }
0x6b: {  	[tilespmem:s1], [sflag:$0x1] =	stream.indirect.gather @!p2 [hbm4b:s0+s31], $0x80, s30, s31, $0xb8;
	[tilespmem:$0x1C200] =	vst v63  }
0x6c: {  	_ =	swait.ge [sflag:s23], $0x4000  }
.Ltmp1:
0x6d: {  	[sflag:s23] =	ssyncset.done $0x0;
	(pc) =	sbr.rel @p1 .LBB2_4-.Ltmp1, $4  }
0x6e: {  	[sflag:s23] =	ssyncadd.s32 $0xFFFFC000  }
0x6f: {  	[spmem:s3] =	stream.indirect.scatter.add.f32 [tilespmem:s21], [sflag:$0x3], $0x80, s24, s19, $0xb8;
	[tilespmem:$0x1C200] =	vst v63  }
0x70: {  	_ =	swait.ge [sflag:s18], $0x4000  }
0x71: {  	s28 =	sadd.s32 $0x40, s28;
	[sflag:s18] =	ssyncset.done $0x0  }
0x72: {  	[sflag:s18] =	ssyncadd.s32 $0xFFFFC000;
	s1 =	simm.s32 @!p0 $0x1  }
0x73: {  	_ =	swait.ge @!p0 [sflag:s1], $0x4000  }
0x74: {  	[sflag:s1] =	ssyncset.done @!p0 $0x0  }
0x75: {  	s26 =	simm.s32 @!p0 $0x200;
	[sflag:s1] =	ssyncadd.s32 @!p0 $0xFFFFC000;
	s1 =	simm.s32 @!p0 $0x80  }
0x76: {  	[spmem:s3] =	stream.indirect.scatter.add.f32 @!p0 [tilespmem:s26], [sflag:$0x3], $0x80, s1, s1, $0xb8;
	[tilespmem:$0x1C200] =	vst v63  }
0x77: {  	s1 =	simm.s32 @!p0 $0x3  }
0x78: {  	_ =	swait.ge @!p0 [sflag:s1], $0x4000  }
0x79: {  	[sflag:s1] =	ssyncset.done @!p0 $0x0  }
0x7a: {  	s31 =	sshll.u32 s2, $0x6;
	[sflag:s1] =	ssyncadd.s32 @!p0 $0xFFFFC000  }
0x7b: {  	s28 =	sshrl.u32 s6, $0x3;
	s26 =	sor.u32 $0x1C03, s31;
	[bflag:$0x0] =	sbarrier.arrive $0xFFFF  }
0x7c: {  	[hbm:s12], [sflag:s26] =	dma.local [spmem:s28], $0x2800  }
0x7d: {  	_ =	swait.ge [sflag:s18], $0x2800  }
0x7e: {  	[sflag:s18] =	ssyncset.done $0x0  }
0x7f: {  	s29 =	simm.s32 $0x0;
	s30 =	simm.s32 $0x200;
	[sflag:s18] =	ssyncadd.s32 $0xFFFFD800  }
.LBB2_6:
0x80: {  	p1 =	sne.s32 s30, $0xFE00;
	[tilespmem:s29+$0x4270] =	vst v0  }
0x81: {  	[tilespmem:s29+$0x4200] =	vst v0  }
0x82: {  	[tilespmem:s29+$0x4210] =	vst v0  }
.Ltmp2:
0x83: {  	[tilespmem:s29+$0x4220] =	vst v0;
	(pc) =	sbr.rel @p1 .LBB2_6-.Ltmp2, $4  }
0x84: {  	[tilespmem:s29+$0x4230] =	vst v0  }
0x85: {  	[tilespmem:s29+$0x4240] =	vst v0  }
0x86: {  	[tilespmem:s29+$0x4250] =	vst v0  }
0x87: {  	[tilespmem:s29+$0x4260] =	vst v0;
	s29 =	sshra.s32 s30, $0x2;
	s30 =	sadd.s32 $0x200, s30  }
0x88: {  	[tilespmem:s29+$0x4270] =	vst v0  }
0x89: {  	[tilespmem:s29+$0x4200] =	vst v0  }
0x8a: {  	[tilespmem:s29+$0x4210] =	vst v0  }
0x8b: {  	[tilespmem:s29+$0x4220] =	vst v0  }
0x8c: {  	[tilespmem:s29+$0x4230] =	vst v0  }
0x8d: {  	[tilespmem:s29+$0x4240] =	vst v0  }
0x8e: {  	[tilespmem:s29+$0x4250] =	vst v0  }
0x8f: {  	[tilespmem:s29+$0x4260] =	vst v0  }
0x90: {  	[spmem:s6] =	stream.linear.scatter [tilespmem:s21], [sflag:$0x3], $0x4000, $0x38;
	[tilespmem:$0x1C200] =	vst v63  }
0x91: {  	_ =	swait.ge [sflag:s18], $0x4000  }
0x92: {  	[sflag:s18] =	ssyncset.done $0x0  }
0x93: {  	[sflag:s18] =	ssyncadd.s32 $0xFFFFC000  }
0x94: {  	[spmem:s7] =	stream.linear.scatter [tilespmem:s21], [sflag:$0x3], $0x4000, $0x38;
	[tilespmem:$0x1C200] =	vst v63  }
0x95: {  	_ =	swait.ge [sflag:s18], $0x4000  }
0x96: {  	[sflag:s18] =	ssyncset.done $0x0  }
0x97: {  	[sflag:s18] =	ssyncadd.s32 $0xFFFFC000  }
0x98: {  	[spmem:s8] =	stream.linear.scatter [tilespmem:s21], [sflag:$0x3], $0x4000, $0x38;
	[tilespmem:$0x1C200] =	vst v63  }
0x99: {  	_ =	swait.ge [sflag:s18], $0x4000  }
0x9a: {  	[sflag:s18] =	ssyncset.done $0x0  }
0x9b: {  	[sflag:s18] =	ssyncadd.s32 $0xFFFFC000  }
0x9c: {  	[spmem:s9] =	stream.linear.scatter [tilespmem:s21], [sflag:$0x3], $0x4000, $0x38;
	[tilespmem:$0x1C200] =	vst v63  }
0x9d: {  	_ =	swait.ge [sflag:s18], $0x4000  }
0x9e: {  	[sflag:s18] =	ssyncset.done $0x0  }
0x9f: {  	[sflag:s18] =	ssyncadd.s32 $0xFFFFC000  }
0xa0: {  	[spmem:s10] =	stream.linear.scatter [tilespmem:s21], [sflag:$0x3], $0x4000, $0x38;
	[tilespmem:$0x1C200] =	vst v63  }
0xa1: {  	_ =	swait.ge [sflag:s18], $0x4000  }
0xa2: {  	[sflag:s18] =	ssyncset.done $0x0  }
0xa3: {  	s29 =	simm.s32 $0x0;
	s30 =	simm.s32 $0x200;
	[sflag:s18] =	ssyncadd.s32 $0xFFFFC000  }
.LBB2_8:
0xa4: {  	p1 =	sne.s32 s30, $0xFE00;
	[tilespmem:s29+$0x270] =	vst v1  }
0xa5: {  	[tilespmem:s29+$0x200] =	vst v1  }
0xa6: {  	[tilespmem:s29+$0x210] =	vst v1  }
.Ltmp3:
0xa7: {  	[tilespmem:s29+$0x220] =	vst v1;
	(pc) =	sbr.rel @p1 .LBB2_8-.Ltmp3, $4  }
0xa8: {  	[tilespmem:s29+$0x230] =	vst v1  }
0xa9: {  	[tilespmem:s29+$0x240] =	vst v1  }
0xaa: {  	[tilespmem:s29+$0x250] =	vst v1  }
0xab: {  	[tilespmem:s29+$0x260] =	vst v1;
	s29 =	sshra.s32 s30, $0x2;
	s30 =	sadd.s32 $0x200, s30  }
0xac: {  	[tilespmem:s29+$0x270] =	vst v1  }
0xad: {  	[tilespmem:s29+$0x200] =	vst v1  }
0xae: {  	[tilespmem:s29+$0x210] =	vst v1  }
0xaf: {  	[tilespmem:s29+$0x220] =	vst v1  }
0xb0: {  	[tilespmem:s29+$0x230] =	vst v1  }
0xb1: {  	[tilespmem:s29+$0x240] =	vst v1  }
0xb2: {  	[tilespmem:s29+$0x250] =	vst v1  }
0xb3: {  	[tilespmem:s29+$0x260] =	vst v1  }
0xb4: {  	[tilespmem:s4], [sflag:$0x1] =	stream.linear.gather [hbm4b:s11+s4], $0x100, $0x38;
	[tilespmem:$0x1C200] =	vst v63  }
0xb5: {  	[bflag:$0x0] =	sbarrier.arrive $0xFFFF  }
0xb6: {  	[tilespmem:s20], [sflag:$0x2] =	stream.linear.gather [hbm4b:s15+s4], $0x100, $0x38;
	[tilespmem:$0x1C200] =	vst v63  }
0xb7: {  	_ =	swait.ge [sflag:s22], $0x100  }
0xb8: {  	[sflag:s22] =	ssyncset.done $0x0  }
0xb9: {  	[sflag:s22] =	ssyncadd.s32 $0xFFFFFF00  }
0xba: {  	[spmem:s3] =	stream.indirect.scatter.add.f32 [tilespmem:s17], [sflag:$0x3], $0x80, s19, s19, $0xb8;
	[tilespmem:$0x1C200] =	vst v63  }
0xbb: {  	_ =	swait.ge [sflag:s18], $0x4000  }
0xbc: {  	p1 =	sle.u32 s5, $0x2;
	[sflag:s18] =	ssyncset.done $0x0  }
0xbd: {  	s1 =	simm.s32 @!p1 $0x0;
	[sflag:s18] =	ssyncadd.s32 $0xFFFFC000  }
0xbe: {  	[tilespmem:s1], [sflag:$0x1] =	stream.linear.gather @!p1 [hbm4b:s16+s1], $0x100, $0x38;
	[tilespmem:$0x1C200] =	vst v63  }
0xbf: {  	_ =	swait.ge [sflag:s23], $0x100  }
0xc0: {  	[sflag:s23] =	ssyncset.done $0x0  }
0xc1: {  	[sflag:s23] =	ssyncadd.s32 $0xFFFFFF00  }
0xc2: {  	[spmem:s3] =	stream.indirect.scatter.add.f32 [tilespmem:s17], [sflag:$0x3], $0x80, s24, s19, $0xb8;
	[tilespmem:$0x1C200] =	vst v63  }
0xc3: {  	s29 =	simm.s32 $0x4;
	_ =	swait.ge [sflag:s18], $0x4000  }
0xc4: {  	s30 =	sadd.s32 $0x40, s16;
	s31 =	smov.u32 s15;
	[sflag:s18] =	ssyncset.done $0x0  }
.LBB2_10:
0xc5: {  	[sflag:s18] =	ssyncadd.s32 $0xFFFFC000  }
0xc6: {  	s31 =	sadd.s32 $0x40, s31;
	s1 =	smov.u32 s29;
	s29 =	sadd.s32 $0x2, s29  }
0xc7: {  	[tilespmem:s20], [sflag:$0x2] =	stream.linear.gather [hbm4b:s31+s4], $0x100, $0x38;
	[tilespmem:$0x1C200] =	vst v63  }
0xc8: {  	p1 =	sne.s32 s29, $0x50;
	_ =	swait.ge [sflag:s22], $0x100  }
0xc9: {  	[sflag:s22] =	ssyncset.done $0x0  }
0xca: {  	[sflag:s22] =	ssyncadd.s32 $0xFFFFFF00  }
0xcb: {  	[spmem:s3] =	stream.indirect.scatter.add.f32 [tilespmem:s17], [sflag:$0x3], $0x80, s19, s19, $0xb8;
	[tilespmem:$0x1C200] =	vst v63  }
0xcc: {  	_ =	swait.ge [sflag:s18], $0x4000  }
0xcd: {  	p2 =	sge.u32 s1, s5;
	[sflag:s18] =	ssyncset.done $0x0  }
0xce: {  	s1 =	simm.s32 @!p2 $0x0;
	[sflag:s18] =	ssyncadd.s32 $0xFFFFC000  }
0xcf: {  	[tilespmem:s1], [sflag:$0x1] =	stream.linear.gather @!p2 [hbm4b:s30+s1], $0x100, $0x38;
	[tilespmem:$0x1C200] =	vst v63  }
0xd0: {  	_ =	swait.ge [sflag:s23], $0x100  }
.Ltmp4:
0xd1: {  	[sflag:s23] =	ssyncset.done $0x0;
	(pc) =	sbr.rel @p1 .LBB2_10-.Ltmp4, $4  }
0xd2: {  	[sflag:s23] =	ssyncadd.s32 $0xFFFFFF00  }
0xd3: {  	[spmem:s3] =	stream.indirect.scatter.add.f32 [tilespmem:s17], [sflag:$0x3], $0x80, s24, s19, $0xb8;
	[tilespmem:$0x1C200] =	vst v63  }
0xd4: {  	_ =	swait.ge [sflag:s18], $0x4000  }
0xd5: {  	s30 =	sadd.s32 $0x40, s30;
	[sflag:s18] =	ssyncset.done $0x0  }
0xd6: {  	[sflag:s18] =	ssyncadd.s32 $0xFFFFC000;
	s1 =	simm.s32 @!p0 $0x1  }
0xd7: {  	_ =	swait.ge @!p0 [sflag:s1], $0x100  }
0xd8: {  	[sflag:s1] =	ssyncset.done @!p0 $0x0  }
0xd9: {  	s29 =	simm.s32 @!p0 $0x200;
	[sflag:s1] =	ssyncadd.s32 @!p0 $0xFFFFFF00;
	s1 =	simm.s32 @!p0 $0x80  }
0xda: {  	[spmem:s3] =	stream.indirect.scatter.add.f32 @!p0 [tilespmem:s29], [sflag:$0x3], $0x80, s1, s1, $0xb8;
	[tilespmem:$0x1C200] =	vst v63  }
0xdb: {  	s1 =	simm.s32 @!p0 $0x3  }
0xdc: {  	_ =	swait.ge @!p0 [sflag:s1], $0x4000  }
0xdd: {  	s25 =	sadd.s32 $0x1, s25;
	[sflag:s1] =	ssyncset.done @!p0 $0x0  }
0xde: {  	p1 =	sne.s32 s25, s14;
	[sflag:s1] =	ssyncadd.s32 @!p0 $0xFFFFC000  }
.Ltmp5:
0xdf: {  	[bflag:$0x0] =	sbarrier.arrive $0xFFFF;
	(pc) =	sbr.rel @p1 .LBB2_1-.Ltmp5, $4  }
0xe0: {  	[hbm:s13], [sflag:s26] =	dma.local [spmem:s28], $0x2800  }
0xe1: {  	_ =	swait.ge [sflag:s18], $0x2800  }
0xe2: {  	[sflag:s18] =	ssyncset.done $0x0  }
0xe3: {  	[sflag:s18] =	ssyncadd.s32 $0xFFFFD800  }
0xe4: {  	_ =	sfence.sel $0x180000  }
0xe5: {  	[bflag:$0x0] =	sbarrier.arrive $0xFFFF  }
0xe6: {  	_ =	strace $0x90000047  }
0xe7: {  	[bflag:$0x2] =	sbarrier.arrive $0xFFFF  }
0xe8: {  	p0 =	sne.s32 s2, $0x0;
	s0 =	rddreg [dreg:$0x4]  }
0xe9: {  	s0 =	sadd.s32 @!p0 $0x100000, s0  }
0xea: {  	[sflag:s0] =	ssyncadd.tile.s32 @!p0 $0x1;
	_ =	shalt  }
.Lfunc_end2:
_tile_overlayer_lowered:
.L_overlay_start_2:
0xeb: {  	(tag) =	ssettag $0x2  }
0xec: {  	s0 =	rddreg [dreg:$0x0];
	s2 =	stileid.u32  }
0xed: {  	s1 =	rddreg [dreg:$0x1];
	p0 =	sne.s32 s2, $0x0  }
0xee: {  	s3 =	rddreg [dreg:$0x2];
	[bflag:$0x3] =	sbarrier.arrive $0xFFFF;
	s2 =	simm.s32 @!p0 $0x1C03  }
0xef: {  	[timem:s3], [sflag:s2] =	dma.local @!p0 [hbm:s0], s1  }
0xf0: {  	s0 =	simm.s32 @!p0 $0x3  }
0xf1: {  	_ =	swait.ge @!p0 [sflag:s0], s1  }
0xf2: {  	s1 =	ssub.s32 @!p0 $0x0, s1;
	[sflag:s0] =	ssyncset.done @!p0 $0x0  }
0xf3: {  	[sflag:s0] =	ssyncadd.s32 @!p0 s1  }
0xf4: {  	[bflag:$0x3] =	sbarrier.arrive $0xFFFF  }
0xf5: {  	_ =	shalt  }

</sc_bundles>
